<compile_context>
chip_gen: v7x
topology: tpu7x:2x2x1
jax: 0.10.2.dev20260603
libtpu: 0.0.44.dev20260713+nightly
codegen_flags: <defaults>
</compile_context>

<pallas_src>
import functools

import jax
import jax.numpy as jnp
from jax import lax
from jax.experimental import pallas as pl
from jax.experimental.pallas import tpu as pltpu
from jax.experimental.pallas import tpu_sc as plsc

NBINS = 64
NC = 2
NS = 16
L = 16
NW = NC * NS


def _mm_body(c_ref, p_ref, a_ref, mm_ref, sc_ref):
    i = pl.program_id(0)
    a = lax.dot_general(
        c_ref[...], p_ref[...], (((1,), (1,)), ((), ())),
        preferred_element_type=jnp.float32)
    a_ref[...] = a
    bmin = jnp.min(a)
    bmax = jnp.max(a)

    @pl.when(i == 0)
    def _():
        sc_ref[0] = bmin
        sc_ref[1] = bmax

    @pl.when(i > 0)
    def _():
        sc_ref[0] = jnp.minimum(sc_ref[0], bmin)
        sc_ref[1] = jnp.maximum(sc_ref[1], bmax)

    mm_ref[0:1, :] = jnp.full((1, L), sc_ref[0], jnp.float32)
    mm_ref[1:2, :] = jnp.full((1, L), sc_ref[1], jnp.float32)


def _make_sc_hist(n):
    rows_per_w = n // NW
    ch_rows = min(2, rows_per_w)
    nch = rows_per_w // ch_rows
    mesh = plsc.VectorSubcoreMesh(core_axis_name="c", subcore_axis_name="s")

    @functools.partial(
        pl.kernel,
        mesh=mesh,
        compiler_params=pltpu.CompilerParams(needs_layout_passes=False),
        out_type=jax.ShapeDtypeStruct((NW, NBINS + 1, L), jnp.float32),
        scratch_types=[
            pltpu.VMEM((ch_rows, n), jnp.float32),
            pltpu.VMEM((ch_rows, n), jnp.float32),
            pltpu.VMEM((2, L), jnp.float32),
            pltpu.VMEM((NBINS + 1, L), jnp.float32),
            pltpu.VMEM((NBINS + 1, L), jnp.float32),
            pltpu.SemaphoreType.DMA,
            pltpu.SemaphoreType.DMA,
        ],
    )
    def sc_hist(a_hbm, mm_hbm, part_hbm, buf0, buf1, mmv, table, table2,
                sem0, sem1):
        wid = lax.axis_index("s") * NC + lax.axis_index("c")
        row0 = wid * rows_per_w

        pltpu.sync_copy(mm_hbm, mmv)
        vmin = mmv[0, :]
        vmax = mmv[1, :]
        interval = (vmax - vmin) * jnp.float32(1.0 / NBINS)
        inv = jnp.where(interval > 0, 1.0 / interval,
                        jnp.zeros_like(interval))
        e_top = vmin + jnp.float32(NBINS) * interval

        lane = lax.iota(jnp.int32, L)
        ones = jnp.ones((L,), jnp.float32)
        zeros16 = jnp.zeros((L,), jnp.float32)
        for r in range(NBINS + 1):
            table[r, :] = zeros16
            table2[r, :] = zeros16

        def start(c, buf, sem):
            pltpu.async_copy(
                a_hbm.at[pl.ds(row0 + c * ch_rows, ch_rows), :], buf, sem)

        def wait(buf, sem):
            pltpu.make_async_copy(
                a_hbm.at[pl.ds(0, ch_rows), :], buf, sem).wait()

        def process(buf):
            for r in range(ch_rows):
                @plsc.parallel_loop(0, n // L, step=2, unroll=4)
                def _(j):
                    v0 = buf[r, pl.ds(j * L, L)]
                    v1 = buf[r, pl.ds(j * L + L, L)]
                    t0 = (v0 - vmin) * inv
                    t1 = (v1 - vmin) * inv
                    k0 = t0.astype(jnp.int32)
                    k1 = t1.astype(jnp.int32)
                    plsc.addupdate_scatter(table, [k0, lane], ones,
                                           mask=v0 <= e_top)
                    plsc.addupdate_scatter(table2, [k1, lane], ones,
                                           mask=v1 <= e_top)

        start(0, buf0, sem0)
        if nch > 1:
            start(1, buf1, sem1)

        def pair(cc, carry):
            c = cc * 2
            wait(buf0, sem0)
            process(buf0)

            @pl.when(c + 2 < nch)
            def _():
                start(c + 2, buf0, sem0)

            wait(buf1, sem1)
            process(buf1)

            @pl.when(c + 3 < nch)
            def _():
                start(c + 3, buf1, sem1)

            return carry

        lax.fori_loop(0, nch // 2, pair, 0)

        for r in range(NBINS + 1):
            table[r, :] = table[r, :] + table2[r, :]
        pltpu.sync_copy(table, part_hbm.at[wid])

    return sc_hist


def _fin_body(part_ref, w_ref, mm_ref, out_ref, *, n):
    p3 = part_ref[...]
    s2 = jnp.sum(p3, axis=0)
    counts65 = jnp.sum(s2, axis=1)
    last = lax.iota(jnp.int32, NBINS) == (NBINS - 1)
    counts = counts65[:NBINS] + jnp.where(last, counts65[NBINS], 0.0)
    vmin = mm_ref[0, 0]
    vmax = mm_ref[1, 0]
    degenerate = (vmax - vmin) <= 0
    total = jnp.float32(n) * jnp.float32(n)
    counts = jnp.where(degenerate, jnp.where(last, total, 0.0), counts)
    hist = jax.nn.sigmoid(counts)
    beta = jnp.sum(hist * w_ref[0, :])
    out_ref[...] = jax.nn.sigmoid(beta).reshape(1, 1)


def kernel(current_feature, previous_feature, W):
    n, d = current_feature.shape
    br = min(512, n)
    nb = n // br

    A, mm = pl.pallas_call(
        _mm_body,
        grid=(nb,),
        in_specs=[
            pl.BlockSpec((br, d), lambda i: (i, 0)),
            pl.BlockSpec((n, d), lambda i: (0, 0)),
        ],
        out_specs=[
            pl.BlockSpec((br, n), lambda i: (i, 0)),
            pl.BlockSpec((2, L), lambda i: (0, 0)),
        ],
        out_shape=[
            jax.ShapeDtypeStruct((n, n), jnp.float32),
            jax.ShapeDtypeStruct((2, L), jnp.float32),
        ],
        scratch_shapes=[pltpu.SMEM((2,), jnp.float32)],
    )(current_feature, previous_feature)

    partials = _make_sc_hist(n)(A, mm)

    out = pl.pallas_call(
        functools.partial(_fin_body, n=n),
        in_specs=[
            pl.BlockSpec((NW, NBINS + 1, L), lambda: (0, 0, 0)),
            pl.BlockSpec((1, NBINS), lambda: (0, 0)),
            pl.BlockSpec((2, L), lambda: (0, 0)),
        ],
        out_specs=pl.BlockSpec((1, 1), lambda: (0, 0)),
        out_shape=jax.ShapeDtypeStruct((1, 1), jnp.float32),
    )(partials, W, mm)
    return out.reshape(1)

# --- scband reference (transcript-rebuilt; emitter-appended) ---
"""Pipeline reference for scband-gate-mechanism-vgae-81819126989061 (READ-ONLY COPY).

The authoritative reference and input builder live on the scoring server;
editing this copy changes nothing except your own understanding.
"""

import jax, jax.numpy as jnp
import numpy as np

SEPARATE_NUMBER = 64
HIDDEN_DIM = 1


def setup_inputs(seed: int = 0) -> dict:
    key = jax.random.key(seed)
    k1, k2, k3 = jax.random.split(key, 3)
    current_feature = jax.random.normal(k1, (4096, 128), dtype=jnp.float32)
    previous_feature = jax.random.normal(k2, (4096, 128), dtype=jnp.float32)
    # nn.Linear(separate_number, hidden_dim, bias=False): weight [hidden_dim, separate_number]
    bound = 1.0 / np.sqrt(SEPARATE_NUMBER)
    W = jax.random.uniform(k3, (HIDDEN_DIM, SEPARATE_NUMBER), dtype=jnp.float32, minval=-bound, maxval=bound)
    return {"current_feature": current_feature, "previous_feature": previous_feature, "W": W}


def _get_histogram(result_matrix):
    # torch version detaches before computing histogram
    rm = jax.lax.stop_gradient(result_matrix)
    min_val = jnp.min(rm)
    max_val = jnp.max(rm)
    interval = (max_val - min_val) / SEPARATE_NUMBER
    bins = [min_val + i * interval for i in range(SEPARATE_NUMBER + 1)]
    counts = []
    for i in range(SEPARATE_NUMBER):
        if i == SEPARATE_NUMBER - 1:
            c = jnp.sum((rm >= bins[i]) & (rm <= bins[i + 1]))
        else:
            c = jnp.sum((rm >= bins[i]) & (rm < bins[i + 1]))
        counts.append(c)
    hist_counts = jnp.stack(counts).astype(jnp.float32)
    return jax.nn.sigmoid(hist_counts)


def reference(current_feature, previous_feature, W):
    # shapes already match; no truncation branch needed
    result_matrix_left = jnp.matmul(current_feature, previous_feature.T)
    hist_left = _get_histogram(result_matrix_left)
    result_matrix_right = jnp.matmul(previous_feature, current_feature.T)
    hist_right = _get_histogram(result_matrix_right)
    beta = (hist_left + hist_right) / 2.0
    beta = jnp.matmul(beta, W.T)
    beta = jax.nn.sigmoid(beta)
    return beta

if __name__ == "__main__":
    import jax
    _d = setup_inputs()
    print(jax.jit(kernel)(*tuple(_d.values())))

</pallas_src>

<mosaic_0001>
#map = affine_map<(d0, d1) -> (0, 0)>
#map1 = affine_map<(d0, d1) -> (0, 0, 0)>
module attributes {stable_mosaic.version = 14 : i64} {
  func.func @sc_hist(%arg0: i32, %arg1: i32, %arg2: memref<4096x4096xf32, #tpu.memory_space<hbm>>, %arg3: memref<2x16xf32, #tpu.memory_space<hbm>>, %arg4: memref<32x65x16xf32, #tpu.memory_space<hbm>>, %arg5: memref<2x4096xf32, #tpu.memory_space<vmem>>, %arg6: memref<2x4096xf32, #tpu.memory_space<vmem>>, %arg7: memref<2x16xf32, #tpu.memory_space<vmem>>, %arg8: memref<65x16xf32, #tpu.memory_space<vmem>>, %arg9: memref<65x16xf32, #tpu.memory_space<vmem>>, %arg10: memref<!tpu.dma_semaphore, #tpu.memory_space<semaphore_mem>>, %arg11: memref<!tpu.dma_semaphore, #tpu.memory_space<semaphore_mem>>) attributes {dimension_semantics = [#tpu.dimension_semantics<core_parallel>, #tpu.dimension_semantics<subcore_parallel>], iteration_bounds = array<i64: 2, 16>, scalar_prefetch = 0 : i64, scratch_operands = 7 : i64, tpu.core_type = #tpu.core_type<sc_vector_subcore>, window_params = [{transform_indices = #map}, {transform_indices = #map}, {transform_indices = #map1}]} {
    %mul3A = arith.constant 2 : i32
    %mul3A_0 = arith.muli %arg1, %mul3A : i32
    %add3A = arith.addi %mul3A_0, %arg0 : i32
    %mul3A_1 = arith.constant 128 : i32
    %mul3A_2 = arith.muli %add3A, %mul3A_1 : i32
    "tpu.region"() ({
      %run_scoped3A = tpu.sem_alloc : memref<!tpu.dma_semaphore, #tpu.memory_space<semaphore_mem>>
      tpu.enqueue_dma source(%arg3 : memref<2x16xf32, #tpu.memory_space<hbm>>) target(%arg7 : memref<2x16xf32, #tpu.memory_space<vmem>>) target_semaphore(%run_scoped3A : memref<!tpu.dma_semaphore, #tpu.memory_space<semaphore_mem>>)
      tpu.wait_dma2 semaphore(%run_scoped3A : memref<!tpu.dma_semaphore, #tpu.memory_space<semaphore_mem>>) src(%arg3 : memref<2x16xf32, #tpu.memory_space<hbm>>) dst(%arg7 : memref<2x16xf32, #tpu.memory_space<vmem>>)
      tpu.yield
    }) : () -> ()
    %get3A = arith.constant 0 : i32
    %get3A_3 = arith.index_cast %get3A : i32 to index
    %get3A_4 = arith.constant 0 : index
    %get3A_5 = tpu.vector_load %arg7[%get3A_3, %get3A_4] {strides = array<i32>} : memref<2x16xf32, #tpu.memory_space<vmem>>, vector<16xf32>,
    %get3A_6 = arith.constant 1 : i32
    %get3A_7 = arith.index_cast %get3A_6 : i32 to index
    %get3A_8 = arith.constant 0 : index
    %get3A_9 = tpu.vector_load %arg7[%get3A_7, %get3A_8] {strides = array<i32>} : memref<2x16xf32, #tpu.memory_space<vmem>>, vector<16xf32>,
    %sub3A = arith.subf %get3A_9, %get3A_5 : vector<16xf32>
    %mul3A_10 = arith.constant 1.562500e-02 : f32
    %mul3A_11 = vector.broadcast %mul3A_10 : f32 to vector<16xf32>
    %mul3A_12 = arith.mulf %sub3A, %mul3A_11 : vector<16xf32>
    %gt3A = arith.constant 0.000000e+00 : f32
    %gt3A_13 = vector.broadcast %gt3A : f32 to vector<16xf32>
    %gt3A_14 = arith.cmpf ogt, %mul3A_12, %gt3A_13 : vector<16xf32>
    %div3A = arith.constant 1.000000e+00 : f32
    %div3A_15 = vector.broadcast %div3A : f32 to vector<16xf32>
    %div3A_16 = arith.divf %div3A_15, %mul3A_12 : vector<16xf32>
    %broadcast_in_dim3A = arith.constant 0.000000e+00 : f32
    %broadcast_in_dim3A_17 = vector.broadcast %broadcast_in_dim3A : f32 to vector<16xf32>
    %select_n3A = arith.select %gt3A_14, %div3A_16, %broadcast_in_dim3A_17 : vector<16xi1>, vector<16xf32>
    %mul3A_18 = arith.constant 6.400000e+01 : f32
    %mul3A_19 = vector.broadcast %mul3A_18 : f32 to vector<16xf32>
    %mul3A_20 = arith.mulf %mul3A_19, %mul3A_12 : vector<16xf32>
    %add3A_21 = arith.addf %get3A_5, %mul3A_20 : vector<16xf32>
    %iota3A = tpu.iota {dimensions = array<i32: 0>} : vector<16xi32>
    %broadcast_in_dim3A_22 = arith.constant 1.000000e+00 : f32
    %broadcast_in_dim3A_23 = vector.broadcast %broadcast_in_dim3A_22 : f32 to vector<16xf32>
    %broadcast_in_dim3A_24 = arith.constant 0.000000e+00 : f32
    %broadcast_in_dim3A_25 = vector.broadcast %broadcast_in_dim3A_24 : f32 to vector<16xf32>
    %swap3A = arith.constant 0 : i32
    %swap3A_26 = arith.index_cast %swap3A : i32 to index
    %swap3A_27 = arith.constant 0 : index
    %swap3A_28 = tpu.vector_load %arg8[%swap3A_26, %swap3A_27] {strides = array<i32>} : memref<65x16xf32, #tpu.memory_space<vmem>>, vector<16xf32>,
    tpu.vector_store %arg8[%swap3A_26, %swap3A_27], %broadcast_in_dim3A_25 {strides = array<i32>} : memref<65x16xf32, #tpu.memory_space<vmem>>, vector<16xf32>,
    %swap3A_29 = arith.constant 0 : i32
    %swap3A_30 = arith.index_cast %swap3A_29 : i32 to index
    %swap3A_31 = arith.constant 0 : index
    %swap3A_32 = tpu.vector_load %arg9[%swap3A_30, %swap3A_31] {strides = array<i32>} : memref<65x16xf32, #tpu.memory_space<vmem>>, vector<16xf32>,
    tpu.vector_store %arg9[%swap3A_30, %swap3A_31], %broadcast_in_dim3A_25 {strides = array<i32>} : memref<65x16xf32, #tpu.memory_space<vmem>>, vector<16xf32>,
    %swap3A_33 = arith.constant 1 : i32
    %swap3A_34 = arith.index_cast %swap3A_33 : i32 to index
    %swap3A_35 = arith.constant 0 : index
    %swap3A_36 = tpu.vector_load %arg8[%swap3A_34, %swap3A_35] {strides = array<i32>} : memref<65x16xf32, #tpu.memory_space<vmem>>, vector<16xf32>,
    tpu.vector_store %arg8[%swap3A_34, %swap3A_35], %broadcast_in_dim3A_25 {strides = array<i32>} : memref<65x16xf32, #tpu.memory_space<vmem>>, vector<16xf32>,
    %swap3A_37 = arith.constant 1 : i32
    %swap3A_38 = arith.index_cast %swap3A_37 : i32 to index
    %swap3A_39 = arith.constant 0 : index
    %swap3A_40 = tpu.vector_load %arg9[%swap3A_38, %swap3A_39] {strides = array<i32>} : memref<65x16xf32, #tpu.memory_space<vmem>>, vector<16xf32>,
    tpu.vector_store %arg9[%swap3A_38, %swap3A_39], %broadcast_in_dim3A_25 {strides = array<i32>} : memref<65x16xf32, #tpu.memory_space<vmem>>, vector<16xf32>,
    %swap3A_41 = arith.constant 2 : i32
    %swap3A_42 = arith.index_cast %swap3A_41 : i32 to index
    %swap3A_43 = arith.constant 0 : index
    %swap3A_44 = tpu.vector_load %arg8[%swap3A_42, %swap3A_43] {strides = array<i32>} : memref<65x16xf32, #tpu.memory_space<vmem>>, vector<16xf32>,
    tpu.vector_store %arg8[%swap3A_42, %swap3A_43], %broadcast_in_dim3A_25 {strides = array<i32>} : memref<65x16xf32, #tpu.memory_space<vmem>>, vector<16xf32>,
    %swap3A_45 = arith.constant 2 : i32
    %swap3A_46 = arith.index_cast %swap3A_45 : i32 to index
    %swap3A_47 = arith.constant 0 : index
    %swap3A_48 = tpu.vector_load %arg9[%swap3A_46, %swap3A_47] {strides = array<i32>} : memref<65x16xf32, #tpu.memory_space<vmem>>, vector<16xf32>,
    tpu.vector_store %arg9[%swap3A_46, %swap3A_47], %broadcast_in_dim3A_25 {strides = array<i32>} : memref<65x16xf32, #tpu.memory_space<vmem>>, vector<16xf32>,
    %swap3A_49 = arith.constant 3 : i32
    %swap3A_50 = arith.index_cast %swap3A_49 : i32 to index
    %swap3A_51 = arith.constant 0 : index
    %swap3A_52 = tpu.vector_load %arg8[%swap3A_50, %swap3A_51] {strides = array<i32>} : memref<65x16xf32, #tpu.memory_space<vmem>>, vector<16xf32>,
    tpu.vector_store %arg8[%swap3A_50, %swap3A_51], %broadcast_in_dim3A_25 {strides = array<i32>} : memref<65x16xf32, #tpu.memory_space<vmem>>, vector<16xf32>,
    %swap3A_53 = arith.constant 3 : i32
    %swap3A_54 = arith.index_cast %swap3A_53 : i32 to index
    %swap3A_55 = arith.constant 0 : index
    %swap3A_56 = tpu.vector_load %arg9[%swap3A_54, %swap3A_55] {strides = array<i32>} : memref<65x16xf32, #tpu.memory_space<vmem>>, vector<16xf32>,
    tpu.vector_store %arg9[%swap3A_54, %swap3A_55], %broadcast_in_dim3A_25 {strides = array<i32>} : memref<65x16xf32, #tpu.memory_space<vmem>>, vector<16xf32>,
    %swap3A_57 = arith.constant 4 : i32
    %swap3A_58 = arith.index_cast %swap3A_57 : i32 to index
    %swap3A_59 = arith.constant 0 : index
    %swap3A_60 = tpu.vector_load %arg8[%swap3A_58, %swap3A_59] {strides = array<i32>} : memref<65x16xf32, #tpu.memory_space<vmem>>, vector<16xf32>,
    tpu.vector_store %arg8[%swap3A_58, %swap3A_59], %broadcast_in_dim3A_25 {strides = array<i32>} : memref<65x16xf32, #tpu.memory_space<vmem>>, vector<16xf32>,
    %swap3A_61 = arith.constant 4 : i32
    %swap3A_62 = arith.index_cast %swap3A_61 : i32 to index
    %swap3A_63 = arith.constant 0 : index
    %swap3A_64 = tpu.vector_load %arg9[%swap3A_62, %swap3A_63] {strides = array<i32>} : memref<65x16xf32, #tpu.memory_space<vmem>>, vector<16xf32>,
    tpu.vector_store %arg9[%swap3A_62, %swap3A_63], %broadcast_in_dim3A_25 {strides = array<i32>} : memref<65x16xf32, #tpu.memory_space<vmem>>, vector<16xf32>,
    %swap3A_65 = arith.constant 5 : i32
    %swap3A_66 = arith.index_cast %swap3A_65 : i32 to index
    %swap3A_67 = arith.constant 0 : index
    %swap3A_68 = tpu.vector_load %arg8[%swap3A_66, %swap3A_67] {strides = array<i32>} : memref<65x16xf32, #tpu.memory_space<vmem>>, vector<16xf32>,
    tpu.vector_store %arg8[%swap3A_66, %swap3A_67], %broadcast_in_dim3A_25 {strides = array<i32>} : memref<65x16xf32, #tpu.memory_space<vmem>>, vector<16xf32>,
    %swap3A_69 = arith.constant 5 : i32
    %swap3A_70 = arith.index_cast %swap3A_69 : i32 to index
    %swap3A_71 = arith.constant 0 : index
    %swap3A_72 = tpu.vector_load %arg9[%swap3A_70, %swap3A_71] {strides = array<i32>} : memref<65x16xf32, #tpu.memory_space<vmem>>, vector<16xf32>,
    tpu.vector_store %arg9[%swap3A_70, %swap3A_71], %broadcast_in_dim3A_25 {strides = array<i32>} : memref<65x16xf32, #tpu.memory_space<vmem>>, vector<16xf32>,
    %swap3A_73 = arith.constant 6 : i32
    %swap3A_74 = arith.index_cast %swap3A_73 : i32 to index
    %swap3A_75 = arith.constant 0 : index
    %swap3A_76 = tpu.vector_load %arg8[%swap3A_74, %swap3A_75] {strides = array<i32>} : memref<65x16xf32, #tpu.memory_space<vmem>>, vector<16xf32>,
    tpu.vector_store %arg8[%swap3A_74, %swap3A_75], %broadcast_in_dim3A_25 {strides = array<i32>} : memref<65x16xf32, #tpu.memory_space<vmem>>, vector<16xf32>,
    %swap3A_77 = arith.constant 6 : i32
    %swap3A_78 = arith.index_cast %swap3A_77 : i32 to index
    %swap3A_79 = arith.constant 0 : index
    %swap3A_80 = tpu.vector_load %arg9[%swap3A_78, %swap3A_79] {strides = array<i32>} : memref<65x16xf32, #tpu.memory_space<vmem>>, vector<16xf32>,
    tpu.vector_store %arg9[%swap3A_78, %swap3A_79], %broadcast_in_dim3A_25 {strides = array<i32>} : memref<65x16xf32, #tpu.memory_space<vmem>>, vector<16xf32>,
    %swap3A_81 = arith.constant 7 : i32
    %swap3A_82 = arith.index_cast %swap3A_81 : i32 to index
    %swap3A_83 = arith.constant 0 : index
    %swap3A_84 = tpu.vector_load %arg8[%swap3A_82, %swap3A_83] {strides = array<i32>} : memref<65x16xf32, #tpu.memory_space<vmem>>, vector<16xf32>,
    tpu.vector_store %arg8[%swap3A_82, %swap3A_83], %broadcast_in_dim3A_25 {strides = array<i32>} : memref<65x16xf32, #tpu.memory_space<vmem>>, vector<16xf32>,
    %swap3A_85 = arith.constant 7 : i32
    %swap3A_86 = arith.index_cast %swap3A_85 : i32 to index
    %swap3A_87 = arith.constant 0 : index
    %swap3A_88 = tpu.vector_load %arg9[%swap3A_86, %swap3A_87] {strides = array<i32>} : memref<65x16xf32, #tpu.memory_space<vmem>>, vector<16xf32>,
    tpu.vector_store %arg9[%swap3A_86, %swap3A_87], %broadcast_in_dim3A_25 {strides = array<i32>} : memref<65x16xf32, #tpu.memory_space<vmem>>, vector<16xf32>,
    %swap3A_89 = arith.constant 8 : i32
    %swap3A_90 = arith.index_cast %swap3A_89 : i32 to index
    %swap3A_91 = arith.constant 0 : index
    %swap3A_92 = tpu.vector_load %arg8[%swap3A_90, %swap3A_91] {strides = array<i32>} : memref<65x16xf32, #tpu.memory_space<vmem>>, vector<16xf32>,
    tpu.vector_store %arg8[%swap3A_90, %swap3A_91], %broadcast_in_dim3A_25 {strides = array<i32>} : memref<65x16xf32, #tpu.memory_space<vmem>>, vector<16xf32>,
    %swap3A_93 = arith.constant 8 : i32
    %swap3A_94 = arith.index_cast %swap3A_93 : i32 to index
    %swap3A_95 = arith.constant 0 : index
    %swap3A_96 = tpu.vector_load %arg9[%swap3A_94, %swap3A_95] {strides = array<i32>} : memref<65x16xf32, #tpu.memory_space<vmem>>, vector<16xf32>,
    tpu.vector_store %arg9[%swap3A_94, %swap3A_95], %broadcast_in_dim3A_25 {strides = array<i32>} : memref<65x16xf32, #tpu.memory_space<vmem>>, vector<16xf32>,
    %swap3A_97 = arith.constant 9 : i32
    %swap3A_98 = arith.index_cast %swap3A_97 : i32 to index
    %swap3A_99 = arith.constant 0 : index
    %swap3A_100 = tpu.vector_load %arg8[%swap3A_98, %swap3A_99] {strides = array<i32>} : memref<65x16xf32, #tpu.memory_space<vmem>>, vector<16xf32>,
    tpu.vector_store %arg8[%swap3A_98, %swap3A_99], %broadcast_in_dim3A_25 {strides = array<i32>} : memref<65x16xf32, #tpu.memory_space<vmem>>, vector<16xf32>,
    %swap3A_101 = arith.constant 9 : i32
    %swap3A_102 = arith.index_cast %swap3A_101 : i32 to index
    %swap3A_103 = arith.constant 0 : index
    %swap3A_104 = tpu.vector_load %arg9[%swap3A_102, %swap3A_103] {strides = array<i32>} : memref<65x16xf32, #tpu.memory_space<vmem>>, vector<16xf32>,
    tpu.vector_store %arg9[%swap3A_102, %swap3A_103], %broadcast_in_dim3A_25 {strides = array<i32>} : memref<65x16xf32, #tpu.memory_space<vmem>>, vector<16xf32>,
    %swap3A_105 = arith.constant 10 : i32
    %swap3A_106 = arith.index_cast %swap3A_105 : i32 to index
    %swap3A_107 = arith.constant 0 : index
    %swap3A_108 = tpu.vector_load %arg8[%swap3A_106, %swap3A_107] {strides = array<i32>} : memref<65x16xf32, #tpu.memory_space<vmem>>, vector<16xf32>,
    tpu.vector_store %arg8[%swap3A_106, %swap3A_107], %broadcast_in_dim3A_25 {strides = array<i32>} : memref<65x16xf32, #tpu.memory_space<vmem>>, vector<16xf32>,
    %swap3A_109 = arith.constant 10 : i32
    %swap3A_110 = arith.index_cast %swap3A_109 : i32 to index
    %swap3A_111 = arith.constant 0 : index
    %swap3A_112 = tpu.vector_load %arg9[%swap3A_110, %swap3A_111] {strides = array<i32>} : memref<65x16xf32, #tpu.memory_space<vmem>>, vector<16xf32>,
    tpu.vector_store %arg9[%swap3A_110, %swap3A_111], %broadcast_in_dim3A_25 {strides = array<i32>} : memref<65x16xf32, #tpu.memory_space<vmem>>, vector<16xf32>,
    %swap3A_113 = arith.constant 11 : i32
    %swap3A_114 = arith.index_cast %swap3A_113 : i32 to index
    %swap3A_115 = arith.constant 0 : index
    %swap3A_116 = tpu.vector_load %arg8[%swap3A_114, %swap3A_115] {strides = array<i32>} : memref<65x16xf32, #tpu.memory_space<vmem>>, vector<16xf32>,
    tpu.vector_store %arg8[%swap3A_114, %swap3A_115], %broadcast_in_dim3A_25 {strides = array<i32>} : memref<65x16xf32, #tpu.memory_space<vmem>>, vector<16xf32>,
    %swap3A_117 = arith.constant 11 : i32
    %swap3A_118 = arith.index_cast %swap3A_117 : i32 to index
    %swap3A_119 = arith.constant 0 : index
    %swap3A_120 = tpu.vector_load %arg9[%swap3A_118, %swap3A_119] {strides = array<i32>} : memref<65x16xf32, #tpu.memory_space<vmem>>, vector<16xf32>,
    tpu.vector_store %arg9[%swap3A_118, %swap3A_119], %broadcast_in_dim3A_25 {strides = array<i32>} : memref<65x16xf32, #tpu.memory_space<vmem>>, vector<16xf32>,
    %swap3A_121 = arith.constant 12 : i32
    %swap3A_122 = arith.index_cast %swap3A_121 : i32 to index
    %swap3A_123 = arith.constant 0 : index
    %swap3A_124 = tpu.vector_load %arg8[%swap3A_122, %swap3A_123] {strides = array<i32>} : memref<65x16xf32, #tpu.memory_space<vmem>>, vector<16xf32>,
    tpu.vector_store %arg8[%swap3A_122, %swap3A_123], %broadcast_in_dim3A_25 {strides = array<i32>} : memref<65x16xf32, #tpu.memory_space<vmem>>, vector<16xf32>,
    %swap3A_125 = arith.constant 12 : i32
    %swap3A_126 = arith.index_cast %swap3A_125 : i32 to index
    %swap3A_127 = arith.constant 0 : index
    %swap3A_128 = tpu.vector_load %arg9[%swap3A_126, %swap3A_127] {strides = array<i32>} : memref<65x16xf32, #tpu.memory_space<vmem>>, vector<16xf32>,
    tpu.vector_store %arg9[%swap3A_126, %swap3A_127], %broadcast_in_dim3A_25 {strides = array<i32>} : memref<65x16xf32, #tpu.memory_space<vmem>>, vector<16xf32>,
    %swap3A_129 = arith.constant 13 : i32
    %swap3A_130 = arith.index_cast %swap3A_129 : i32 to index
    %swap3A_131 = arith.constant 0 : index
    %swap3A_132 = tpu.vector_load %arg8[%swap3A_130, %swap3A_131] {strides = array<i32>} : memref<65x16xf32, #tpu.memory_space<vmem>>, vector<16xf32>,
    tpu.vector_store %arg8[%swap3A_130, %swap3A_131], %broadcast_in_dim3A_25 {strides = array<i32>} : memref<65x16xf32, #tpu.memory_space<vmem>>, vector<16xf32>,
    %swap3A_133 = arith.constant 13 : i32
    %swap3A_134 = arith.index_cast %swap3A_133 : i32 to index
    %swap3A_135 = arith.constant 0 : index
    %swap3A_136 = tpu.vector_load %arg9[%swap3A_134, %swap3A_135] {strides = array<i32>} : memref<65x16xf32, #tpu.memory_space<vmem>>, vector<16xf32>,
    tpu.vector_store %arg9[%swap3A_134, %swap3A_135], %broadcast_in_dim3A_25 {strides = array<i32>} : memref<65x16xf32, #tpu.memory_space<vmem>>, vector<16xf32>,
    %swap3A_137 = arith.constant 14 : i32
    %swap3A_138 = arith.index_cast %swap3A_137 : i32 to index
    %swap3A_139 = arith.constant 0 : index
    %swap3A_140 = tpu.vector_load %arg8[%swap3A_138, %swap3A_139] {strides = array<i32>} : memref<65x16xf32, #tpu.memory_space<vmem>>, vector<16xf32>,
    tpu.vector_store %arg8[%swap3A_138, %swap3A_139], %broadcast_in_dim3A_25 {strides = array<i32>} : memref<65x16xf32, #tpu.memory_space<vmem>>, vector<16xf32>,
    %swap3A_141 = arith.constant 14 : i32
    %swap3A_142 = arith.index_cast %swap3A_141 : i32 to index
    %swap3A_143 = arith.constant 0 : index
    %swap3A_144 = tpu.vector_load %arg9[%swap3A_142, %swap3A_143] {strides = array<i32>} : memref<65x16xf32, #tpu.memory_space<vmem>>, vector<16xf32>,
    tpu.vector_store %arg9[%swap3A_142, %swap3A_143], %broadcast_in_dim3A_25 {strides = array<i32>} : memref<65x16xf32, #tpu.memory_space<vmem>>, vector<16xf32>,
    %swap3A_145 = arith.constant 15 : i32
    %swap3A_146 = arith.index_cast %swap3A_145 : i32 to index
    %swap3A_147 = arith.constant 0 : index
    %swap3A_148 = tpu.vector_load %arg8[%swap3A_146, %swap3A_147] {strides = array<i32>} : memref<65x16xf32, #tpu.memory_space<vmem>>, vector<16xf32>,
    tpu.vector_store %arg8[%swap3A_146, %swap3A_147], %broadcast_in_dim3A_25 {strides = array<i32>} : memref<65x16xf32, #tpu.memory_space<vmem>>, vector<16xf32>,
    %swap3A_149 = arith.constant 15 : i32
    %swap3A_150 = arith.index_cast %swap3A_149 : i32 to index
    %swap3A_151 = arith.constant 0 : index
    %swap3A_152 = tpu.vector_load %arg9[%swap3A_150, %swap3A_151] {strides = array<i32>} : memref<65x16xf32, #tpu.memory_space<vmem>>, vector<16xf32>,
    tpu.vector_store %arg9[%swap3A_150, %swap3A_151], %broadcast_in_dim3A_25 {strides = array<i32>} : memref<65x16xf32, #tpu.memory_space<vmem>>, vector<16xf32>,
    %swap3A_153 = arith.constant 16 : i32
    %swap3A_154 = arith.index_cast %swap3A_153 : i32 to index
    %swap3A_155 = arith.constant 0 : index
    %swap3A_156 = tpu.vector_load %arg8[%swap3A_154, %swap3A_155] {strides = array<i32>} : memref<65x16xf32, #tpu.memory_space<vmem>>, vector<16xf32>,
    tpu.vector_store %arg8[%swap3A_154, %swap3A_155], %broadcast_in_dim3A_25 {strides = array<i32>} : memref<65x16xf32, #tpu.memory_space<vmem>>, vector<16xf32>,
    %swap3A_157 = arith.constant 16 : i32
    %swap3A_158 = arith.index_cast %swap3A_157 : i32 to index
    %swap3A_159 = arith.constant 0 : index
    %swap3A_160 = tpu.vector_load %arg9[%swap3A_158, %swap3A_159] {strides = array<i32>} : memref<65x16xf32, #tpu.memory_space<vmem>>, vector<16xf32>,
    tpu.vector_store %arg9[%swap3A_158, %swap3A_159], %broadcast_in_dim3A_25 {strides = array<i32>} : memref<65x16xf32, #tpu.memory_space<vmem>>, vector<16xf32>,
    %swap3A_161 = arith.constant 17 : i32
    %swap3A_162 = arith.index_cast %swap3A_161 : i32 to index
    %swap3A_163 = arith.constant 0 : index
    %swap3A_164 = tpu.vector_load %arg8[%swap3A_162, %swap3A_163] {strides = array<i32>} : memref<65x16xf32, #tpu.memory_space<vmem>>, vector<16xf32>,
    tpu.vector_store %arg8[%swap3A_162, %swap3A_163], %broadcast_in_dim3A_25 {strides = array<i32>} : memref<65x16xf32, #tpu.memory_space<vmem>>, vector<16xf32>,
    %swap3A_165 = arith.constant 17 : i32
    %swap3A_166 = arith.index_cast %swap3A_165 : i32 to index
    %swap3A_167 = arith.constant 0 : index
    %swap3A_168 = tpu.vector_load %arg9[%swap3A_166, %swap3A_167] {strides = array<i32>} : memref<65x16xf32, #tpu.memory_space<vmem>>, vector<16xf32>,
    tpu.vector_store %arg9[%swap3A_166, %swap3A_167], %broadcast_in_dim3A_25 {strides = array<i32>} : memref<65x16xf32, #tpu.memory_space<vmem>>, vector<16xf32>,
    %swap3A_169 = arith.constant 18 : i32
    %swap3A_170 = arith.index_cast %swap3A_169 : i32 to index
    %swap3A_171 = arith.constant 0 : index
    %swap3A_172 = tpu.vector_load %arg8[%swap3A_170, %swap3A_171] {strides = array<i32>} : memref<65x16xf32, #tpu.memory_space<vmem>>, vector<16xf32>,
    tpu.vector_store %arg8[%swap3A_170, %swap3A_171], %broadcast_in_dim3A_25 {strides = array<i32>} : memref<65x16xf32, #tpu.memory_space<vmem>>, vector<16xf32>,
    %swap3A_173 = arith.constant 18 : i32
    %swap3A_174 = arith.index_cast %swap3A_173 : i32 to index
    %swap3A_175 = arith.constant 0 : index
    %swap3A_176 = tpu.vector_load %arg9[%swap3A_174, %swap3A_175] {strides = array<i32>} : memref<65x16xf32, #tpu.memory_space<vmem>>, vector<16xf32>,
    tpu.vector_store %arg9[%swap3A_174, %swap3A_175], %broadcast_in_dim3A_25 {strides = array<i32>} : memref<65x16xf32, #tpu.memory_space<vmem>>, vector<16xf32>,
    %swap3A_177 = arith.constant 19 : i32
    %swap3A_178 = arith.index_cast %swap3A_177 : i32 to index
    %swap3A_179 = arith.constant 0 : index
    %swap3A_180 = tpu.vector_load %arg8[%swap3A_178, %swap3A_179] {strides = array<i32>} : memref<65x16xf32, #tpu.memory_space<vmem>>, vector<16xf32>,
    tpu.vector_store %arg8[%swap3A_178, %swap3A_179], %broadcast_in_dim3A_25 {strides = array<i32>} : memref<65x16xf32, #tpu.memory_space<vmem>>, vector<16xf32>,
    %swap3A_181 = arith.constant 19 : i32
    %swap3A_182 = arith.index_cast %swap3A_181 : i32 to index
    %swap3A_183 = arith.constant 0 : index
    %swap3A_184 = tpu.vector_load %arg9[%swap3A_182, %swap3A_183] {strides = array<i32>} : memref<65x16xf32, #tpu.memory_space<vmem>>, vector<16xf32>,
    tpu.vector_store %arg9[%swap3A_182, %swap3A_183], %broadcast_in_dim3A_25 {strides = array<i32>} : memref<65x16xf32, #tpu.memory_space<vmem>>, vector<16xf32>,
    %swap3A_185 = arith.constant 20 : i32
    %swap3A_186 = arith.index_cast %swap3A_185 : i32 to index
    %swap3A_187 = arith.constant 0 : index
    %swap3A_188 = tpu.vector_load %arg8[%swap3A_186, %swap3A_187] {strides = array<i32>} : memref<65x16xf32, #tpu.memory_space<vmem>>, vector<16xf32>,
    tpu.vector_store %arg8[%swap3A_186, %swap3A_187], %broadcast_in_dim3A_25 {strides = array<i32>} : memref<65x16xf32, #tpu.memory_space<vmem>>, vector<16xf32>,
    %swap3A_189 = arith.constant 20 : i32
    %swap3A_190 = arith.index_cast %swap3A_189 : i32 to index
    %swap3A_191 = arith.constant 0 : index
    %swap3A_192 = tpu.vector_load %arg9[%swap3A_190, %swap3A_191] {strides = array<i32>} : memref<65x16xf32, #tpu.memory_space<vmem>>, vector<16xf32>,
    tpu.vector_store %arg9[%swap3A_190, %swap3A_191], %broadcast_in_dim3A_25 {strides = array<i32>} : memref<65x16xf32, #tpu.memory_space<vmem>>, vector<16xf32>,
    %swap3A_193 = arith.constant 21 : i32
    %swap3A_194 = arith.index_cast %swap3A_193 : i32 to index
    %swap3A_195 = arith.constant 0 : index
    %swap3A_196 = tpu.vector_load %arg8[%swap3A_194, %swap3A_195] {strides = array<i32>} : memref<65x16xf32, #tpu.memory_space<vmem>>, vector<16xf32>,
    tpu.vector_store %arg8[%swap3A_194, %swap3A_195], %broadcast_in_dim3A_25 {strides = array<i32>} : memref<65x16xf32, #tpu.memory_space<vmem>>, vector<16xf32>,
    %swap3A_197 = arith.constant 21 : i32
    %swap3A_198 = arith.index_cast %swap3A_197 : i32 to index
    %swap3A_199 = arith.constant 0 : index
    %swap3A_200 = tpu.vector_load %arg9[%swap3A_198, %swap3A_199] {strides = array<i32>} : memref<65x16xf32, #tpu.memory_space<vmem>>, vector<16xf32>,
    tpu.vector_store %arg9[%swap3A_198, %swap3A_199], %broadcast_in_dim3A_25 {strides = array<i32>} : memref<65x16xf32, #tpu.memory_space<vmem>>, vector<16xf32>,
    %swap3A_201 = arith.constant 22 : i32
    %swap3A_202 = arith.index_cast %swap3A_201 : i32 to index
    %swap3A_203 = arith.constant 0 : index
    %swap3A_204 = tpu.vector_load %arg8[%swap3A_202, %swap3A_203] {strides = array<i32>} : memref<65x16xf32, #tpu.memory_space<vmem>>, vector<16xf32>,
    tpu.vector_store %arg8[%swap3A_202, %swap3A_203], %broadcast_in_dim3A_25 {strides = array<i32>} : memref<65x16xf32, #tpu.memory_space<vmem>>, vector<16xf32>,
    %swap3A_205 = arith.constant 22 : i32
    %swap3A_206 = arith.index_cast %swap3A_205 : i32 to index
    %swap3A_207 = arith.constant 0 : index
    %swap3A_208 = tpu.vector_load %arg9[%swap3A_206, %swap3A_207] {strides = array<i32>} : memref<65x16xf32, #tpu.memory_space<vmem>>, vector<16xf32>,
    tpu.vector_store %arg9[%swap3A_206, %swap3A_207], %broadcast_in_dim3A_25 {strides = array<i32>} : memref<65x16xf32, #tpu.memory_space<vmem>>, vector<16xf32>,
    %swap3A_209 = arith.constant 23 : i32
    %swap3A_210 = arith.index_cast %swap3A_209 : i32 to index
    %swap3A_211 = arith.constant 0 : index
    %swap3A_212 = tpu.vector_load %arg8[%swap3A_210, %swap3A_211] {strides = array<i32>} : memref<65x16xf32, #tpu.memory_space<vmem>>, vector<16xf32>,
    tpu.vector_store %arg8[%swap3A_210, %swap3A_211], %broadcast_in_dim3A_25 {strides = array<i32>} : memref<65x16xf32, #tpu.memory_space<vmem>>, vector<16xf32>,
    %swap3A_213 = arith.constant 23 : i32
    %swap3A_214 = arith.index_cast %swap3A_213 : i32 to index
    %swap3A_215 = arith.constant 0 : index
    %swap3A_216 = tpu.vector_load %arg9[%swap3A_214, %swap3A_215] {strides = array<i32>} : memref<65x16xf32, #tpu.memory_space<vmem>>, vector<16xf32>,
    tpu.vector_store %arg9[%swap3A_214, %swap3A_215], %broadcast_in_dim3A_25 {strides = array<i32>} : memref<65x16xf32, #tpu.memory_space<vmem>>, vector<16xf32>,
    %swap3A_217 = arith.constant 24 : i32
    %swap3A_218 = arith.index_cast %swap3A_217 : i32 to index
    %swap3A_219 = arith.constant 0 : index
    %swap3A_220 = tpu.vector_load %arg8[%swap3A_218, %swap3A_219] {strides = array<i32>} : memref<65x16xf32, #tpu.memory_space<vmem>>, vector<16xf32>,
    tpu.vector_store %arg8[%swap3A_218, %swap3A_219], %broadcast_in_dim3A_25 {strides = array<i32>} : memref<65x16xf32, #tpu.memory_space<vmem>>, vector<16xf32>,
    %swap3A_221 = arith.constant 24 : i32
    %swap3A_222 = arith.index_cast %swap3A_221 : i32 to index
    %swap3A_223 = arith.constant 0 : index
    %swap3A_224 = tpu.vector_load %arg9[%swap3A_222, %swap3A_223] {strides = array<i32>} : memref<65x16xf32, #tpu.memory_space<vmem>>, vector<16xf32>,
    tpu.vector_store %arg9[%swap3A_222, %swap3A_223], %broadcast_in_dim3A_25 {strides = array<i32>} : memref<65x16xf32, #tpu.memory_space<vmem>>, vector<16xf32>,
    %swap3A_225 = arith.constant 25 : i32
    %swap3A_226 = arith.index_cast %swap3A_225 : i32 to index
    %swap3A_227 = arith.constant 0 : index
    %swap3A_228 = tpu.vector_load %arg8[%swap3A_226, %swap3A_227] {strides = array<i32>} : memref<65x16xf32, #tpu.memory_space<vmem>>, vector<16xf32>,
    tpu.vector_store %arg8[%swap3A_226, %swap3A_227], %broadcast_in_dim3A_25 {strides = array<i32>} : memref<65x16xf32, #tpu.memory_space<vmem>>, vector<16xf32>,
    %swap3A_229 = arith.constant 25 : i32
    %swap3A_230 = arith.index_cast %swap3A_229 : i32 to index
    %swap3A_231 = arith.constant 0 : index
    %swap3A_232 = tpu.vector_load %arg9[%swap3A_230, %swap3A_231] {strides = array<i32>} : memref<65x16xf32, #tpu.memory_space<vmem>>, vector<16xf32>,
    tpu.vector_store %arg9[%swap3A_230, %swap3A_231], %broadcast_in_dim3A_25 {strides = array<i32>} : memref<65x16xf32, #tpu.memory_space<vmem>>, vector<16xf32>,
    %swap3A_233 = arith.constant 26 : i32
    %swap3A_234 = arith.index_cast %swap3A_233 : i32 to index
    %swap3A_235 = arith.constant 0 : index
    %swap3A_236 = tpu.vector_load %arg8[%swap3A_234, %swap3A_235] {strides = array<i32>} : memref<65x16xf32, #tpu.memory_space<vmem>>, vector<16xf32>,
    tpu.vector_store %arg8[%swap3A_234, %swap3A_235], %broadcast_in_dim3A_25 {strides = array<i32>} : memref<65x16xf32, #tpu.memory_space<vmem>>, vector<16xf32>,
    %swap3A_237 = arith.constant 26 : i32
    %swap3A_238 = arith.index_cast %swap3A_237 : i32 to index
    %swap3A_239 = arith.constant 0 : index
    %swap3A_240 = tpu.vector_load %arg9[%swap3A_238, %swap3A_239] {strides = array<i32>} : memref<65x16xf32, #tpu.memory_space<vmem>>, vector<16xf32>,
    tpu.vector_store %arg9[%swap3A_238, %swap3A_239], %broadcast_in_dim3A_25 {strides = array<i32>} : memref<65x16xf32, #tpu.memory_space<vmem>>, vector<16xf32>,
    %swap3A_241 = arith.constant 27 : i32
    %swap3A_242 = arith.index_cast %swap3A_241 : i32 to index
    %swap3A_243 = arith.constant 0 : index
    %swap3A_244 = tpu.vector_load %arg8[%swap3A_242, %swap3A_243] {strides = array<i32>} : memref<65x16xf32, #tpu.memory_space<vmem>>, vector<16xf32>,
    tpu.vector_store %arg8[%swap3A_242, %swap3A_243], %broadcast_in_dim3A_25 {strides = array<i32>} : memref<65x16xf32, #tpu.memory_space<vmem>>, vector<16xf32>,
    %swap3A_245 = arith.constant 27 : i32
    %swap3A_246 = arith.index_cast %swap3A_245 : i32 to index
    %swap3A_247 = arith.constant 0 : index
    %swap3A_248 = tpu.vector_load %arg9[%swap3A_246, %swap3A_247] {strides = array<i32>} : memref<65x16xf32, #tpu.memory_space<vmem>>, vector<16xf32>,
    tpu.vector_store %arg9[%swap3A_246, %swap3A_247], %broadcast_in_dim3A_25 {strides = array<i32>} : memref<65x16xf32, #tpu.memory_space<vmem>>, vector<16xf32>,
    %swap3A_249 = arith.constant 28 : i32
    %swap3A_250 = arith.index_cast %swap3A_249 : i32 to index
    %swap3A_251 = arith.constant 0 : index
    %swap3A_252 = tpu.vector_load %arg8[%swap3A_250, %swap3A_251] {strides = array<i32>} : memref<65x16xf32, #tpu.memory_space<vmem>>, vector<16xf32>,
    tpu.vector_store %arg8[%swap3A_250, %swap3A_251], %broadcast_in_dim3A_25 {strides = array<i32>} : memref<65x16xf32, #tpu.memory_space<vmem>>, vector<16xf32>,
    %swap3A_253 = arith.constant 28 : i32
    %swap3A_254 = arith.index_cast %swap3A_253 : i32 to index
    %swap3A_255 = arith.constant 0 : index
    %swap3A_256 = tpu.vector_load %arg9[%swap3A_254, %swap3A_255] {strides = array<i32>} : memref<65x16xf32, #tpu.memory_space<vmem>>, vector<16xf32>,
    tpu.vector_store %arg9[%swap3A_254, %swap3A_255], %broadcast_in_dim3A_25 {strides = array<i32>} : memref<65x16xf32, #tpu.memory_space<vmem>>, vector<16xf32>,
    %swap3A_257 = arith.constant 29 : i32
    %swap3A_258 = arith.index_cast %swap3A_257 : i32 to index
    %swap3A_259 = arith.constant 0 : index
    %swap3A_260 = tpu.vector_load %arg8[%swap3A_258, %swap3A_259] {strides = array<i32>} : memref<65x16xf32, #tpu.memory_space<vmem>>, vector<16xf32>,
    tpu.vector_store %arg8[%swap3A_258, %swap3A_259], %broadcast_in_dim3A_25 {strides = array<i32>} : memref<65x16xf32, #tpu.memory_space<vmem>>, vector<16xf32>,
    %swap3A_261 = arith.constant 29 : i32
    %swap3A_262 = arith.index_cast %swap3A_261 : i32 to index
    %swap3A_263 = arith.constant 0 : index
    %swap3A_264 = tpu.vector_load %arg9[%swap3A_262, %swap3A_263] {strides = array<i32>} : memref<65x16xf32, #tpu.memory_space<vmem>>, vector<16xf32>,
    tpu.vector_store %arg9[%swap3A_262, %swap3A_263], %broadcast_in_dim3A_25 {strides = array<i32>} : memref<65x16xf32, #tpu.memory_space<vmem>>, vector<16xf32>,
    %swap3A_265 = arith.constant 30 : i32
    %swap3A_266 = arith.index_cast %swap3A_265 : i32 to index
    %swap3A_267 = arith.constant 0 : index
    %swap3A_268 = tpu.vector_load %arg8[%swap3A_266, %swap3A_267] {strides = array<i32>} : memref<65x16xf32, #tpu.memory_space<vmem>>, vector<16xf32>,
    tpu.vector_store %arg8[%swap3A_266, %swap3A_267], %broadcast_in_dim3A_25 {strides = array<i32>} : memref<65x16xf32, #tpu.memory_space<vmem>>, vector<16xf32>,
    %swap3A_269 = arith.constant 30 : i32
    %swap3A_270 = arith.index_cast %swap3A_269 : i32 to index
    %swap3A_271 = arith.constant 0 : index
    %swap3A_272 = tpu.vector_load %arg9[%swap3A_270, %swap3A_271] {strides = array<i32>} : memref<65x16xf32, #tpu.memory_space<vmem>>, vector<16xf32>,
    tpu.vector_store %arg9[%swap3A_270, %swap3A_271], %broadcast_in_dim3A_25 {strides = array<i32>} : memref<65x16xf32, #tpu.memory_space<vmem>>, vector<16xf32>,
    %swap3A_273 = arith.constant 31 : i32
    %swap3A_274 = arith.index_cast %swap3A_273 : i32 to index
    %swap3A_275 = arith.constant 0 : index
    %swap3A_276 = tpu.vector_load %arg8[%swap3A_274, %swap3A_275] {strides = array<i32>} : memref<65x16xf32, #tpu.memory_space<vmem>>, vector<16xf32>,
    tpu.vector_store %arg8[%swap3A_274, %swap3A_275], %broadcast_in_dim3A_25 {strides = array<i32>} : memref<65x16xf32, #tpu.memory_space<vmem>>, vector<16xf32>,
    %swap3A_277 = arith.constant 31 : i32
    %swap3A_278 = arith.index_cast %swap3A_277 : i32 to index
    %swap3A_279 = arith.constant 0 : index
    %swap3A_280 = tpu.vector_load %arg9[%swap3A_278, %swap3A_279] {strides = array<i32>} : memref<65x16xf32, #tpu.memory_space<vmem>>, vector<16xf32>,
    tpu.vector_store %arg9[%swap3A_278, %swap3A_279], %broadcast_in_dim3A_25 {strides = array<i32>} : memref<65x16xf32, #tpu.memory_space<vmem>>, vector<16xf32>,
    %swap3A_281 = arith.constant 32 : i32
    %swap3A_282 = arith.index_cast %swap3A_281 : i32 to index
    %swap3A_283 = arith.constant 0 : index
    %swap3A_284 = tpu.vector_load %arg8[%swap3A_282, %swap3A_283] {strides = array<i32>} : memref<65x16xf32, #tpu.memory_space<vmem>>, vector<16xf32>,
    tpu.vector_store %arg8[%swap3A_282, %swap3A_283], %broadcast_in_dim3A_25 {strides = array<i32>} : memref<65x16xf32, #tpu.memory_space<vmem>>, vector<16xf32>,
    %swap3A_285 = arith.constant 32 : i32
    %swap3A_286 = arith.index_cast %swap3A_285 : i32 to index
    %swap3A_287 = arith.constant 0 : index
    %swap3A_288 = tpu.vector_load %arg9[%swap3A_286, %swap3A_287] {strides = array<i32>} : memref<65x16xf32, #tpu.memory_space<vmem>>, vector<16xf32>,
    tpu.vector_store %arg9[%swap3A_286, %swap3A_287], %broadcast_in_dim3A_25 {strides = array<i32>} : memref<65x16xf32, #tpu.memory_space<vmem>>, vector<16xf32>,
    %swap3A_289 = arith.constant 33 : i32
    %swap3A_290 = arith.index_cast %swap3A_289 : i32 to index
    %swap3A_291 = arith.constant 0 : index
    %swap3A_292 = tpu.vector_load %arg8[%swap3A_290, %swap3A_291] {strides = array<i32>} : memref<65x16xf32, #tpu.memory_space<vmem>>, vector<16xf32>,
    tpu.vector_store %arg8[%swap3A_290, %swap3A_291], %broadcast_in_dim3A_25 {strides = array<i32>} : memref<65x16xf32, #tpu.memory_space<vmem>>, vector<16xf32>,
    %swap3A_293 = arith.constant 33 : i32
    %swap3A_294 = arith.index_cast %swap3A_293 : i32 to index
    %swap3A_295 = arith.constant 0 : index
    %swap3A_296 = tpu.vector_load %arg9[%swap3A_294, %swap3A_295] {strides = array<i32>} : memref<65x16xf32, #tpu.memory_space<vmem>>, vector<16xf32>,
    tpu.vector_store %arg9[%swap3A_294, %swap3A_295], %broadcast_in_dim3A_25 {strides = array<i32>} : memref<65x16xf32, #tpu.memory_space<vmem>>, vector<16xf32>,
    %swap3A_297 = arith.constant 34 : i32
    %swap3A_298 = arith.index_cast %swap3A_297 : i32 to index
    %swap3A_299 = arith.constant 0 : index
    %swap3A_300 = tpu.vector_load %arg8[%swap3A_298, %swap3A_299] {strides = array<i32>} : memref<65x16xf32, #tpu.memory_space<vmem>>, vector<16xf32>,
    tpu.vector_store %arg8[%swap3A_298, %swap3A_299], %broadcast_in_dim3A_25 {strides = array<i32>} : memref<65x16xf32, #tpu.memory_space<vmem>>, vector<16xf32>,
    %swap3A_301 = arith.constant 34 : i32
    %swap3A_302 = arith.index_cast %swap3A_301 : i32 to index
    %swap3A_303 = arith.constant 0 : index
    %swap3A_304 = tpu.vector_load %arg9[%swap3A_302, %swap3A_303] {strides = array<i32>} : memref<65x16xf32, #tpu.memory_space<vmem>>, vector<16xf32>,
    tpu.vector_store %arg9[%swap3A_302, %swap3A_303], %broadcast_in_dim3A_25 {strides = array<i32>} : memref<65x16xf32, #tpu.memory_space<vmem>>, vector<16xf32>,
    %swap3A_305 = arith.constant 35 : i32
    %swap3A_306 = arith.index_cast %swap3A_305 : i32 to index
    %swap3A_307 = arith.constant 0 : index
    %swap3A_308 = tpu.vector_load %arg8[%swap3A_306, %swap3A_307] {strides = array<i32>} : memref<65x16xf32, #tpu.memory_space<vmem>>, vector<16xf32>,
    tpu.vector_store %arg8[%swap3A_306, %swap3A_307], %broadcast_in_dim3A_25 {strides = array<i32>} : memref<65x16xf32, #tpu.memory_space<vmem>>, vector<16xf32>,
    %swap3A_309 = arith.constant 35 : i32
    %swap3A_310 = arith.index_cast %swap3A_309 : i32 to index
    %swap3A_311 = arith.constant 0 : index
    %swap3A_312 = tpu.vector_load %arg9[%swap3A_310, %swap3A_311] {strides = array<i32>} : memref<65x16xf32, #tpu.memory_space<vmem>>, vector<16xf32>,
    tpu.vector_store %arg9[%swap3A_310, %swap3A_311], %broadcast_in_dim3A_25 {strides = array<i32>} : memref<65x16xf32, #tpu.memory_space<vmem>>, vector<16xf32>,
    %swap3A_313 = arith.constant 36 : i32
    %swap3A_314 = arith.index_cast %swap3A_313 : i32 to index
    %swap3A_315 = arith.constant 0 : index
    %swap3A_316 = tpu.vector_load %arg8[%swap3A_314, %swap3A_315] {strides = array<i32>} : memref<65x16xf32, #tpu.memory_space<vmem>>, vector<16xf32>,
    tpu.vector_store %arg8[%swap3A_314, %swap3A_315], %broadcast_in_dim3A_25 {strides = array<i32>} : memref<65x16xf32, #tpu.memory_space<vmem>>, vector<16xf32>,
    %swap3A_317 = arith.constant 36 : i32
    %swap3A_318 = arith.index_cast %swap3A_317 : i32 to index
    %swap3A_319 = arith.constant 0 : index
    %swap3A_320 = tpu.vector_load %arg9[%swap3A_318, %swap3A_319] {strides = array<i32>} : memref<65x16xf32, #tpu.memory_space<vmem>>, vector<16xf32>,
    tpu.vector_store %arg9[%swap3A_318, %swap3A_319], %broadcast_in_dim3A_25 {strides = array<i32>} : memref<65x16xf32, #tpu.memory_space<vmem>>, vector<16xf32>,
    %swap3A_321 = arith.constant 37 : i32
    %swap3A_322 = arith.index_cast %swap3A_321 : i32 to index
    %swap3A_323 = arith.constant 0 : index
    %swap3A_324 = tpu.vector_load %arg8[%swap3A_322, %swap3A_323] {strides = array<i32>} : memref<65x16xf32, #tpu.memory_space<vmem>>, vector<16xf32>,
    tpu.vector_store %arg8[%swap3A_322, %swap3A_323], %broadcast_in_dim3A_25 {strides = array<i32>} : memref<65x16xf32, #tpu.memory_space<vmem>>, vector<16xf32>,
    %swap3A_325 = arith.constant 37 : i32
    %swap3A_326 = arith.index_cast %swap3A_325 : i32 to index
    %swap3A_327 = arith.constant 0 : index
    %swap3A_328 = tpu.vector_load %arg9[%swap3A_326, %swap3A_327] {strides = array<i32>} : memref<65x16xf32, #tpu.memory_space<vmem>>, vector<16xf32>,
    tpu.vector_store %arg9[%swap3A_326, %swap3A_327], %broadcast_in_dim3A_25 {strides = array<i32>} : memref<65x16xf32, #tpu.memory_space<vmem>>, vector<16xf32>,
    %swap3A_329 = arith.constant 38 : i32
    %swap3A_330 = arith.index_cast %swap3A_329 : i32 to index
    %swap3A_331 = arith.constant 0 : index
    %swap3A_332 = tpu.vector_load %arg8[%swap3A_330, %swap3A_331] {strides = array<i32>} : memref<65x16xf32, #tpu.memory_space<vmem>>, vector<16xf32>,
    tpu.vector_store %arg8[%swap3A_330, %swap3A_331], %broadcast_in_dim3A_25 {strides = array<i32>} : memref<65x16xf32, #tpu.memory_space<vmem>>, vector<16xf32>,
    %swap3A_333 = arith.constant 38 : i32
    %swap3A_334 = arith.index_cast %swap3A_333 : i32 to index
    %swap3A_335 = arith.constant 0 : index
    %swap3A_336 = tpu.vector_load %arg9[%swap3A_334, %swap3A_335] {strides = array<i32>} : memref<65x16xf32, #tpu.memory_space<vmem>>, vector<16xf32>,
    tpu.vector_store %arg9[%swap3A_334, %swap3A_335], %broadcast_in_dim3A_25 {strides = array<i32>} : memref<65x16xf32, #tpu.memory_space<vmem>>, vector<16xf32>,
    %swap3A_337 = arith.constant 39 : i32
    %swap3A_338 = arith.index_cast %swap3A_337 : i32 to index
    %swap3A_339 = arith.constant 0 : index
    %swap3A_340 = tpu.vector_load %arg8[%swap3A_338, %swap3A_339] {strides = array<i32>} : memref<65x16xf32, #tpu.memory_space<vmem>>, vector<16xf32>,
    tpu.vector_store %arg8[%swap3A_338, %swap3A_339], %broadcast_in_dim3A_25 {strides = array<i32>} : memref<65x16xf32, #tpu.memory_space<vmem>>, vector<16xf32>,
    %swap3A_341 = arith.constant 39 : i32
    %swap3A_342 = arith.index_cast %swap3A_341 : i32 to index
    %swap3A_343 = arith.constant 0 : index
    %swap3A_344 = tpu.vector_load %arg9[%swap3A_342, %swap3A_343] {strides = array<i32>} : memref<65x16xf32, #tpu.memory_space<vmem>>, vector<16xf32>,
    tpu.vector_store %arg9[%swap3A_342, %swap3A_343], %broadcast_in_dim3A_25 {strides = array<i32>} : memref<65x16xf32, #tpu.memory_space<vmem>>, vector<16xf32>,
    %swap3A_345 = arith.constant 40 : i32
    %swap3A_346 = arith.index_cast %swap3A_345 : i32 to index
    %swap3A_347 = arith.constant 0 : index
    %swap3A_348 = tpu.vector_load %arg8[%swap3A_346, %swap3A_347] {strides = array<i32>} : memref<65x16xf32, #tpu.memory_space<vmem>>, vector<16xf32>,
    tpu.vector_store %arg8[%swap3A_346, %swap3A_347], %broadcast_in_dim3A_25 {strides = array<i32>} : memref<65x16xf32, #tpu.memory_space<vmem>>, vector<16xf32>,
    %swap3A_349 = arith.constant 40 : i32
    %swap3A_350 = arith.index_cast %swap3A_349 : i32 to index
    %swap3A_351 = arith.constant 0 : index
    %swap3A_352 = tpu.vector_load %arg9[%swap3A_350, %swap3A_351] {strides = array<i32>} : memref<65x16xf32, #tpu.memory_space<vmem>>, vector<16xf32>,
    tpu.vector_store %arg9[%swap3A_350, %swap3A_351], %broadcast_in_dim3A_25 {strides = array<i32>} : memref<65x16xf32, #tpu.memory_space<vmem>>, vector<16xf32>,
    %swap3A_353 = arith.constant 41 : i32
    %swap3A_354 = arith.index_cast %swap3A_353 : i32 to index
    %swap3A_355 = arith.constant 0 : index
    %swap3A_356 = tpu.vector_load %arg8[%swap3A_354, %swap3A_355] {strides = array<i32>} : memref<65x16xf32, #tpu.memory_space<vmem>>, vector<16xf32>,
    tpu.vector_store %arg8[%swap3A_354, %swap3A_355], %broadcast_in_dim3A_25 {strides = array<i32>} : memref<65x16xf32, #tpu.memory_space<vmem>>, vector<16xf32>,
    %swap3A_357 = arith.constant 41 : i32
    %swap3A_358 = arith.index_cast %swap3A_357 : i32 to index
    %swap3A_359 = arith.constant 0 : index
    %swap3A_360 = tpu.vector_load %arg9[%swap3A_358, %swap3A_359] {strides = array<i32>} : memref<65x16xf32, #tpu.memory_space<vmem>>, vector<16xf32>,
    tpu.vector_store %arg9[%swap3A_358, %swap3A_359], %broadcast_in_dim3A_25 {strides = array<i32>} : memref<65x16xf32, #tpu.memory_space<vmem>>, vector<16xf32>,
    %swap3A_361 = arith.constant 42 : i32
    %swap3A_362 = arith.index_cast %swap3A_361 : i32 to index
    %swap3A_363 = arith.constant 0 : index
    %swap3A_364 = tpu.vector_load %arg8[%swap3A_362, %swap3A_363] {strides = array<i32>} : memref<65x16xf32, #tpu.memory_space<vmem>>, vector<16xf32>,
    tpu.vector_store %arg8[%swap3A_362, %swap3A_363], %broadcast_in_dim3A_25 {strides = array<i32>} : memref<65x16xf32, #tpu.memory_space<vmem>>, vector<16xf32>,
    %swap3A_365 = arith.constant 42 : i32
    %swap3A_366 = arith.index_cast %swap3A_365 : i32 to index
    %swap3A_367 = arith.constant 0 : index
    %swap3A_368 = tpu.vector_load %arg9[%swap3A_366, %swap3A_367] {strides = array<i32>} : memref<65x16xf32, #tpu.memory_space<vmem>>, vector<16xf32>,
    tpu.vector_store %arg9[%swap3A_366, %swap3A_367], %broadcast_in_dim3A_25 {strides = array<i32>} : memref<65x16xf32, #tpu.memory_space<vmem>>, vector<16xf32>,
    %swap3A_369 = arith.constant 43 : i32
    %swap3A_370 = arith.index_cast %swap3A_369 : i32 to index
    %swap3A_371 = arith.constant 0 : index
    %swap3A_372 = tpu.vector_load %arg8[%swap3A_370, %swap3A_371] {strides = array<i32>} : memref<65x16xf32, #tpu.memory_space<vmem>>, vector<16xf32>,
    tpu.vector_store %arg8[%swap3A_370, %swap3A_371], %broadcast_in_dim3A_25 {strides = array<i32>} : memref<65x16xf32, #tpu.memory_space<vmem>>, vector<16xf32>,
    %swap3A_373 = arith.constant 43 : i32
    %swap3A_374 = arith.index_cast %swap3A_373 : i32 to index
    %swap3A_375 = arith.constant 0 : index
    %swap3A_376 = tpu.vector_load %arg9[%swap3A_374, %swap3A_375] {strides = array<i32>} : memref<65x16xf32, #tpu.memory_space<vmem>>, vector<16xf32>,
    tpu.vector_store %arg9[%swap3A_374, %swap3A_375], %broadcast_in_dim3A_25 {strides = array<i32>} : memref<65x16xf32, #tpu.memory_space<vmem>>, vector<16xf32>,
    %swap3A_377 = arith.constant 44 : i32
    %swap3A_378 = arith.index_cast %swap3A_377 : i32 to index
    %swap3A_379 = arith.constant 0 : index
    %swap3A_380 = tpu.vector_load %arg8[%swap3A_378, %swap3A_379] {strides = array<i32>} : memref<65x16xf32, #tpu.memory_space<vmem>>, vector<16xf32>,
    tpu.vector_store %arg8[%swap3A_378, %swap3A_379], %broadcast_in_dim3A_25 {strides = array<i32>} : memref<65x16xf32, #tpu.memory_space<vmem>>, vector<16xf32>,
    %swap3A_381 = arith.constant 44 : i32
    %swap3A_382 = arith.index_cast %swap3A_381 : i32 to index
    %swap3A_383 = arith.constant 0 : index
    %swap3A_384 = tpu.vector_load %arg9[%swap3A_382, %swap3A_383] {strides = array<i32>} : memref<65x16xf32, #tpu.memory_space<vmem>>, vector<16xf32>,
    tpu.vector_store %arg9[%swap3A_382, %swap3A_383], %broadcast_in_dim3A_25 {strides = array<i32>} : memref<65x16xf32, #tpu.memory_space<vmem>>, vector<16xf32>,
    %swap3A_385 = arith.constant 45 : i32
    %swap3A_386 = arith.index_cast %swap3A_385 : i32 to index
    %swap3A_387 = arith.constant 0 : index
    %swap3A_388 = tpu.vector_load %arg8[%swap3A_386, %swap3A_387] {strides = array<i32>} : memref<65x16xf32, #tpu.memory_space<vmem>>, vector<16xf32>,
    tpu.vector_store %arg8[%swap3A_386, %swap3A_387], %broadcast_in_dim3A_25 {strides = array<i32>} : memref<65x16xf32, #tpu.memory_space<vmem>>, vector<16xf32>,
    %swap3A_389 = arith.constant 45 : i32
    %swap3A_390 = arith.index_cast %swap3A_389 : i32 to index
    %swap3A_391 = arith.constant 0 : index
    %swap3A_392 = tpu.vector_load %arg9[%swap3A_390, %swap3A_391] {strides = array<i32>} : memref<65x16xf32, #tpu.memory_space<vmem>>, vector<16xf32>,
    tpu.vector_store %arg9[%swap3A_390, %swap3A_391], %broadcast_in_dim3A_25 {strides = array<i32>} : memref<65x16xf32, #tpu.memory_space<vmem>>, vector<16xf32>,
    %swap3A_393 = arith.constant 46 : i32
    %swap3A_394 = arith.index_cast %swap3A_393 : i32 to index
    %swap3A_395 = arith.constant 0 : index
    %swap3A_396 = tpu.vector_load %arg8[%swap3A_394, %swap3A_395] {strides = array<i32>} : memref<65x16xf32, #tpu.memory_space<vmem>>, vector<16xf32>,
    tpu.vector_store %arg8[%swap3A_394, %swap3A_395], %broadcast_in_dim3A_25 {strides = array<i32>} : memref<65x16xf32, #tpu.memory_space<vmem>>, vector<16xf32>,
    %swap3A_397 = arith.constant 46 : i32
    %swap3A_398 = arith.index_cast %swap3A_397 : i32 to index
    %swap3A_399 = arith.constant 0 : index
    %swap3A_400 = tpu.vector_load %arg9[%swap3A_398, %swap3A_399] {strides = array<i32>} : memref<65x16xf32, #tpu.memory_space<vmem>>, vector<16xf32>,
    tpu.vector_store %arg9[%swap3A_398, %swap3A_399], %broadcast_in_dim3A_25 {strides = array<i32>} : memref<65x16xf32, #tpu.memory_space<vmem>>, vector<16xf32>,
    %swap3A_401 = arith.constant 47 : i32
    %swap3A_402 = arith.index_cast %swap3A_401 : i32 to index
    %swap3A_403 = arith.constant 0 : index
    %swap3A_404 = tpu.vector_load %arg8[%swap3A_402, %swap3A_403] {strides = array<i32>} : memref<65x16xf32, #tpu.memory_space<vmem>>, vector<16xf32>,
    tpu.vector_store %arg8[%swap3A_402, %swap3A_403], %broadcast_in_dim3A_25 {strides = array<i32>} : memref<65x16xf32, #tpu.memory_space<vmem>>, vector<16xf32>,
    %swap3A_405 = arith.constant 47 : i32
    %swap3A_406 = arith.index_cast %swap3A_405 : i32 to index
    %swap3A_407 = arith.constant 0 : index
    %swap3A_408 = tpu.vector_load %arg9[%swap3A_406, %swap3A_407] {strides = array<i32>} : memref<65x16xf32, #tpu.memory_space<vmem>>, vector<16xf32>,
    tpu.vector_store %arg9[%swap3A_406, %swap3A_407], %broadcast_in_dim3A_25 {strides = array<i32>} : memref<65x16xf32, #tpu.memory_space<vmem>>, vector<16xf32>,
    %swap3A_409 = arith.constant 48 : i32
    %swap3A_410 = arith.index_cast %swap3A_409 : i32 to index
    %swap3A_411 = arith.constant 0 : index
    %swap3A_412 = tpu.vector_load %arg8[%swap3A_410, %swap3A_411] {strides = array<i32>} : memref<65x16xf32, #tpu.memory_space<vmem>>, vector<16xf32>,
    tpu.vector_store %arg8[%swap3A_410, %swap3A_411], %broadcast_in_dim3A_25 {strides = array<i32>} : memref<65x16xf32, #tpu.memory_space<vmem>>, vector<16xf32>,
    %swap3A_413 = arith.constant 48 : i32
    %swap3A_414 = arith.index_cast %swap3A_413 : i32 to index
    %swap3A_415 = arith.constant 0 : index
    %swap3A_416 = tpu.vector_load %arg9[%swap3A_414, %swap3A_415] {strides = array<i32>} : memref<65x16xf32, #tpu.memory_space<vmem>>, vector<16xf32>,
    tpu.vector_store %arg9[%swap3A_414, %swap3A_415], %broadcast_in_dim3A_25 {strides = array<i32>} : memref<65x16xf32, #tpu.memory_space<vmem>>, vector<16xf32>,
    %swap3A_417 = arith.constant 49 : i32
    %swap3A_418 = arith.index_cast %swap3A_417 : i32 to index
    %swap3A_419 = arith.constant 0 : index
    %swap3A_420 = tpu.vector_load %arg8[%swap3A_418, %swap3A_419] {strides = array<i32>} : memref<65x16xf32, #tpu.memory_space<vmem>>, vector<16xf32>,
    tpu.vector_store %arg8[%swap3A_418, %swap3A_419], %broadcast_in_dim3A_25 {strides = array<i32>} : memref<65x16xf32, #tpu.memory_space<vmem>>, vector<16xf32>,
    %swap3A_421 = arith.constant 49 : i32
    %swap3A_422 = arith.index_cast %swap3A_421 : i32 to index
    %swap3A_423 = arith.constant 0 : index
    %swap3A_424 = tpu.vector_load %arg9[%swap3A_422, %swap3A_423] {strides = array<i32>} : memref<65x16xf32, #tpu.memory_space<vmem>>, vector<16xf32>,
    tpu.vector_store %arg9[%swap3A_422, %swap3A_423], %broadcast_in_dim3A_25 {strides = array<i32>} : memref<65x16xf32, #tpu.memory_space<vmem>>, vector<16xf32>,
    %swap3A_425 = arith.constant 50 : i32
    %swap3A_426 = arith.index_cast %swap3A_425 : i32 to index
    %swap3A_427 = arith.constant 0 : index
    %swap3A_428 = tpu.vector_load %arg8[%swap3A_426, %swap3A_427] {strides = array<i32>} : memref<65x16xf32, #tpu.memory_space<vmem>>, vector<16xf32>,
    tpu.vector_store %arg8[%swap3A_426, %swap3A_427], %broadcast_in_dim3A_25 {strides = array<i32>} : memref<65x16xf32, #tpu.memory_space<vmem>>, vector<16xf32>,
    %swap3A_429 = arith.constant 50 : i32
    %swap3A_430 = arith.index_cast %swap3A_429 : i32 to index
    %swap3A_431 = arith.constant 0 : index
    %swap3A_432 = tpu.vector_load %arg9[%swap3A_430, %swap3A_431] {strides = array<i32>} : memref<65x16xf32, #tpu.memory_space<vmem>>, vector<16xf32>,
    tpu.vector_store %arg9[%swap3A_430, %swap3A_431], %broadcast_in_dim3A_25 {strides = array<i32>} : memref<65x16xf32, #tpu.memory_space<vmem>>, vector<16xf32>,
    %swap3A_433 = arith.constant 51 : i32
    %swap3A_434 = arith.index_cast %swap3A_433 : i32 to index
    %swap3A_435 = arith.constant 0 : index
    %swap3A_436 = tpu.vector_load %arg8[%swap3A_434, %swap3A_435] {strides = array<i32>} : memref<65x16xf32, #tpu.memory_space<vmem>>, vector<16xf32>,
    tpu.vector_store %arg8[%swap3A_434, %swap3A_435], %broadcast_in_dim3A_25 {strides = array<i32>} : memref<65x16xf32, #tpu.memory_space<vmem>>, vector<16xf32>,
    %swap3A_437 = arith.constant 51 : i32
    %swap3A_438 = arith.index_cast %swap3A_437 : i32 to index
    %swap3A_439 = arith.constant 0 : index
    %swap3A_440 = tpu.vector_load %arg9[%swap3A_438, %swap3A_439] {strides = array<i32>} : memref<65x16xf32, #tpu.memory_space<vmem>>, vector<16xf32>,
    tpu.vector_store %arg9[%swap3A_438, %swap3A_439], %broadcast_in_dim3A_25 {strides = array<i32>} : memref<65x16xf32, #tpu.memory_space<vmem>>, vector<16xf32>,
    %swap3A_441 = arith.constant 52 : i32
    %swap3A_442 = arith.index_cast %swap3A_441 : i32 to index
    %swap3A_443 = arith.constant 0 : index
    %swap3A_444 = tpu.vector_load %arg8[%swap3A_442, %swap3A_443] {strides = array<i32>} : memref<65x16xf32, #tpu.memory_space<vmem>>, vector<16xf32>,
    tpu.vector_store %arg8[%swap3A_442, %swap3A_443], %broadcast_in_dim3A_25 {strides = array<i32>} : memref<65x16xf32, #tpu.memory_space<vmem>>, vector<16xf32>,
    %swap3A_445 = arith.constant 52 : i32
    %swap3A_446 = arith.index_cast %swap3A_445 : i32 to index
    %swap3A_447 = arith.constant 0 : index
    %swap3A_448 = tpu.vector_load %arg9[%swap3A_446, %swap3A_447] {strides = array<i32>} : memref<65x16xf32, #tpu.memory_space<vmem>>, vector<16xf32>,
    tpu.vector_store %arg9[%swap3A_446, %swap3A_447], %broadcast_in_dim3A_25 {strides = array<i32>} : memref<65x16xf32, #tpu.memory_space<vmem>>, vector<16xf32>,
    %swap3A_449 = arith.constant 53 : i32
    %swap3A_450 = arith.index_cast %swap3A_449 : i32 to index
    %swap3A_451 = arith.constant 0 : index
    %swap3A_452 = tpu.vector_load %arg8[%swap3A_450, %swap3A_451] {strides = array<i32>} : memref<65x16xf32, #tpu.memory_space<vmem>>, vector<16xf32>,
    tpu.vector_store %arg8[%swap3A_450, %swap3A_451], %broadcast_in_dim3A_25 {strides = array<i32>} : memref<65x16xf32, #tpu.memory_space<vmem>>, vector<16xf32>,
    %swap3A_453 = arith.constant 53 : i32
    %swap3A_454 = arith.index_cast %swap3A_453 : i32 to index
    %swap3A_455 = arith.constant 0 : index
    %swap3A_456 = tpu.vector_load %arg9[%swap3A_454, %swap3A_455] {strides = array<i32>} : memref<65x16xf32, #tpu.memory_space<vmem>>, vector<16xf32>,
    tpu.vector_store %arg9[%swap3A_454, %swap3A_455], %broadcast_in_dim3A_25 {strides = array<i32>} : memref<65x16xf32, #tpu.memory_space<vmem>>, vector<16xf32>,
    %swap3A_457 = arith.constant 54 : i32
    %swap3A_458 = arith.index_cast %swap3A_457 : i32 to index
    %swap3A_459 = arith.constant 0 : index
    %swap3A_460 = tpu.vector_load %arg8[%swap3A_458, %swap3A_459] {strides = array<i32>} : memref<65x16xf32, #tpu.memory_space<vmem>>, vector<16xf32>,
    tpu.vector_store %arg8[%swap3A_458, %swap3A_459], %broadcast_in_dim3A_25 {strides = array<i32>} : memref<65x16xf32, #tpu.memory_space<vmem>>, vector<16xf32>,
    %swap3A_461 = arith.constant 54 : i32
    %swap3A_462 = arith.index_cast %swap3A_461 : i32 to index
    %swap3A_463 = arith.constant 0 : index
    %swap3A_464 = tpu.vector_load %arg9[%swap3A_462, %swap3A_463] {strides = array<i32>} : memref<65x16xf32, #tpu.memory_space<vmem>>, vector<16xf32>,
    tpu.vector_store %arg9[%swap3A_462, %swap3A_463], %broadcast_in_dim3A_25 {strides = array<i32>} : memref<65x16xf32, #tpu.memory_space<vmem>>, vector<16xf32>,
    %swap3A_465 = arith.constant 55 : i32
    %swap3A_466 = arith.index_cast %swap3A_465 : i32 to index
    %swap3A_467 = arith.constant 0 : index
    %swap3A_468 = tpu.vector_load %arg8[%swap3A_466, %swap3A_467] {strides = array<i32>} : memref<65x16xf32, #tpu.memory_space<vmem>>, vector<16xf32>,
    tpu.vector_store %arg8[%swap3A_466, %swap3A_467], %broadcast_in_dim3A_25 {strides = array<i32>} : memref<65x16xf32, #tpu.memory_space<vmem>>, vector<16xf32>,
    %swap3A_469 = arith.constant 55 : i32
    %swap3A_470 = arith.index_cast %swap3A_469 : i32 to index
    %swap3A_471 = arith.constant 0 : index
    %swap3A_472 = tpu.vector_load %arg9[%swap3A_470, %swap3A_471] {strides = array<i32>} : memref<65x16xf32, #tpu.memory_space<vmem>>, vector<16xf32>,
    tpu.vector_store %arg9[%swap3A_470, %swap3A_471], %broadcast_in_dim3A_25 {strides = array<i32>} : memref<65x16xf32, #tpu.memory_space<vmem>>, vector<16xf32>,
    %swap3A_473 = arith.constant 56 : i32
    %swap3A_474 = arith.index_cast %swap3A_473 : i32 to index
    %swap3A_475 = arith.constant 0 : index
    %swap3A_476 = tpu.vector_load %arg8[%swap3A_474, %swap3A_475] {strides = array<i32>} : memref<65x16xf32, #tpu.memory_space<vmem>>, vector<16xf32>,
    tpu.vector_store %arg8[%swap3A_474, %swap3A_475], %broadcast_in_dim3A_25 {strides = array<i32>} : memref<65x16xf32, #tpu.memory_space<vmem>>, vector<16xf32>,
    %swap3A_477 = arith.constant 56 : i32
    %swap3A_478 = arith.index_cast %swap3A_477 : i32 to index
    %swap3A_479 = arith.constant 0 : index
    %swap3A_480 = tpu.vector_load %arg9[%swap3A_478, %swap3A_479] {strides = array<i32>} : memref<65x16xf32, #tpu.memory_space<vmem>>, vector<16xf32>,
    tpu.vector_store %arg9[%swap3A_478, %swap3A_479], %broadcast_in_dim3A_25 {strides = array<i32>} : memref<65x16xf32, #tpu.memory_space<vmem>>, vector<16xf32>,
    %swap3A_481 = arith.constant 57 : i32
    %swap3A_482 = arith.index_cast %swap3A_481 : i32 to index
    %swap3A_483 = arith.constant 0 : index
    %swap3A_484 = tpu.vector_load %arg8[%swap3A_482, %swap3A_483] {strides = array<i32>} : memref<65x16xf32, #tpu.memory_space<vmem>>, vector<16xf32>,
    tpu.vector_store %arg8[%swap3A_482, %swap3A_483], %broadcast_in_dim3A_25 {strides = array<i32>} : memref<65x16xf32, #tpu.memory_space<vmem>>, vector<16xf32>,
    %swap3A_485 = arith.constant 57 : i32
    %swap3A_486 = arith.index_cast %swap3A_485 : i32 to index
    %swap3A_487 = arith.constant 0 : index
    %swap3A_488 = tpu.vector_load %arg9[%swap3A_486, %swap3A_487] {strides = array<i32>} : memref<65x16xf32, #tpu.memory_space<vmem>>, vector<16xf32>,
    tpu.vector_store %arg9[%swap3A_486, %swap3A_487], %broadcast_in_dim3A_25 {strides = array<i32>} : memref<65x16xf32, #tpu.memory_space<vmem>>, vector<16xf32>,
    %swap3A_489 = arith.constant 58 : i32
    %swap3A_490 = arith.index_cast %swap3A_489 : i32 to index
    %swap3A_491 = arith.constant 0 : index
    %swap3A_492 = tpu.vector_load %arg8[%swap3A_490, %swap3A_491] {strides = array<i32>} : memref<65x16xf32, #tpu.memory_space<vmem>>, vector<16xf32>,
    tpu.vector_store %arg8[%swap3A_490, %swap3A_491], %broadcast_in_dim3A_25 {strides = array<i32>} : memref<65x16xf32, #tpu.memory_space<vmem>>, vector<16xf32>,
    %swap3A_493 = arith.constant 58 : i32
    %swap3A_494 = arith.index_cast %swap3A_493 : i32 to index
    %swap3A_495 = arith.constant 0 : index
    %swap3A_496 = tpu.vector_load %arg9[%swap3A_494, %swap3A_495] {strides = array<i32>} : memref<65x16xf32, #tpu.memory_space<vmem>>, vector<16xf32>,
    tpu.vector_store %arg9[%swap3A_494, %swap3A_495], %broadcast_in_dim3A_25 {strides = array<i32>} : memref<65x16xf32, #tpu.memory_space<vmem>>, vector<16xf32>,
    %swap3A_497 = arith.constant 59 : i32
    %swap3A_498 = arith.index_cast %swap3A_497 : i32 to index
    %swap3A_499 = arith.constant 0 : index
    %swap3A_500 = tpu.vector_load %arg8[%swap3A_498, %swap3A_499] {strides = array<i32>} : memref<65x16xf32, #tpu.memory_space<vmem>>, vector<16xf32>,
    tpu.vector_store %arg8[%swap3A_498, %swap3A_499], %broadcast_in_dim3A_25 {strides = array<i32>} : memref<65x16xf32, #tpu.memory_space<vmem>>, vector<16xf32>,
    %swap3A_501 = arith.constant 59 : i32
    %swap3A_502 = arith.index_cast %swap3A_501 : i32 to index
    %swap3A_503 = arith.constant 0 : index
    %swap3A_504 = tpu.vector_load %arg9[%swap3A_502, %swap3A_503] {strides = array<i32>} : memref<65x16xf32, #tpu.memory_space<vmem>>, vector<16xf32>,
    tpu.vector_store %arg9[%swap3A_502, %swap3A_503], %broadcast_in_dim3A_25 {strides = array<i32>} : memref<65x16xf32, #tpu.memory_space<vmem>>, vector<16xf32>,
    %swap3A_505 = arith.constant 60 : i32
    %swap3A_506 = arith.index_cast %swap3A_505 : i32 to index
    %swap3A_507 = arith.constant 0 : index
    %swap3A_508 = tpu.vector_load %arg8[%swap3A_506, %swap3A_507] {strides = array<i32>} : memref<65x16xf32, #tpu.memory_space<vmem>>, vector<16xf32>,
    tpu.vector_store %arg8[%swap3A_506, %swap3A_507], %broadcast_in_dim3A_25 {strides = array<i32>} : memref<65x16xf32, #tpu.memory_space<vmem>>, vector<16xf32>,
    %swap3A_509 = arith.constant 60 : i32
    %swap3A_510 = arith.index_cast %swap3A_509 : i32 to index
    %swap3A_511 = arith.constant 0 : index
    %swap3A_512 = tpu.vector_load %arg9[%swap3A_510, %swap3A_511] {strides = array<i32>} : memref<65x16xf32, #tpu.memory_space<vmem>>, vector<16xf32>,
    tpu.vector_store %arg9[%swap3A_510, %swap3A_511], %broadcast_in_dim3A_25 {strides = array<i32>} : memref<65x16xf32, #tpu.memory_space<vmem>>, vector<16xf32>,
    %swap3A_513 = arith.constant 61 : i32
    %swap3A_514 = arith.index_cast %swap3A_513 : i32 to index
    %swap3A_515 = arith.constant 0 : index
    %swap3A_516 = tpu.vector_load %arg8[%swap3A_514, %swap3A_515] {strides = array<i32>} : memref<65x16xf32, #tpu.memory_space<vmem>>, vector<16xf32>,
    tpu.vector_store %arg8[%swap3A_514, %swap3A_515], %broadcast_in_dim3A_25 {strides = array<i32>} : memref<65x16xf32, #tpu.memory_space<vmem>>, vector<16xf32>,
    %swap3A_517 = arith.constant 61 : i32
    %swap3A_518 = arith.index_cast %swap3A_517 : i32 to index
    %swap3A_519 = arith.constant 0 : index
    %swap3A_520 = tpu.vector_load %arg9[%swap3A_518, %swap3A_519] {strides = array<i32>} : memref<65x16xf32, #tpu.memory_space<vmem>>, vector<16xf32>,
    tpu.vector_store %arg9[%swap3A_518, %swap3A_519], %broadcast_in_dim3A_25 {strides = array<i32>} : memref<65x16xf32, #tpu.memory_space<vmem>>, vector<16xf32>,
    %swap3A_521 = arith.constant 62 : i32
    %swap3A_522 = arith.index_cast %swap3A_521 : i32 to index
    %swap3A_523 = arith.constant 0 : index
    %swap3A_524 = tpu.vector_load %arg8[%swap3A_522, %swap3A_523] {strides = array<i32>} : memref<65x16xf32, #tpu.memory_space<vmem>>, vector<16xf32>,
    tpu.vector_store %arg8[%swap3A_522, %swap3A_523], %broadcast_in_dim3A_25 {strides = array<i32>} : memref<65x16xf32, #tpu.memory_space<vmem>>, vector<16xf32>,
    %swap3A_525 = arith.constant 62 : i32
    %swap3A_526 = arith.index_cast %swap3A_525 : i32 to index
    %swap3A_527 = arith.constant 0 : index
    %swap3A_528 = tpu.vector_load %arg9[%swap3A_526, %swap3A_527] {strides = array<i32>} : memref<65x16xf32, #tpu.memory_space<vmem>>, vector<16xf32>,
    tpu.vector_store %arg9[%swap3A_526, %swap3A_527], %broadcast_in_dim3A_25 {strides = array<i32>} : memref<65x16xf32, #tpu.memory_space<vmem>>, vector<16xf32>,
    %swap3A_529 = arith.constant 63 : i32
    %swap3A_530 = arith.index_cast %swap3A_529 : i32 to index
    %swap3A_531 = arith.constant 0 : index
    %swap3A_532 = tpu.vector_load %arg8[%swap3A_530, %swap3A_531] {strides = array<i32>} : memref<65x16xf32, #tpu.memory_space<vmem>>, vector<16xf32>,
    tpu.vector_store %arg8[%swap3A_530, %swap3A_531], %broadcast_in_dim3A_25 {strides = array<i32>} : memref<65x16xf32, #tpu.memory_space<vmem>>, vector<16xf32>,
    %swap3A_533 = arith.constant 63 : i32
    %swap3A_534 = arith.index_cast %swap3A_533 : i32 to index
    %swap3A_535 = arith.constant 0 : index
    %swap3A_536 = tpu.vector_load %arg9[%swap3A_534, %swap3A_535] {strides = array<i32>} : memref<65x16xf32, #tpu.memory_space<vmem>>, vector<16xf32>,
    tpu.vector_store %arg9[%swap3A_534, %swap3A_535], %broadcast_in_dim3A_25 {strides = array<i32>} : memref<65x16xf32, #tpu.memory_space<vmem>>, vector<16xf32>,
    %swap3A_537 = arith.constant 64 : i32
    %swap3A_538 = arith.index_cast %swap3A_537 : i32 to index
    %swap3A_539 = arith.constant 0 : index
    %swap3A_540 = tpu.vector_load %arg8[%swap3A_538, %swap3A_539] {strides = array<i32>} : memref<65x16xf32, #tpu.memory_space<vmem>>, vector<16xf32>,
    tpu.vector_store %arg8[%swap3A_538, %swap3A_539], %broadcast_in_dim3A_25 {strides = array<i32>} : memref<65x16xf32, #tpu.memory_space<vmem>>, vector<16xf32>,
    %swap3A_541 = arith.constant 64 : i32
    %swap3A_542 = arith.index_cast %swap3A_541 : i32 to index
    %swap3A_543 = arith.constant 0 : index
    %swap3A_544 = tpu.vector_load %arg9[%swap3A_542, %swap3A_543] {strides = array<i32>} : memref<65x16xf32, #tpu.memory_space<vmem>>, vector<16xf32>,
    tpu.vector_store %arg9[%swap3A_542, %swap3A_543], %broadcast_in_dim3A_25 {strides = array<i32>} : memref<65x16xf32, #tpu.memory_space<vmem>>, vector<16xf32>,
    %add3A_545 = arith.constant 0 : i32
    %add3A_546 = arith.addi %mul3A_2, %add3A_545 : i32
    %dma_start3A = arith.constant 0 : i32
    %dma_start3A_547 = tpu.memref_slice %arg2[%add3A_546, %dma_start3A] : memref<4096x4096xf32, #tpu.memory_space<hbm>> -> memref<2x4096xf32, #tpu.memory_space<hbm>>
    %dma_start3A_548 = arith.constant 0 : i32
    %dma_start3A_549 = tpu.memref_slice %arg2[%add3A_546, %dma_start3A_548] : memref<4096x4096xf32, #tpu.memory_space<hbm>> -> memref<2x4096xf32, #tpu.memory_space<hbm>>
    tpu.enqueue_dma source(%dma_start3A_549 : memref<2x4096xf32, #tpu.memory_space<hbm>>) target(%arg5 : memref<2x4096xf32, #tpu.memory_space<vmem>>) target_semaphore(%arg10 : memref<!tpu.dma_semaphore, #tpu.memory_space<semaphore_mem>>)
    %add3A_550 = arith.constant 2 : i32
    %add3A_551 = arith.addi %mul3A_2, %add3A_550 : i32
    %dma_start3A_552 = arith.constant 0 : i32
    %dma_start3A_553 = tpu.memref_slice %arg2[%add3A_551, %dma_start3A_552] : memref<4096x4096xf32, #tpu.memory_space<hbm>> -> memref<2x4096xf32, #tpu.memory_space<hbm>>
    %dma_start3A_554 = arith.constant 0 : i32
    %dma_start3A_555 = tpu.memref_slice %arg2[%add3A_551, %dma_start3A_554] : memref<4096x4096xf32, #tpu.memory_space<hbm>> -> memref<2x4096xf32, #tpu.memory_space<hbm>>
    tpu.enqueue_dma source(%dma_start3A_555 : memref<2x4096xf32, #tpu.memory_space<hbm>>) target(%arg6 : memref<2x4096xf32, #tpu.memory_space<vmem>>) target_semaphore(%arg11 : memref<!tpu.dma_semaphore, #tpu.memory_space<semaphore_mem>>)
    %scan3A = arith.constant 0 : i32
    %scan3A_556 = arith.constant 0 : i32
    %scan3A_557 = arith.constant 32 : i32
    %scan3A_558 = arith.addi %scan3A_556, %scan3A_557 : i32
    %scan3A_559 = arith.constant 1 : i32
    scf.for %scan3A_1406 = %scan3A_556 to %scan3A_558 step %scan3A_559  : i32 {
      %mul3A_1407 = arith.constant 2 : i32
      %mul3A_1408 = arith.muli %scan3A_1406, %mul3A_1407 : i32
      %dma_wait3A = arith.constant 0 : i32
      %dma_wait3A_1409 = arith.constant 0 : i32
      %dma_wait3A_1410 = tpu.memref_slice %arg2[%dma_wait3A, %dma_wait3A_1409] : memref<4096x4096xf32, #tpu.memory_space<hbm>> -> memref<2x4096xf32, #tpu.memory_space<hbm>>
      %dma_wait3A_1411 = arith.constant 0 : i32
      %dma_wait3A_1412 = arith.constant 0 : i32
      %dma_wait3A_1413 = tpu.memref_slice %arg2[%dma_wait3A_1411, %dma_wait3A_1412] : memref<4096x4096xf32, #tpu.memory_space<hbm>> -> memref<2x4096xf32, #tpu.memory_space<hbm>>
      tpu.wait_dma2 semaphore(%arg10 : memref<!tpu.dma_semaphore, #tpu.memory_space<semaphore_mem>>) src(%dma_wait3A_1413 : memref<2x4096xf32, #tpu.memory_space<hbm>>) dst(%arg5 : memref<2x4096xf32, #tpu.memory_space<vmem>>)
      %parallel_loop3A = arith.constant 0 : i32
      %parallel_loop3A_1414 = arith.constant 256 : i32
      %parallel_loop3A_1415 = arith.constant 2 : i32
      scf.for %parallel_loop3A_1442 = %parallel_loop3A to %parallel_loop3A_1414 step %parallel_loop3A_1415  : i32 {
        %parallel_loop3A_1443 = arith.constant 16 : i32
        %parallel_loop3A_1444 = arith.muli %parallel_loop3A_1442, %parallel_loop3A_1443 : i32
        %parallel_loop3A_1445 = arith.constant 0 : i32
        %parallel_loop3A_1446 = arith.index_cast %parallel_loop3A_1445 : i32 to index
        %parallel_loop3A_1447 = arith.index_cast %parallel_loop3A_1444 : i32 to index
        %parallel_loop3A_1448 = tpu.vector_load %arg5[%parallel_loop3A_1446, %parallel_loop3A_1447] {strides = array<i32>} : memref<2x4096xf32, #tpu.memory_space<vmem>>, vector<16xf32>,
        %parallel_loop3A_1449 = arith.constant 16 : i32
        %parallel_loop3A_1450 = arith.muli %parallel_loop3A_1442, %parallel_loop3A_1449 : i32
        %parallel_loop3A_1451 = arith.constant 16 : i32
        %parallel_loop3A_1452 = arith.addi %parallel_loop3A_1450, %parallel_loop3A_1451 : i32
        %parallel_loop3A_1453 = arith.constant 0 : i32
        %parallel_loop3A_1454 = arith.index_cast %parallel_loop3A_1453 : i32 to index
        %parallel_loop3A_1455 = arith.index_cast %parallel_loop3A_1452 : i32 to index
        %parallel_loop3A_1456 = tpu.vector_load %arg5[%parallel_loop3A_1454, %parallel_loop3A_1455] {strides = array<i32>} : memref<2x4096xf32, #tpu.memory_space<vmem>>, vector<16xf32>,
        %parallel_loop3A_1457 = arith.subf %parallel_loop3A_1448, %get3A_5 : vector<16xf32>
        %parallel_loop3A_1458 = arith.mulf %parallel_loop3A_1457, %select_n3A : vector<16xf32>
        %parallel_loop3A_1459 = arith.subf %parallel_loop3A_1456, %get3A_5 : vector<16xf32>
        %parallel_loop3A_1460 = arith.mulf %parallel_loop3A_1459, %select_n3A : vector<16xf32>
        %parallel_loop3A_1461 = arith.fptosi %parallel_loop3A_1458 : vector<16xf32> to vector<16xi32>
        %parallel_loop3A_1462 = arith.fptosi %parallel_loop3A_1460 : vector<16xf32> to vector<16xi32>
        %parallel_loop3A_1463 = arith.cmpf ole, %parallel_loop3A_1448, %add3A_21 : vector<16xf32>
        tpu.vector_store_idx %arg8[%parallel_loop3A_1461, %iota3A], %broadcast_in_dim3A_23 masked %parallel_loop3A_1463 {add = true} : memref<65x16xf32, #tpu.memory_space<vmem>>[vector<16xi32>, vector<16xi32>], vector<16xf32>, vector<16xi1>
        %parallel_loop3A_1464 = arith.cmpf ole, %parallel_loop3A_1456, %add3A_21 : vector<16xf32>
        tpu.vector_store_idx %arg9[%parallel_loop3A_1462, %iota3A], %broadcast_in_dim3A_23 masked %parallel_loop3A_1464 {add = true} : memref<65x16xf32, #tpu.memory_space<vmem>>[vector<16xi32>, vector<16xi32>], vector<16xf32>, vector<16xi1>
      } {sc.loop_unroll_factor = 4 : i64, sc.parallel_access}
      %parallel_loop3A_1416 = arith.constant 0 : i32
      %parallel_loop3A_1417 = arith.constant 256 : i32
      %parallel_loop3A_1418 = arith.constant 2 : i32
      scf.for %parallel_loop3A_1442 = %parallel_loop3A_1416 to %parallel_loop3A_1417 step %parallel_loop3A_1418  : i32 {
        %parallel_loop3A_1443 = arith.constant 16 : i32
        %parallel_loop3A_1444 = arith.muli %parallel_loop3A_1442, %parallel_loop3A_1443 : i32
        %parallel_loop3A_1445 = arith.constant 1 : i32
        %parallel_loop3A_1446 = arith.index_cast %parallel_loop3A_1445 : i32 to index
        %parallel_loop3A_1447 = arith.index_cast %parallel_loop3A_1444 : i32 to index
        %parallel_loop3A_1448 = tpu.vector_load %arg5[%parallel_loop3A_1446, %parallel_loop3A_1447] {strides = array<i32>} : memref<2x4096xf32, #tpu.memory_space<vmem>>, vector<16xf32>,
        %parallel_loop3A_1449 = arith.constant 16 : i32
        %parallel_loop3A_1450 = arith.muli %parallel_loop3A_1442, %parallel_loop3A_1449 : i32
        %parallel_loop3A_1451 = arith.constant 16 : i32
        %parallel_loop3A_1452 = arith.addi %parallel_loop3A_1450, %parallel_loop3A_1451 : i32
        %parallel_loop3A_1453 = arith.constant 1 : i32
        %parallel_loop3A_1454 = arith.index_cast %parallel_loop3A_1453 : i32 to index
        %parallel_loop3A_1455 = arith.index_cast %parallel_loop3A_1452 : i32 to index
        %parallel_loop3A_1456 = tpu.vector_load %arg5[%parallel_loop3A_1454, %parallel_loop3A_1455] {strides = array<i32>} : memref<2x4096xf32, #tpu.memory_space<vmem>>, vector<16xf32>,
        %parallel_loop3A_1457 = arith.subf %parallel_loop3A_1448, %get3A_5 : vector<16xf32>
        %parallel_loop3A_1458 = arith.mulf %parallel_loop3A_1457, %select_n3A : vector<16xf32>
        %parallel_loop3A_1459 = arith.subf %parallel_loop3A_1456, %get3A_5 : vector<16xf32>
        %parallel_loop3A_1460 = arith.mulf %parallel_loop3A_1459, %select_n3A : vector<16xf32>
        %parallel_loop3A_1461 = arith.fptosi %parallel_loop3A_1458 : vector<16xf32> to vector<16xi32>
        %parallel_loop3A_1462 = arith.fptosi %parallel_loop3A_1460 : vector<16xf32> to vector<16xi32>
        %parallel_loop3A_1463 = arith.cmpf ole, %parallel_loop3A_1448, %add3A_21 : vector<16xf32>
        tpu.vector_store_idx %arg8[%parallel_loop3A_1461, %iota3A], %broadcast_in_dim3A_23 masked %parallel_loop3A_1463 {add = true} : memref<65x16xf32, #tpu.memory_space<vmem>>[vector<16xi32>, vector<16xi32>], vector<16xf32>, vector<16xi1>
        %parallel_loop3A_1464 = arith.cmpf ole, %parallel_loop3A_1456, %add3A_21 : vector<16xf32>
        tpu.vector_store_idx %arg9[%parallel_loop3A_1462, %iota3A], %broadcast_in_dim3A_23 masked %parallel_loop3A_1464 {add = true} : memref<65x16xf32, #tpu.memory_space<vmem>>[vector<16xi32>, vector<16xi32>], vector<16xf32>, vector<16xi1>
      } {sc.loop_unroll_factor = 4 : i64, sc.parallel_access}
      %add3A_1419 = arith.constant 2 : i32
      %add3A_1420 = arith.addi %mul3A_1408, %add3A_1419 : i32
      %lt3A = arith.constant 64 : i32
      %lt3A_1421 = arith.cmpi slt, %add3A_1420, %lt3A : i32
      %convert_element_type3A = arith.extui %lt3A_1421 : i1 to i32
      %cond3A = arith.constant 0 : i32
      %cond3A_1422 = arith.cmpi ne, %convert_element_type3A, %cond3A : i32
      scf.if %cond3A_1422 {
        %add3A_1442 = arith.constant 2 : i32
        %add3A_1443 = arith.addi %mul3A_1408, %add3A_1442 : i32
        %mul3A_1444 = arith.constant 2 : i32
        %mul3A_1445 = arith.muli %add3A_1443, %mul3A_1444 : i32
        %add3A_1446 = arith.addi %mul3A_2, %mul3A_1445 : i32
        %dma_start3A_1447 = arith.constant 0 : i32
        %dma_start3A_1448 = tpu.memref_slice %arg2[%add3A_1446, %dma_start3A_1447] : memref<4096x4096xf32, #tpu.memory_space<hbm>> -> memref<2x4096xf32, #tpu.memory_space<hbm>>
        %dma_start3A_1449 = arith.constant 0 : i32
        %dma_start3A_1450 = tpu.memref_slice %arg2[%add3A_1446, %dma_start3A_1449] : memref<4096x4096xf32, #tpu.memory_space<hbm>> -> memref<2x4096xf32, #tpu.memory_space<hbm>>
        tpu.enqueue_dma source(%dma_start3A_1450 : memref<2x4096xf32, #tpu.memory_space<hbm>>) target(%arg5 : memref<2x4096xf32, #tpu.memory_space<vmem>>) target_semaphore(%arg10 : memref<!tpu.dma_semaphore, #tpu.memory_space<semaphore_mem>>)
      } else {
      }
      %dma_wait3A_1423 = arith.constant 0 : i32
      %dma_wait3A_1424 = arith.constant 0 : i32
      %dma_wait3A_1425 = tpu.memref_slice %arg2[%dma_wait3A_1423, %dma_wait3A_1424] : memref<4096x4096xf32, #tpu.memory_space<hbm>> -> memref<2x4096xf32, #tpu.memory_space<hbm>>
      %dma_wait3A_1426 = arith.constant 0 : i32
      %dma_wait3A_1427 = arith.constant 0 : i32
      %dma_wait3A_1428 = tpu.memref_slice %arg2[%dma_wait3A_1426, %dma_wait3A_1427] : memref<4096x4096xf32, #tpu.memory_space<hbm>> -> memref<2x4096xf32, #tpu.memory_space<hbm>>
      tpu.wait_dma2 semaphore(%arg11 : memref<!tpu.dma_semaphore, #tpu.memory_space<semaphore_mem>>) src(%dma_wait3A_1428 : memref<2x4096xf32, #tpu.memory_space<hbm>>) dst(%arg6 : memref<2x4096xf32, #tpu.memory_space<vmem>>)
      %parallel_loop3A_1429 = arith.constant 0 : i32
      %parallel_loop3A_1430 = arith.constant 256 : i32
      %parallel_loop3A_1431 = arith.constant 2 : i32
      scf.for %parallel_loop3A_1442 = %parallel_loop3A_1429 to %parallel_loop3A_1430 step %parallel_loop3A_1431  : i32 {
        %parallel_loop3A_1443 = arith.constant 16 : i32
        %parallel_loop3A_1444 = arith.muli %parallel_loop3A_1442, %parallel_loop3A_1443 : i32
        %parallel_loop3A_1445 = arith.constant 0 : i32
        %parallel_loop3A_1446 = arith.index_cast %parallel_loop3A_1445 : i32 to index
        %parallel_loop3A_1447 = arith.index_cast %parallel_loop3A_1444 : i32 to index
        %parallel_loop3A_1448 = tpu.vector_load %arg6[%parallel_loop3A_1446, %parallel_loop3A_1447] {strides = array<i32>} : memref<2x4096xf32, #tpu.memory_space<vmem>>, vector<16xf32>,
        %parallel_loop3A_1449 = arith.constant 16 : i32
        %parallel_loop3A_1450 = arith.muli %parallel_loop3A_1442, %parallel_loop3A_1449 : i32
        %parallel_loop3A_1451 = arith.constant 16 : i32
        %parallel_loop3A_1452 = arith.addi %parallel_loop3A_1450, %parallel_loop3A_1451 : i32
        %parallel_loop3A_1453 = arith.constant 0 : i32
        %parallel_loop3A_1454 = arith.index_cast %parallel_loop3A_1453 : i32 to index
        %parallel_loop3A_1455 = arith.index_cast %parallel_loop3A_1452 : i32 to index
        %parallel_loop3A_1456 = tpu.vector_load %arg6[%parallel_loop3A_1454, %parallel_loop3A_1455] {strides = array<i32>} : memref<2x4096xf32, #tpu.memory_space<vmem>>, vector<16xf32>,
        %parallel_loop3A_1457 = arith.subf %parallel_loop3A_1448, %get3A_5 : vector<16xf32>
        %parallel_loop3A_1458 = arith.mulf %parallel_loop3A_1457, %select_n3A : vector<16xf32>
        %parallel_loop3A_1459 = arith.subf %parallel_loop3A_1456, %get3A_5 : vector<16xf32>
        %parallel_loop3A_1460 = arith.mulf %parallel_loop3A_1459, %select_n3A : vector<16xf32>
        %parallel_loop3A_1461 = arith.fptosi %parallel_loop3A_1458 : vector<16xf32> to vector<16xi32>
        %parallel_loop3A_1462 = arith.fptosi %parallel_loop3A_1460 : vector<16xf32> to vector<16xi32>
        %parallel_loop3A_1463 = arith.cmpf ole, %parallel_loop3A_1448, %add3A_21 : vector<16xf32>
        tpu.vector_store_idx %arg8[%parallel_loop3A_1461, %iota3A], %broadcast_in_dim3A_23 masked %parallel_loop3A_1463 {add = true} : memref<65x16xf32, #tpu.memory_space<vmem>>[vector<16xi32>, vector<16xi32>], vector<16xf32>, vector<16xi1>
        %parallel_loop3A_1464 = arith.cmpf ole, %parallel_loop3A_1456, %add3A_21 : vector<16xf32>
        tpu.vector_store_idx %arg9[%parallel_loop3A_1462, %iota3A], %broadcast_in_dim3A_23 masked %parallel_loop3A_1464 {add = true} : memref<65x16xf32, #tpu.memory_space<vmem>>[vector<16xi32>, vector<16xi32>], vector<16xf32>, vector<16xi1>
      } {sc.loop_unroll_factor = 4 : i64, sc.parallel_access}
      %parallel_loop3A_1432 = arith.constant 0 : i32
      %parallel_loop3A_1433 = arith.constant 256 : i32
      %parallel_loop3A_1434 = arith.constant 2 : i32
      scf.for %parallel_loop3A_1442 = %parallel_loop3A_1432 to %parallel_loop3A_1433 step %parallel_loop3A_1434  : i32 {
        %parallel_loop3A_1443 = arith.constant 16 : i32
        %parallel_loop3A_1444 = arith.muli %parallel_loop3A_1442, %parallel_loop3A_1443 : i32
        %parallel_loop3A_1445 = arith.constant 1 : i32
        %parallel_loop3A_1446 = arith.index_cast %parallel_loop3A_1445 : i32 to index
        %parallel_loop3A_1447 = arith.index_cast %parallel_loop3A_1444 : i32 to index
        %parallel_loop3A_1448 = tpu.vector_load %arg6[%parallel_loop3A_1446, %parallel_loop3A_1447] {strides = array<i32>} : memref<2x4096xf32, #tpu.memory_space<vmem>>, vector<16xf32>,
        %parallel_loop3A_1449 = arith.constant 16 : i32
        %parallel_loop3A_1450 = arith.muli %parallel_loop3A_1442, %parallel_loop3A_1449 : i32
        %parallel_loop3A_1451 = arith.constant 16 : i32
        %parallel_loop3A_1452 = arith.addi %parallel_loop3A_1450, %parallel_loop3A_1451 : i32
        %parallel_loop3A_1453 = arith.constant 1 : i32
        %parallel_loop3A_1454 = arith.index_cast %parallel_loop3A_1453 : i32 to index
        %parallel_loop3A_1455 = arith.index_cast %parallel_loop3A_1452 : i32 to index
        %parallel_loop3A_1456 = tpu.vector_load %arg6[%parallel_loop3A_1454, %parallel_loop3A_1455] {strides = array<i32>} : memref<2x4096xf32, #tpu.memory_space<vmem>>, vector<16xf32>,
        %parallel_loop3A_1457 = arith.subf %parallel_loop3A_1448, %get3A_5 : vector<16xf32>
        %parallel_loop3A_1458 = arith.mulf %parallel_loop3A_1457, %select_n3A : vector<16xf32>
        %parallel_loop3A_1459 = arith.subf %parallel_loop3A_1456, %get3A_5 : vector<16xf32>
        %parallel_loop3A_1460 = arith.mulf %parallel_loop3A_1459, %select_n3A : vector<16xf32>
        %parallel_loop3A_1461 = arith.fptosi %parallel_loop3A_1458 : vector<16xf32> to vector<16xi32>
        %parallel_loop3A_1462 = arith.fptosi %parallel_loop3A_1460 : vector<16xf32> to vector<16xi32>
        %parallel_loop3A_1463 = arith.cmpf ole, %parallel_loop3A_1448, %add3A_21 : vector<16xf32>
        tpu.vector_store_idx %arg8[%parallel_loop3A_1461, %iota3A], %broadcast_in_dim3A_23 masked %parallel_loop3A_1463 {add = true} : memref<65x16xf32, #tpu.memory_space<vmem>>[vector<16xi32>, vector<16xi32>], vector<16xf32>, vector<16xi1>
        %parallel_loop3A_1464 = arith.cmpf ole, %parallel_loop3A_1456, %add3A_21 : vector<16xf32>
        tpu.vector_store_idx %arg9[%parallel_loop3A_1462, %iota3A], %broadcast_in_dim3A_23 masked %parallel_loop3A_1464 {add = true} : memref<65x16xf32, #tpu.memory_space<vmem>>[vector<16xi32>, vector<16xi32>], vector<16xf32>, vector<16xi1>
      } {sc.loop_unroll_factor = 4 : i64, sc.parallel_access}
      %add3A_1435 = arith.constant 3 : i32
      %add3A_1436 = arith.addi %mul3A_1408, %add3A_1435 : i32
      %lt3A_1437 = arith.constant 64 : i32
      %lt3A_1438 = arith.cmpi slt, %add3A_1436, %lt3A_1437 : i32
      %convert_element_type3A_1439 = arith.extui %lt3A_1438 : i1 to i32
      %cond3A_1440 = arith.constant 0 : i32
      %cond3A_1441 = arith.cmpi ne, %convert_element_type3A_1439, %cond3A_1440 : i32
      scf.if %cond3A_1441 {
        %add3A_1442 = arith.constant 3 : i32
        %add3A_1443 = arith.addi %mul3A_1408, %add3A_1442 : i32
        %mul3A_1444 = arith.constant 2 : i32
        %mul3A_1445 = arith.muli %add3A_1443, %mul3A_1444 : i32
        %add3A_1446 = arith.addi %mul3A_2, %mul3A_1445 : i32
        %dma_start3A_1447 = arith.constant 0 : i32
        %dma_start3A_1448 = tpu.memref_slice %arg2[%add3A_1446, %dma_start3A_1447] : memref<4096x4096xf32, #tpu.memory_space<hbm>> -> memref<2x4096xf32, #tpu.memory_space<hbm>>
        %dma_start3A_1449 = arith.constant 0 : i32
        %dma_start3A_1450 = tpu.memref_slice %arg2[%add3A_1446, %dma_start3A_1449] : memref<4096x4096xf32, #tpu.memory_space<hbm>> -> memref<2x4096xf32, #tpu.memory_space<hbm>>
        tpu.enqueue_dma source(%dma_start3A_1450 : memref<2x4096xf32, #tpu.memory_space<hbm>>) target(%arg6 : memref<2x4096xf32, #tpu.memory_space<vmem>>) target_semaphore(%arg11 : memref<!tpu.dma_semaphore, #tpu.memory_space<semaphore_mem>>)
      } else {
      }
    }
    %scan3A_560 = arith.constant 32 : i32
    %get3A_561 = arith.constant 0 : i32
    %get3A_562 = arith.index_cast %get3A_561 : i32 to index
    %get3A_563 = arith.constant 0 : index
    %get3A_564 = tpu.vector_load %arg8[%get3A_562, %get3A_563] {strides = array<i32>} : memref<65x16xf32, #tpu.memory_space<vmem>>, vector<16xf32>,
    %get3A_565 = arith.constant 0 : i32
    %get3A_566 = arith.index_cast %get3A_565 : i32 to index
    %get3A_567 = arith.constant 0 : index
    %get3A_568 = tpu.vector_load %arg9[%get3A_566, %get3A_567] {strides = array<i32>} : memref<65x16xf32, #tpu.memory_space<vmem>>, vector<16xf32>,
    %add3A_569 = arith.addf %get3A_564, %get3A_568 : vector<16xf32>
    %swap3A_570 = arith.constant 0 : i32
    %swap3A_571 = arith.index_cast %swap3A_570 : i32 to index
    %swap3A_572 = arith.constant 0 : index
    %swap3A_573 = tpu.vector_load %arg8[%swap3A_571, %swap3A_572] {strides = array<i32>} : memref<65x16xf32, #tpu.memory_space<vmem>>, vector<16xf32>,
    tpu.vector_store %arg8[%swap3A_571, %swap3A_572], %add3A_569 {strides = array<i32>} : memref<65x16xf32, #tpu.memory_space<vmem>>, vector<16xf32>,
    %get3A_574 = arith.constant 1 : i32
    %get3A_575 = arith.index_cast %get3A_574 : i32 to index
    %get3A_576 = arith.constant 0 : index
    %get3A_577 = tpu.vector_load %arg8[%get3A_575, %get3A_576] {strides = array<i32>} : memref<65x16xf32, #tpu.memory_space<vmem>>, vector<16xf32>,
    %get3A_578 = arith.constant 1 : i32
    %get3A_579 = arith.index_cast %get3A_578 : i32 to index
    %get3A_580 = arith.constant 0 : index
    %get3A_581 = tpu.vector_load %arg9[%get3A_579, %get3A_580] {strides = array<i32>} : memref<65x16xf32, #tpu.memory_space<vmem>>, vector<16xf32>,
    %add3A_582 = arith.addf %get3A_577, %get3A_581 : vector<16xf32>
    %swap3A_583 = arith.constant 1 : i32
    %swap3A_584 = arith.index_cast %swap3A_583 : i32 to index
    %swap3A_585 = arith.constant 0 : index
    %swap3A_586 = tpu.vector_load %arg8[%swap3A_584, %swap3A_585] {strides = array<i32>} : memref<65x16xf32, #tpu.memory_space<vmem>>, vector<16xf32>,
    tpu.vector_store %arg8[%swap3A_584, %swap3A_585], %add3A_582 {strides = array<i32>} : memref<65x16xf32, #tpu.memory_space<vmem>>, vector<16xf32>,
    %get3A_587 = arith.constant 2 : i32
    %get3A_588 = arith.index_cast %get3A_587 : i32 to index
    %get3A_589 = arith.constant 0 : index
    %get3A_590 = tpu.vector_load %arg8[%get3A_588, %get3A_589] {strides = array<i32>} : memref<65x16xf32, #tpu.memory_space<vmem>>, vector<16xf32>,
    %get3A_591 = arith.constant 2 : i32
    %get3A_592 = arith.index_cast %get3A_591 : i32 to index
    %get3A_593 = arith.constant 0 : index
    %get3A_594 = tpu.vector_load %arg9[%get3A_592, %get3A_593] {strides = array<i32>} : memref<65x16xf32, #tpu.memory_space<vmem>>, vector<16xf32>,
    %add3A_595 = arith.addf %get3A_590, %get3A_594 : vector<16xf32>
    %swap3A_596 = arith.constant 2 : i32
    %swap3A_597 = arith.index_cast %swap3A_596 : i32 to index
    %swap3A_598 = arith.constant 0 : index
    %swap3A_599 = tpu.vector_load %arg8[%swap3A_597, %swap3A_598] {strides = array<i32>} : memref<65x16xf32, #tpu.memory_space<vmem>>, vector<16xf32>,
    tpu.vector_store %arg8[%swap3A_597, %swap3A_598], %add3A_595 {strides = array<i32>} : memref<65x16xf32, #tpu.memory_space<vmem>>, vector<16xf32>,
    %get3A_600 = arith.constant 3 : i32
    %get3A_601 = arith.index_cast %get3A_600 : i32 to index
    %get3A_602 = arith.constant 0 : index
    %get3A_603 = tpu.vector_load %arg8[%get3A_601, %get3A_602] {strides = array<i32>} : memref<65x16xf32, #tpu.memory_space<vmem>>, vector<16xf32>,
    %get3A_604 = arith.constant 3 : i32
    %get3A_605 = arith.index_cast %get3A_604 : i32 to index
    %get3A_606 = arith.constant 0 : index
    %get3A_607 = tpu.vector_load %arg9[%get3A_605, %get3A_606] {strides = array<i32>} : memref<65x16xf32, #tpu.memory_space<vmem>>, vector<16xf32>,
    %add3A_608 = arith.addf %get3A_603, %get3A_607 : vector<16xf32>
    %swap3A_609 = arith.constant 3 : i32
    %swap3A_610 = arith.index_cast %swap3A_609 : i32 to index
    %swap3A_611 = arith.constant 0 : index
    %swap3A_612 = tpu.vector_load %arg8[%swap3A_610, %swap3A_611] {strides = array<i32>} : memref<65x16xf32, #tpu.memory_space<vmem>>, vector<16xf32>,
    tpu.vector_store %arg8[%swap3A_610, %swap3A_611], %add3A_608 {strides = array<i32>} : memref<65x16xf32, #tpu.memory_space<vmem>>, vector<16xf32>,
    %get3A_613 = arith.constant 4 : i32
    %get3A_614 = arith.index_cast %get3A_613 : i32 to index
    %get3A_615 = arith.constant 0 : index
    %get3A_616 = tpu.vector_load %arg8[%get3A_614, %get3A_615] {strides = array<i32>} : memref<65x16xf32, #tpu.memory_space<vmem>>, vector<16xf32>,
    %get3A_617 = arith.constant 4 : i32
    %get3A_618 = arith.index_cast %get3A_617 : i32 to index
    %get3A_619 = arith.constant 0 : index
    %get3A_620 = tpu.vector_load %arg9[%get3A_618, %get3A_619] {strides = array<i32>} : memref<65x16xf32, #tpu.memory_space<vmem>>, vector<16xf32>,
    %add3A_621 = arith.addf %get3A_616, %get3A_620 : vector<16xf32>
    %swap3A_622 = arith.constant 4 : i32
    %swap3A_623 = arith.index_cast %swap3A_622 : i32 to index
    %swap3A_624 = arith.constant 0 : index
    %swap3A_625 = tpu.vector_load %arg8[%swap3A_623, %swap3A_624] {strides = array<i32>} : memref<65x16xf32, #tpu.memory_space<vmem>>, vector<16xf32>,
    tpu.vector_store %arg8[%swap3A_623, %swap3A_624], %add3A_621 {strides = array<i32>} : memref<65x16xf32, #tpu.memory_space<vmem>>, vector<16xf32>,
    %get3A_626 = arith.constant 5 : i32
    %get3A_627 = arith.index_cast %get3A_626 : i32 to index
    %get3A_628 = arith.constant 0 : index
    %get3A_629 = tpu.vector_load %arg8[%get3A_627, %get3A_628] {strides = array<i32>} : memref<65x16xf32, #tpu.memory_space<vmem>>, vector<16xf32>,
    %get3A_630 = arith.constant 5 : i32
    %get3A_631 = arith.index_cast %get3A_630 : i32 to index
    %get3A_632 = arith.constant 0 : index
    %get3A_633 = tpu.vector_load %arg9[%get3A_631, %get3A_632] {strides = array<i32>} : memref<65x16xf32, #tpu.memory_space<vmem>>, vector<16xf32>,
    %add3A_634 = arith.addf %get3A_629, %get3A_633 : vector<16xf32>
    %swap3A_635 = arith.constant 5 : i32
    %swap3A_636 = arith.index_cast %swap3A_635 : i32 to index
    %swap3A_637 = arith.constant 0 : index
    %swap3A_638 = tpu.vector_load %arg8[%swap3A_636, %swap3A_637] {strides = array<i32>} : memref<65x16xf32, #tpu.memory_space<vmem>>, vector<16xf32>,
    tpu.vector_store %arg8[%swap3A_636, %swap3A_637], %add3A_634 {strides = array<i32>} : memref<65x16xf32, #tpu.memory_space<vmem>>, vector<16xf32>,
    %get3A_639 = arith.constant 6 : i32
    %get3A_640 = arith.index_cast %get3A_639 : i32 to index
    %get3A_641 = arith.constant 0 : index
    %get3A_642 = tpu.vector_load %arg8[%get3A_640, %get3A_641] {strides = array<i32>} : memref<65x16xf32, #tpu.memory_space<vmem>>, vector<16xf32>,
    %get3A_643 = arith.constant 6 : i32
    %get3A_644 = arith.index_cast %get3A_643 : i32 to index
    %get3A_645 = arith.constant 0 : index
    %get3A_646 = tpu.vector_load %arg9[%get3A_644, %get3A_645] {strides = array<i32>} : memref<65x16xf32, #tpu.memory_space<vmem>>, vector<16xf32>,
    %add3A_647 = arith.addf %get3A_642, %get3A_646 : vector<16xf32>
    %swap3A_648 = arith.constant 6 : i32
    %swap3A_649 = arith.index_cast %swap3A_648 : i32 to index
    %swap3A_650 = arith.constant 0 : index
    %swap3A_651 = tpu.vector_load %arg8[%swap3A_649, %swap3A_650] {strides = array<i32>} : memref<65x16xf32, #tpu.memory_space<vmem>>, vector<16xf32>,
    tpu.vector_store %arg8[%swap3A_649, %swap3A_650], %add3A_647 {strides = array<i32>} : memref<65x16xf32, #tpu.memory_space<vmem>>, vector<16xf32>,
    %get3A_652 = arith.constant 7 : i32
    %get3A_653 = arith.index_cast %get3A_652 : i32 to index
    %get3A_654 = arith.constant 0 : index
    %get3A_655 = tpu.vector_load %arg8[%get3A_653, %get3A_654] {strides = array<i32>} : memref<65x16xf32, #tpu.memory_space<vmem>>, vector<16xf32>,
    %get3A_656 = arith.constant 7 : i32
    %get3A_657 = arith.index_cast %get3A_656 : i32 to index
    %get3A_658 = arith.constant 0 : index
    %get3A_659 = tpu.vector_load %arg9[%get3A_657, %get3A_658] {strides = array<i32>} : memref<65x16xf32, #tpu.memory_space<vmem>>, vector<16xf32>,
    %add3A_660 = arith.addf %get3A_655, %get3A_659 : vector<16xf32>
    %swap3A_661 = arith.constant 7 : i32
    %swap3A_662 = arith.index_cast %swap3A_661 : i32 to index
    %swap3A_663 = arith.constant 0 : index
    %swap3A_664 = tpu.vector_load %arg8[%swap3A_662, %swap3A_663] {strides = array<i32>} : memref<65x16xf32, #tpu.memory_space<vmem>>, vector<16xf32>,
    tpu.vector_store %arg8[%swap3A_662, %swap3A_663], %add3A_660 {strides = array<i32>} : memref<65x16xf32, #tpu.memory_space<vmem>>, vector<16xf32>,
    %get3A_665 = arith.constant 8 : i32
    %get3A_666 = arith.index_cast %get3A_665 : i32 to index
    %get3A_667 = arith.constant 0 : index
    %get3A_668 = tpu.vector_load %arg8[%get3A_666, %get3A_667] {strides = array<i32>} : memref<65x16xf32, #tpu.memory_space<vmem>>, vector<16xf32>,
    %get3A_669 = arith.constant 8 : i32
    %get3A_670 = arith.index_cast %get3A_669 : i32 to index
    %get3A_671 = arith.constant 0 : index
    %get3A_672 = tpu.vector_load %arg9[%get3A_670, %get3A_671] {strides = array<i32>} : memref<65x16xf32, #tpu.memory_space<vmem>>, vector<16xf32>,
    %add3A_673 = arith.addf %get3A_668, %get3A_672 : vector<16xf32>
    %swap3A_674 = arith.constant 8 : i32
    %swap3A_675 = arith.index_cast %swap3A_674 : i32 to index
    %swap3A_676 = arith.constant 0 : index
    %swap3A_677 = tpu.vector_load %arg8[%swap3A_675, %swap3A_676] {strides = array<i32>} : memref<65x16xf32, #tpu.memory_space<vmem>>, vector<16xf32>,
    tpu.vector_store %arg8[%swap3A_675, %swap3A_676], %add3A_673 {strides = array<i32>} : memref<65x16xf32, #tpu.memory_space<vmem>>, vector<16xf32>,
    %get3A_678 = arith.constant 9 : i32
    %get3A_679 = arith.index_cast %get3A_678 : i32 to index
    %get3A_680 = arith.constant 0 : index
    %get3A_681 = tpu.vector_load %arg8[%get3A_679, %get3A_680] {strides = array<i32>} : memref<65x16xf32, #tpu.memory_space<vmem>>, vector<16xf32>,
    %get3A_682 = arith.constant 9 : i32
    %get3A_683 = arith.index_cast %get3A_682 : i32 to index
    %get3A_684 = arith.constant 0 : index
    %get3A_685 = tpu.vector_load %arg9[%get3A_683, %get3A_684] {strides = array<i32>} : memref<65x16xf32, #tpu.memory_space<vmem>>, vector<16xf32>,
    %add3A_686 = arith.addf %get3A_681, %get3A_685 : vector<16xf32>
    %swap3A_687 = arith.constant 9 : i32
    %swap3A_688 = arith.index_cast %swap3A_687 : i32 to index
    %swap3A_689 = arith.constant 0 : index
    %swap3A_690 = tpu.vector_load %arg8[%swap3A_688, %swap3A_689] {strides = array<i32>} : memref<65x16xf32, #tpu.memory_space<vmem>>, vector<16xf32>,
    tpu.vector_store %arg8[%swap3A_688, %swap3A_689], %add3A_686 {strides = array<i32>} : memref<65x16xf32, #tpu.memory_space<vmem>>, vector<16xf32>,
    %get3A_691 = arith.constant 10 : i32
    %get3A_692 = arith.index_cast %get3A_691 : i32 to index
    %get3A_693 = arith.constant 0 : index
    %get3A_694 = tpu.vector_load %arg8[%get3A_692, %get3A_693] {strides = array<i32>} : memref<65x16xf32, #tpu.memory_space<vmem>>, vector<16xf32>,
    %get3A_695 = arith.constant 10 : i32
    %get3A_696 = arith.index_cast %get3A_695 : i32 to index
    %get3A_697 = arith.constant 0 : index
    %get3A_698 = tpu.vector_load %arg9[%get3A_696, %get3A_697] {strides = array<i32>} : memref<65x16xf32, #tpu.memory_space<vmem>>, vector<16xf32>,
    %add3A_699 = arith.addf %get3A_694, %get3A_698 : vector<16xf32>
    %swap3A_700 = arith.constant 10 : i32
    %swap3A_701 = arith.index_cast %swap3A_700 : i32 to index
    %swap3A_702 = arith.constant 0 : index
    %swap3A_703 = tpu.vector_load %arg8[%swap3A_701, %swap3A_702] {strides = array<i32>} : memref<65x16xf32, #tpu.memory_space<vmem>>, vector<16xf32>,
    tpu.vector_store %arg8[%swap3A_701, %swap3A_702], %add3A_699 {strides = array<i32>} : memref<65x16xf32, #tpu.memory_space<vmem>>, vector<16xf32>,
    %get3A_704 = arith.constant 11 : i32
    %get3A_705 = arith.index_cast %get3A_704 : i32 to index
    %get3A_706 = arith.constant 0 : index
    %get3A_707 = tpu.vector_load %arg8[%get3A_705, %get3A_706] {strides = array<i32>} : memref<65x16xf32, #tpu.memory_space<vmem>>, vector<16xf32>,
    %get3A_708 = arith.constant 11 : i32
    %get3A_709 = arith.index_cast %get3A_708 : i32 to index
    %get3A_710 = arith.constant 0 : index
    %get3A_711 = tpu.vector_load %arg9[%get3A_709, %get3A_710] {strides = array<i32>} : memref<65x16xf32, #tpu.memory_space<vmem>>, vector<16xf32>,
    %add3A_712 = arith.addf %get3A_707, %get3A_711 : vector<16xf32>
    %swap3A_713 = arith.constant 11 : i32
    %swap3A_714 = arith.index_cast %swap3A_713 : i32 to index
    %swap3A_715 = arith.constant 0 : index
    %swap3A_716 = tpu.vector_load %arg8[%swap3A_714, %swap3A_715] {strides = array<i32>} : memref<65x16xf32, #tpu.memory_space<vmem>>, vector<16xf32>,
    tpu.vector_store %arg8[%swap3A_714, %swap3A_715], %add3A_712 {strides = array<i32>} : memref<65x16xf32, #tpu.memory_space<vmem>>, vector<16xf32>,
    %get3A_717 = arith.constant 12 : i32
    %get3A_718 = arith.index_cast %get3A_717 : i32 to index
    %get3A_719 = arith.constant 0 : index
    %get3A_720 = tpu.vector_load %arg8[%get3A_718, %get3A_719] {strides = array<i32>} : memref<65x16xf32, #tpu.memory_space<vmem>>, vector<16xf32>,
    %get3A_721 = arith.constant 12 : i32
    %get3A_722 = arith.index_cast %get3A_721 : i32 to index
    %get3A_723 = arith.constant 0 : index
    %get3A_724 = tpu.vector_load %arg9[%get3A_722, %get3A_723] {strides = array<i32>} : memref<65x16xf32, #tpu.memory_space<vmem>>, vector<16xf32>,
    %add3A_725 = arith.addf %get3A_720, %get3A_724 : vector<16xf32>
    %swap3A_726 = arith.constant 12 : i32
    %swap3A_727 = arith.index_cast %swap3A_726 : i32 to index
    %swap3A_728 = arith.constant 0 : index
    %swap3A_729 = tpu.vector_load %arg8[%swap3A_727, %swap3A_728] {strides = array<i32>} : memref<65x16xf32, #tpu.memory_space<vmem>>, vector<16xf32>,
    tpu.vector_store %arg8[%swap3A_727, %swap3A_728], %add3A_725 {strides = array<i32>} : memref<65x16xf32, #tpu.memory_space<vmem>>, vector<16xf32>,
    %get3A_730 = arith.constant 13 : i32
    %get3A_731 = arith.index_cast %get3A_730 : i32 to index
    %get3A_732 = arith.constant 0 : index
    %get3A_733 = tpu.vector_load %arg8[%get3A_731, %get3A_732] {strides = array<i32>} : memref<65x16xf32, #tpu.memory_space<vmem>>, vector<16xf32>,
    %get3A_734 = arith.constant 13 : i32
    %get3A_735 = arith.index_cast %get3A_734 : i32 to index
    %get3A_736 = arith.constant 0 : index
    %get3A_737 = tpu.vector_load %arg9[%get3A_735, %get3A_736] {strides = array<i32>} : memref<65x16xf32, #tpu.memory_space<vmem>>, vector<16xf32>,
    %add3A_738 = arith.addf %get3A_733, %get3A_737 : vector<16xf32>
    %swap3A_739 = arith.constant 13 : i32
    %swap3A_740 = arith.index_cast %swap3A_739 : i32 to index
    %swap3A_741 = arith.constant 0 : index
    %swap3A_742 = tpu.vector_load %arg8[%swap3A_740, %swap3A_741] {strides = array<i32>} : memref<65x16xf32, #tpu.memory_space<vmem>>, vector<16xf32>,
    tpu.vector_store %arg8[%swap3A_740, %swap3A_741], %add3A_738 {strides = array<i32>} : memref<65x16xf32, #tpu.memory_space<vmem>>, vector<16xf32>,
    %get3A_743 = arith.constant 14 : i32
    %get3A_744 = arith.index_cast %get3A_743 : i32 to index
    %get3A_745 = arith.constant 0 : index
    %get3A_746 = tpu.vector_load %arg8[%get3A_744, %get3A_745] {strides = array<i32>} : memref<65x16xf32, #tpu.memory_space<vmem>>, vector<16xf32>,
    %get3A_747 = arith.constant 14 : i32
    %get3A_748 = arith.index_cast %get3A_747 : i32 to index
    %get3A_749 = arith.constant 0 : index
    %get3A_750 = tpu.vector_load %arg9[%get3A_748, %get3A_749] {strides = array<i32>} : memref<65x16xf32, #tpu.memory_space<vmem>>, vector<16xf32>,
    %add3A_751 = arith.addf %get3A_746, %get3A_750 : vector<16xf32>
    %swap3A_752 = arith.constant 14 : i32
    %swap3A_753 = arith.index_cast %swap3A_752 : i32 to index
    %swap3A_754 = arith.constant 0 : index
    %swap3A_755 = tpu.vector_load %arg8[%swap3A_753, %swap3A_754] {strides = array<i32>} : memref<65x16xf32, #tpu.memory_space<vmem>>, vector<16xf32>,
    tpu.vector_store %arg8[%swap3A_753, %swap3A_754], %add3A_751 {strides = array<i32>} : memref<65x16xf32, #tpu.memory_space<vmem>>, vector<16xf32>,
    %get3A_756 = arith.constant 15 : i32
    %get3A_757 = arith.index_cast %get3A_756 : i32 to index
    %get3A_758 = arith.constant 0 : index
    %get3A_759 = tpu.vector_load %arg8[%get3A_757, %get3A_758] {strides = array<i32>} : memref<65x16xf32, #tpu.memory_space<vmem>>, vector<16xf32>,
    %get3A_760 = arith.constant 15 : i32
    %get3A_761 = arith.index_cast %get3A_760 : i32 to index
    %get3A_762 = arith.constant 0 : index
    %get3A_763 = tpu.vector_load %arg9[%get3A_761, %get3A_762] {strides = array<i32>} : memref<65x16xf32, #tpu.memory_space<vmem>>, vector<16xf32>,
    %add3A_764 = arith.addf %get3A_759, %get3A_763 : vector<16xf32>
    %swap3A_765 = arith.constant 15 : i32
    %swap3A_766 = arith.index_cast %swap3A_765 : i32 to index
    %swap3A_767 = arith.constant 0 : index
    %swap3A_768 = tpu.vector_load %arg8[%swap3A_766, %swap3A_767] {strides = array<i32>} : memref<65x16xf32, #tpu.memory_space<vmem>>, vector<16xf32>,
    tpu.vector_store %arg8[%swap3A_766, %swap3A_767], %add3A_764 {strides = array<i32>} : memref<65x16xf32, #tpu.memory_space<vmem>>, vector<16xf32>,
    %get3A_769 = arith.constant 16 : i32
    %get3A_770 = arith.index_cast %get3A_769 : i32 to index
    %get3A_771 = arith.constant 0 : index
    %get3A_772 = tpu.vector_load %arg8[%get3A_770, %get3A_771] {strides = array<i32>} : memref<65x16xf32, #tpu.memory_space<vmem>>, vector<16xf32>,
    %get3A_773 = arith.constant 16 : i32
    %get3A_774 = arith.index_cast %get3A_773 : i32 to index
    %get3A_775 = arith.constant 0 : index
    %get3A_776 = tpu.vector_load %arg9[%get3A_774, %get3A_775] {strides = array<i32>} : memref<65x16xf32, #tpu.memory_space<vmem>>, vector<16xf32>,
    %add3A_777 = arith.addf %get3A_772, %get3A_776 : vector<16xf32>
    %swap3A_778 = arith.constant 16 : i32
    %swap3A_779 = arith.index_cast %swap3A_778 : i32 to index
    %swap3A_780 = arith.constant 0 : index
    %swap3A_781 = tpu.vector_load %arg8[%swap3A_779, %swap3A_780] {strides = array<i32>} : memref<65x16xf32, #tpu.memory_space<vmem>>, vector<16xf32>,
    tpu.vector_store %arg8[%swap3A_779, %swap3A_780], %add3A_777 {strides = array<i32>} : memref<65x16xf32, #tpu.memory_space<vmem>>, vector<16xf32>,
    %get3A_782 = arith.constant 17 : i32
    %get3A_783 = arith.index_cast %get3A_782 : i32 to index
    %get3A_784 = arith.constant 0 : index
    %get3A_785 = tpu.vector_load %arg8[%get3A_783, %get3A_784] {strides = array<i32>} : memref<65x16xf32, #tpu.memory_space<vmem>>, vector<16xf32>,
    %get3A_786 = arith.constant 17 : i32
    %get3A_787 = arith.index_cast %get3A_786 : i32 to index
    %get3A_788 = arith.constant 0 : index
    %get3A_789 = tpu.vector_load %arg9[%get3A_787, %get3A_788] {strides = array<i32>} : memref<65x16xf32, #tpu.memory_space<vmem>>, vector<16xf32>,
    %add3A_790 = arith.addf %get3A_785, %get3A_789 : vector<16xf32>
    %swap3A_791 = arith.constant 17 : i32
    %swap3A_792 = arith.index_cast %swap3A_791 : i32 to index
    %swap3A_793 = arith.constant 0 : index
    %swap3A_794 = tpu.vector_load %arg8[%swap3A_792, %swap3A_793] {strides = array<i32>} : memref<65x16xf32, #tpu.memory_space<vmem>>, vector<16xf32>,
    tpu.vector_store %arg8[%swap3A_792, %swap3A_793], %add3A_790 {strides = array<i32>} : memref<65x16xf32, #tpu.memory_space<vmem>>, vector<16xf32>,
    %get3A_795 = arith.constant 18 : i32
    %get3A_796 = arith.index_cast %get3A_795 : i32 to index
    %get3A_797 = arith.constant 0 : index
    %get3A_798 = tpu.vector_load %arg8[%get3A_796, %get3A_797] {strides = array<i32>} : memref<65x16xf32, #tpu.memory_space<vmem>>, vector<16xf32>,
    %get3A_799 = arith.constant 18 : i32
    %get3A_800 = arith.index_cast %get3A_799 : i32 to index
    %get3A_801 = arith.constant 0 : index
    %get3A_802 = tpu.vector_load %arg9[%get3A_800, %get3A_801] {strides = array<i32>} : memref<65x16xf32, #tpu.memory_space<vmem>>, vector<16xf32>,
    %add3A_803 = arith.addf %get3A_798, %get3A_802 : vector<16xf32>
    %swap3A_804 = arith.constant 18 : i32
    %swap3A_805 = arith.index_cast %swap3A_804 : i32 to index
    %swap3A_806 = arith.constant 0 : index
    %swap3A_807 = tpu.vector_load %arg8[%swap3A_805, %swap3A_806] {strides = array<i32>} : memref<65x16xf32, #tpu.memory_space<vmem>>, vector<16xf32>,
    tpu.vector_store %arg8[%swap3A_805, %swap3A_806], %add3A_803 {strides = array<i32>} : memref<65x16xf32, #tpu.memory_space<vmem>>, vector<16xf32>,
    %get3A_808 = arith.constant 19 : i32
    %get3A_809 = arith.index_cast %get3A_808 : i32 to index
    %get3A_810 = arith.constant 0 : index
    %get3A_811 = tpu.vector_load %arg8[%get3A_809, %get3A_810] {strides = array<i32>} : memref<65x16xf32, #tpu.memory_space<vmem>>, vector<16xf32>,
    %get3A_812 = arith.constant 19 : i32
    %get3A_813 = arith.index_cast %get3A_812 : i32 to index
    %get3A_814 = arith.constant 0 : index
    %get3A_815 = tpu.vector_load %arg9[%get3A_813, %get3A_814] {strides = array<i32>} : memref<65x16xf32, #tpu.memory_space<vmem>>, vector<16xf32>,
    %add3A_816 = arith.addf %get3A_811, %get3A_815 : vector<16xf32>
    %swap3A_817 = arith.constant 19 : i32
    %swap3A_818 = arith.index_cast %swap3A_817 : i32 to index
    %swap3A_819 = arith.constant 0 : index
    %swap3A_820 = tpu.vector_load %arg8[%swap3A_818, %swap3A_819] {strides = array<i32>} : memref<65x16xf32, #tpu.memory_space<vmem>>, vector<16xf32>,
    tpu.vector_store %arg8[%swap3A_818, %swap3A_819], %add3A_816 {strides = array<i32>} : memref<65x16xf32, #tpu.memory_space<vmem>>, vector<16xf32>,
    %get3A_821 = arith.constant 20 : i32
    %get3A_822 = arith.index_cast %get3A_821 : i32 to index
    %get3A_823 = arith.constant 0 : index
    %get3A_824 = tpu.vector_load %arg8[%get3A_822, %get3A_823] {strides = array<i32>} : memref<65x16xf32, #tpu.memory_space<vmem>>, vector<16xf32>,
    %get3A_825 = arith.constant 20 : i32
    %get3A_826 = arith.index_cast %get3A_825 : i32 to index
    %get3A_827 = arith.constant 0 : index
    %get3A_828 = tpu.vector_load %arg9[%get3A_826, %get3A_827] {strides = array<i32>} : memref<65x16xf32, #tpu.memory_space<vmem>>, vector<16xf32>,
    %add3A_829 = arith.addf %get3A_824, %get3A_828 : vector<16xf32>
    %swap3A_830 = arith.constant 20 : i32
    %swap3A_831 = arith.index_cast %swap3A_830 : i32 to index
    %swap3A_832 = arith.constant 0 : index
    %swap3A_833 = tpu.vector_load %arg8[%swap3A_831, %swap3A_832] {strides = array<i32>} : memref<65x16xf32, #tpu.memory_space<vmem>>, vector<16xf32>,
    tpu.vector_store %arg8[%swap3A_831, %swap3A_832], %add3A_829 {strides = array<i32>} : memref<65x16xf32, #tpu.memory_space<vmem>>, vector<16xf32>,
    %get3A_834 = arith.constant 21 : i32
    %get3A_835 = arith.index_cast %get3A_834 : i32 to index
    %get3A_836 = arith.constant 0 : index
    %get3A_837 = tpu.vector_load %arg8[%get3A_835, %get3A_836] {strides = array<i32>} : memref<65x16xf32, #tpu.memory_space<vmem>>, vector<16xf32>,
    %get3A_838 = arith.constant 21 : i32
    %get3A_839 = arith.index_cast %get3A_838 : i32 to index
    %get3A_840 = arith.constant 0 : index
    %get3A_841 = tpu.vector_load %arg9[%get3A_839, %get3A_840] {strides = array<i32>} : memref<65x16xf32, #tpu.memory_space<vmem>>, vector<16xf32>,
    %add3A_842 = arith.addf %get3A_837, %get3A_841 : vector<16xf32>
    %swap3A_843 = arith.constant 21 : i32
    %swap3A_844 = arith.index_cast %swap3A_843 : i32 to index
    %swap3A_845 = arith.constant 0 : index
    %swap3A_846 = tpu.vector_load %arg8[%swap3A_844, %swap3A_845] {strides = array<i32>} : memref<65x16xf32, #tpu.memory_space<vmem>>, vector<16xf32>,
    tpu.vector_store %arg8[%swap3A_844, %swap3A_845], %add3A_842 {strides = array<i32>} : memref<65x16xf32, #tpu.memory_space<vmem>>, vector<16xf32>,
    %get3A_847 = arith.constant 22 : i32
    %get3A_848 = arith.index_cast %get3A_847 : i32 to index
    %get3A_849 = arith.constant 0 : index
    %get3A_850 = tpu.vector_load %arg8[%get3A_848, %get3A_849] {strides = array<i32>} : memref<65x16xf32, #tpu.memory_space<vmem>>, vector<16xf32>,
    %get3A_851 = arith.constant 22 : i32
    %get3A_852 = arith.index_cast %get3A_851 : i32 to index
    %get3A_853 = arith.constant 0 : index
    %get3A_854 = tpu.vector_load %arg9[%get3A_852, %get3A_853] {strides = array<i32>} : memref<65x16xf32, #tpu.memory_space<vmem>>, vector<16xf32>,
    %add3A_855 = arith.addf %get3A_850, %get3A_854 : vector<16xf32>
    %swap3A_856 = arith.constant 22 : i32
    %swap3A_857 = arith.index_cast %swap3A_856 : i32 to index
    %swap3A_858 = arith.constant 0 : index
    %swap3A_859 = tpu.vector_load %arg8[%swap3A_857, %swap3A_858] {strides = array<i32>} : memref<65x16xf32, #tpu.memory_space<vmem>>, vector<16xf32>,
    tpu.vector_store %arg8[%swap3A_857, %swap3A_858], %add3A_855 {strides = array<i32>} : memref<65x16xf32, #tpu.memory_space<vmem>>, vector<16xf32>,
    %get3A_860 = arith.constant 23 : i32
    %get3A_861 = arith.index_cast %get3A_860 : i32 to index
    %get3A_862 = arith.constant 0 : index
    %get3A_863 = tpu.vector_load %arg8[%get3A_861, %get3A_862] {strides = array<i32>} : memref<65x16xf32, #tpu.memory_space<vmem>>, vector<16xf32>,
    %get3A_864 = arith.constant 23 : i32
    %get3A_865 = arith.index_cast %get3A_864 : i32 to index
    %get3A_866 = arith.constant 0 : index
    %get3A_867 = tpu.vector_load %arg9[%get3A_865, %get3A_866] {strides = array<i32>} : memref<65x16xf32, #tpu.memory_space<vmem>>, vector<16xf32>,
    %add3A_868 = arith.addf %get3A_863, %get3A_867 : vector<16xf32>
    %swap3A_869 = arith.constant 23 : i32
    %swap3A_870 = arith.index_cast %swap3A_869 : i32 to index
    %swap3A_871 = arith.constant 0 : index
    %swap3A_872 = tpu.vector_load %arg8[%swap3A_870, %swap3A_871] {strides = array<i32>} : memref<65x16xf32, #tpu.memory_space<vmem>>, vector<16xf32>,
    tpu.vector_store %arg8[%swap3A_870, %swap3A_871], %add3A_868 {strides = array<i32>} : memref<65x16xf32, #tpu.memory_space<vmem>>, vector<16xf32>,
    %get3A_873 = arith.constant 24 : i32
    %get3A_874 = arith.index_cast %get3A_873 : i32 to index
    %get3A_875 = arith.constant 0 : index
    %get3A_876 = tpu.vector_load %arg8[%get3A_874, %get3A_875] {strides = array<i32>} : memref<65x16xf32, #tpu.memory_space<vmem>>, vector<16xf32>,
    %get3A_877 = arith.constant 24 : i32
    %get3A_878 = arith.index_cast %get3A_877 : i32 to index
    %get3A_879 = arith.constant 0 : index
    %get3A_880 = tpu.vector_load %arg9[%get3A_878, %get3A_879] {strides = array<i32>} : memref<65x16xf32, #tpu.memory_space<vmem>>, vector<16xf32>,
    %add3A_881 = arith.addf %get3A_876, %get3A_880 : vector<16xf32>
    %swap3A_882 = arith.constant 24 : i32
    %swap3A_883 = arith.index_cast %swap3A_882 : i32 to index
    %swap3A_884 = arith.constant 0 : index
    %swap3A_885 = tpu.vector_load %arg8[%swap3A_883, %swap3A_884] {strides = array<i32>} : memref<65x16xf32, #tpu.memory_space<vmem>>, vector<16xf32>,
    tpu.vector_store %arg8[%swap3A_883, %swap3A_884], %add3A_881 {strides = array<i32>} : memref<65x16xf32, #tpu.memory_space<vmem>>, vector<16xf32>,
    %get3A_886 = arith.constant 25 : i32
    %get3A_887 = arith.index_cast %get3A_886 : i32 to index
    %get3A_888 = arith.constant 0 : index
    %get3A_889 = tpu.vector_load %arg8[%get3A_887, %get3A_888] {strides = array<i32>} : memref<65x16xf32, #tpu.memory_space<vmem>>, vector<16xf32>,
    %get3A_890 = arith.constant 25 : i32
    %get3A_891 = arith.index_cast %get3A_890 : i32 to index
    %get3A_892 = arith.constant 0 : index
    %get3A_893 = tpu.vector_load %arg9[%get3A_891, %get3A_892] {strides = array<i32>} : memref<65x16xf32, #tpu.memory_space<vmem>>, vector<16xf32>,
    %add3A_894 = arith.addf %get3A_889, %get3A_893 : vector<16xf32>
    %swap3A_895 = arith.constant 25 : i32
    %swap3A_896 = arith.index_cast %swap3A_895 : i32 to index
    %swap3A_897 = arith.constant 0 : index
    %swap3A_898 = tpu.vector_load %arg8[%swap3A_896, %swap3A_897] {strides = array<i32>} : memref<65x16xf32, #tpu.memory_space<vmem>>, vector<16xf32>,
    tpu.vector_store %arg8[%swap3A_896, %swap3A_897], %add3A_894 {strides = array<i32>} : memref<65x16xf32, #tpu.memory_space<vmem>>, vector<16xf32>,
    %get3A_899 = arith.constant 26 : i32
    %get3A_900 = arith.index_cast %get3A_899 : i32 to index
    %get3A_901 = arith.constant 0 : index
    %get3A_902 = tpu.vector_load %arg8[%get3A_900, %get3A_901] {strides = array<i32>} : memref<65x16xf32, #tpu.memory_space<vmem>>, vector<16xf32>,
    %get3A_903 = arith.constant 26 : i32
    %get3A_904 = arith.index_cast %get3A_903 : i32 to index
    %get3A_905 = arith.constant 0 : index
    %get3A_906 = tpu.vector_load %arg9[%get3A_904, %get3A_905] {strides = array<i32>} : memref<65x16xf32, #tpu.memory_space<vmem>>, vector<16xf32>,
    %add3A_907 = arith.addf %get3A_902, %get3A_906 : vector<16xf32>
    %swap3A_908 = arith.constant 26 : i32
    %swap3A_909 = arith.index_cast %swap3A_908 : i32 to index
    %swap3A_910 = arith.constant 0 : index
    %swap3A_911 = tpu.vector_load %arg8[%swap3A_909, %swap3A_910] {strides = array<i32>} : memref<65x16xf32, #tpu.memory_space<vmem>>, vector<16xf32>,
    tpu.vector_store %arg8[%swap3A_909, %swap3A_910], %add3A_907 {strides = array<i32>} : memref<65x16xf32, #tpu.memory_space<vmem>>, vector<16xf32>,
    %get3A_912 = arith.constant 27 : i32
    %get3A_913 = arith.index_cast %get3A_912 : i32 to index
    %get3A_914 = arith.constant 0 : index
    %get3A_915 = tpu.vector_load %arg8[%get3A_913, %get3A_914] {strides = array<i32>} : memref<65x16xf32, #tpu.memory_space<vmem>>, vector<16xf32>,
    %get3A_916 = arith.constant 27 : i32
    %get3A_917 = arith.index_cast %get3A_916 : i32 to index
    %get3A_918 = arith.constant 0 : index
    %get3A_919 = tpu.vector_load %arg9[%get3A_917, %get3A_918] {strides = array<i32>} : memref<65x16xf32, #tpu.memory_space<vmem>>, vector<16xf32>,
    %add3A_920 = arith.addf %get3A_915, %get3A_919 : vector<16xf32>
    %swap3A_921 = arith.constant 27 : i32
    %swap3A_922 = arith.index_cast %swap3A_921 : i32 to index
    %swap3A_923 = arith.constant 0 : index
    %swap3A_924 = tpu.vector_load %arg8[%swap3A_922, %swap3A_923] {strides = array<i32>} : memref<65x16xf32, #tpu.memory_space<vmem>>, vector<16xf32>,
    tpu.vector_store %arg8[%swap3A_922, %swap3A_923], %add3A_920 {strides = array<i32>} : memref<65x16xf32, #tpu.memory_space<vmem>>, vector<16xf32>,
    %get3A_925 = arith.constant 28 : i32
    %get3A_926 = arith.index_cast %get3A_925 : i32 to index
    %get3A_927 = arith.constant 0 : index
    %get3A_928 = tpu.vector_load %arg8[%get3A_926, %get3A_927] {strides = array<i32>} : memref<65x16xf32, #tpu.memory_space<vmem>>, vector<16xf32>,
    %get3A_929 = arith.constant 28 : i32
    %get3A_930 = arith.index_cast %get3A_929 : i32 to index
    %get3A_931 = arith.constant 0 : index
    %get3A_932 = tpu.vector_load %arg9[%get3A_930, %get3A_931] {strides = array<i32>} : memref<65x16xf32, #tpu.memory_space<vmem>>, vector<16xf32>,
    %add3A_933 = arith.addf %get3A_928, %get3A_932 : vector<16xf32>
    %swap3A_934 = arith.constant 28 : i32
    %swap3A_935 = arith.index_cast %swap3A_934 : i32 to index
    %swap3A_936 = arith.constant 0 : index
    %swap3A_937 = tpu.vector_load %arg8[%swap3A_935, %swap3A_936] {strides = array<i32>} : memref<65x16xf32, #tpu.memory_space<vmem>>, vector<16xf32>,
    tpu.vector_store %arg8[%swap3A_935, %swap3A_936], %add3A_933 {strides = array<i32>} : memref<65x16xf32, #tpu.memory_space<vmem>>, vector<16xf32>,
    %get3A_938 = arith.constant 29 : i32
    %get3A_939 = arith.index_cast %get3A_938 : i32 to index
    %get3A_940 = arith.constant 0 : index
    %get3A_941 = tpu.vector_load %arg8[%get3A_939, %get3A_940] {strides = array<i32>} : memref<65x16xf32, #tpu.memory_space<vmem>>, vector<16xf32>,
    %get3A_942 = arith.constant 29 : i32
    %get3A_943 = arith.index_cast %get3A_942 : i32 to index
    %get3A_944 = arith.constant 0 : index
    %get3A_945 = tpu.vector_load %arg9[%get3A_943, %get3A_944] {strides = array<i32>} : memref<65x16xf32, #tpu.memory_space<vmem>>, vector<16xf32>,
    %add3A_946 = arith.addf %get3A_941, %get3A_945 : vector<16xf32>
    %swap3A_947 = arith.constant 29 : i32
    %swap3A_948 = arith.index_cast %swap3A_947 : i32 to index
    %swap3A_949 = arith.constant 0 : index
    %swap3A_950 = tpu.vector_load %arg8[%swap3A_948, %swap3A_949] {strides = array<i32>} : memref<65x16xf32, #tpu.memory_space<vmem>>, vector<16xf32>,
    tpu.vector_store %arg8[%swap3A_948, %swap3A_949], %add3A_946 {strides = array<i32>} : memref<65x16xf32, #tpu.memory_space<vmem>>, vector<16xf32>,
    %get3A_951 = arith.constant 30 : i32
    %get3A_952 = arith.index_cast %get3A_951 : i32 to index
    %get3A_953 = arith.constant 0 : index
    %get3A_954 = tpu.vector_load %arg8[%get3A_952, %get3A_953] {strides = array<i32>} : memref<65x16xf32, #tpu.memory_space<vmem>>, vector<16xf32>,
    %get3A_955 = arith.constant 30 : i32
    %get3A_956 = arith.index_cast %get3A_955 : i32 to index
    %get3A_957 = arith.constant 0 : index
    %get3A_958 = tpu.vector_load %arg9[%get3A_956, %get3A_957] {strides = array<i32>} : memref<65x16xf32, #tpu.memory_space<vmem>>, vector<16xf32>,
    %add3A_959 = arith.addf %get3A_954, %get3A_958 : vector<16xf32>
    %swap3A_960 = arith.constant 30 : i32
    %swap3A_961 = arith.index_cast %swap3A_960 : i32 to index
    %swap3A_962 = arith.constant 0 : index
    %swap3A_963 = tpu.vector_load %arg8[%swap3A_961, %swap3A_962] {strides = array<i32>} : memref<65x16xf32, #tpu.memory_space<vmem>>, vector<16xf32>,
    tpu.vector_store %arg8[%swap3A_961, %swap3A_962], %add3A_959 {strides = array<i32>} : memref<65x16xf32, #tpu.memory_space<vmem>>, vector<16xf32>,
    %get3A_964 = arith.constant 31 : i32
    %get3A_965 = arith.index_cast %get3A_964 : i32 to index
    %get3A_966 = arith.constant 0 : index
    %get3A_967 = tpu.vector_load %arg8[%get3A_965, %get3A_966] {strides = array<i32>} : memref<65x16xf32, #tpu.memory_space<vmem>>, vector<16xf32>,
    %get3A_968 = arith.constant 31 : i32
    %get3A_969 = arith.index_cast %get3A_968 : i32 to index
    %get3A_970 = arith.constant 0 : index
    %get3A_971 = tpu.vector_load %arg9[%get3A_969, %get3A_970] {strides = array<i32>} : memref<65x16xf32, #tpu.memory_space<vmem>>, vector<16xf32>,
    %add3A_972 = arith.addf %get3A_967, %get3A_971 : vector<16xf32>
    %swap3A_973 = arith.constant 31 : i32
    %swap3A_974 = arith.index_cast %swap3A_973 : i32 to index
    %swap3A_975 = arith.constant 0 : index
    %swap3A_976 = tpu.vector_load %arg8[%swap3A_974, %swap3A_975] {strides = array<i32>} : memref<65x16xf32, #tpu.memory_space<vmem>>, vector<16xf32>,
    tpu.vector_store %arg8[%swap3A_974, %swap3A_975], %add3A_972 {strides = array<i32>} : memref<65x16xf32, #tpu.memory_space<vmem>>, vector<16xf32>,
    %get3A_977 = arith.constant 32 : i32
    %get3A_978 = arith.index_cast %get3A_977 : i32 to index
    %get3A_979 = arith.constant 0 : index
    %get3A_980 = tpu.vector_load %arg8[%get3A_978, %get3A_979] {strides = array<i32>} : memref<65x16xf32, #tpu.memory_space<vmem>>, vector<16xf32>,
    %get3A_981 = arith.constant 32 : i32
    %get3A_982 = arith.index_cast %get3A_981 : i32 to index
    %get3A_983 = arith.constant 0 : index
    %get3A_984 = tpu.vector_load %arg9[%get3A_982, %get3A_983] {strides = array<i32>} : memref<65x16xf32, #tpu.memory_space<vmem>>, vector<16xf32>,
    %add3A_985 = arith.addf %get3A_980, %get3A_984 : vector<16xf32>
    %swap3A_986 = arith.constant 32 : i32
    %swap3A_987 = arith.index_cast %swap3A_986 : i32 to index
    %swap3A_988 = arith.constant 0 : index
    %swap3A_989 = tpu.vector_load %arg8[%swap3A_987, %swap3A_988] {strides = array<i32>} : memref<65x16xf32, #tpu.memory_space<vmem>>, vector<16xf32>,
    tpu.vector_store %arg8[%swap3A_987, %swap3A_988], %add3A_985 {strides = array<i32>} : memref<65x16xf32, #tpu.memory_space<vmem>>, vector<16xf32>,
    %get3A_990 = arith.constant 33 : i32
    %get3A_991 = arith.index_cast %get3A_990 : i32 to index
    %get3A_992 = arith.constant 0 : index
    %get3A_993 = tpu.vector_load %arg8[%get3A_991, %get3A_992] {strides = array<i32>} : memref<65x16xf32, #tpu.memory_space<vmem>>, vector<16xf32>,
    %get3A_994 = arith.constant 33 : i32
    %get3A_995 = arith.index_cast %get3A_994 : i32 to index
    %get3A_996 = arith.constant 0 : index
    %get3A_997 = tpu.vector_load %arg9[%get3A_995, %get3A_996] {strides = array<i32>} : memref<65x16xf32, #tpu.memory_space<vmem>>, vector<16xf32>,
    %add3A_998 = arith.addf %get3A_993, %get3A_997 : vector<16xf32>
    %swap3A_999 = arith.constant 33 : i32
    %swap3A_1000 = arith.index_cast %swap3A_999 : i32 to index
    %swap3A_1001 = arith.constant 0 : index
    %swap3A_1002 = tpu.vector_load %arg8[%swap3A_1000, %swap3A_1001] {strides = array<i32>} : memref<65x16xf32, #tpu.memory_space<vmem>>, vector<16xf32>,
    tpu.vector_store %arg8[%swap3A_1000, %swap3A_1001], %add3A_998 {strides = array<i32>} : memref<65x16xf32, #tpu.memory_space<vmem>>, vector<16xf32>,
    %get3A_1003 = arith.constant 34 : i32
    %get3A_1004 = arith.index_cast %get3A_1003 : i32 to index
    %get3A_1005 = arith.constant 0 : index
    %get3A_1006 = tpu.vector_load %arg8[%get3A_1004, %get3A_1005] {strides = array<i32>} : memref<65x16xf32, #tpu.memory_space<vmem>>, vector<16xf32>,
    %get3A_1007 = arith.constant 34 : i32
    %get3A_1008 = arith.index_cast %get3A_1007 : i32 to index
    %get3A_1009 = arith.constant 0 : index
    %get3A_1010 = tpu.vector_load %arg9[%get3A_1008, %get3A_1009] {strides = array<i32>} : memref<65x16xf32, #tpu.memory_space<vmem>>, vector<16xf32>,
    %add3A_1011 = arith.addf %get3A_1006, %get3A_1010 : vector<16xf32>
    %swap3A_1012 = arith.constant 34 : i32
    %swap3A_1013 = arith.index_cast %swap3A_1012 : i32 to index
    %swap3A_1014 = arith.constant 0 : index
    %swap3A_1015 = tpu.vector_load %arg8[%swap3A_1013, %swap3A_1014] {strides = array<i32>} : memref<65x16xf32, #tpu.memory_space<vmem>>, vector<16xf32>,
    tpu.vector_store %arg8[%swap3A_1013, %swap3A_1014], %add3A_1011 {strides = array<i32>} : memref<65x16xf32, #tpu.memory_space<vmem>>, vector<16xf32>,
    %get3A_1016 = arith.constant 35 : i32
    %get3A_1017 = arith.index_cast %get3A_1016 : i32 to index
    %get3A_1018 = arith.constant 0 : index
    %get3A_1019 = tpu.vector_load %arg8[%get3A_1017, %get3A_1018] {strides = array<i32>} : memref<65x16xf32, #tpu.memory_space<vmem>>, vector<16xf32>,
    %get3A_1020 = arith.constant 35 : i32
    %get3A_1021 = arith.index_cast %get3A_1020 : i32 to index
    %get3A_1022 = arith.constant 0 : index
    %get3A_1023 = tpu.vector_load %arg9[%get3A_1021, %get3A_1022] {strides = array<i32>} : memref<65x16xf32, #tpu.memory_space<vmem>>, vector<16xf32>,
    %add3A_1024 = arith.addf %get3A_1019, %get3A_1023 : vector<16xf32>
    %swap3A_1025 = arith.constant 35 : i32
    %swap3A_1026 = arith.index_cast %swap3A_1025 : i32 to index
    %swap3A_1027 = arith.constant 0 : index
    %swap3A_1028 = tpu.vector_load %arg8[%swap3A_1026, %swap3A_1027] {strides = array<i32>} : memref<65x16xf32, #tpu.memory_space<vmem>>, vector<16xf32>,
    tpu.vector_store %arg8[%swap3A_1026, %swap3A_1027], %add3A_1024 {strides = array<i32>} : memref<65x16xf32, #tpu.memory_space<vmem>>, vector<16xf32>,
    %get3A_1029 = arith.constant 36 : i32
    %get3A_1030 = arith.index_cast %get3A_1029 : i32 to index
    %get3A_1031 = arith.constant 0 : index
    %get3A_1032 = tpu.vector_load %arg8[%get3A_1030, %get3A_1031] {strides = array<i32>} : memref<65x16xf32, #tpu.memory_space<vmem>>, vector<16xf32>,
    %get3A_1033 = arith.constant 36 : i32
    %get3A_1034 = arith.index_cast %get3A_1033 : i32 to index
    %get3A_1035 = arith.constant 0 : index
    %get3A_1036 = tpu.vector_load %arg9[%get3A_1034, %get3A_1035] {strides = array<i32>} : memref<65x16xf32, #tpu.memory_space<vmem>>, vector<16xf32>,
    %add3A_1037 = arith.addf %get3A_1032, %get3A_1036 : vector<16xf32>
    %swap3A_1038 = arith.constant 36 : i32
    %swap3A_1039 = arith.index_cast %swap3A_1038 : i32 to index
    %swap3A_1040 = arith.constant 0 : index
    %swap3A_1041 = tpu.vector_load %arg8[%swap3A_1039, %swap3A_1040] {strides = array<i32>} : memref<65x16xf32, #tpu.memory_space<vmem>>, vector<16xf32>,
    tpu.vector_store %arg8[%swap3A_1039, %swap3A_1040], %add3A_1037 {strides = array<i32>} : memref<65x16xf32, #tpu.memory_space<vmem>>, vector<16xf32>,
    %get3A_1042 = arith.constant 37 : i32
    %get3A_1043 = arith.index_cast %get3A_1042 : i32 to index
    %get3A_1044 = arith.constant 0 : index
    %get3A_1045 = tpu.vector_load %arg8[%get3A_1043, %get3A_1044] {strides = array<i32>} : memref<65x16xf32, #tpu.memory_space<vmem>>, vector<16xf32>,
    %get3A_1046 = arith.constant 37 : i32
    %get3A_1047 = arith.index_cast %get3A_1046 : i32 to index
    %get3A_1048 = arith.constant 0 : index
    %get3A_1049 = tpu.vector_load %arg9[%get3A_1047, %get3A_1048] {strides = array<i32>} : memref<65x16xf32, #tpu.memory_space<vmem>>, vector<16xf32>,
    %add3A_1050 = arith.addf %get3A_1045, %get3A_1049 : vector<16xf32>
    %swap3A_1051 = arith.constant 37 : i32
    %swap3A_1052 = arith.index_cast %swap3A_1051 : i32 to index
    %swap3A_1053 = arith.constant 0 : index
    %swap3A_1054 = tpu.vector_load %arg8[%swap3A_1052, %swap3A_1053] {strides = array<i32>} : memref<65x16xf32, #tpu.memory_space<vmem>>, vector<16xf32>,
    tpu.vector_store %arg8[%swap3A_1052, %swap3A_1053], %add3A_1050 {strides = array<i32>} : memref<65x16xf32, #tpu.memory_space<vmem>>, vector<16xf32>,
    %get3A_1055 = arith.constant 38 : i32
    %get3A_1056 = arith.index_cast %get3A_1055 : i32 to index
    %get3A_1057 = arith.constant 0 : index
    %get3A_1058 = tpu.vector_load %arg8[%get3A_1056, %get3A_1057] {strides = array<i32>} : memref<65x16xf32, #tpu.memory_space<vmem>>, vector<16xf32>,
    %get3A_1059 = arith.constant 38 : i32
    %get3A_1060 = arith.index_cast %get3A_1059 : i32 to index
    %get3A_1061 = arith.constant 0 : index
    %get3A_1062 = tpu.vector_load %arg9[%get3A_1060, %get3A_1061] {strides = array<i32>} : memref<65x16xf32, #tpu.memory_space<vmem>>, vector<16xf32>,
    %add3A_1063 = arith.addf %get3A_1058, %get3A_1062 : vector<16xf32>
    %swap3A_1064 = arith.constant 38 : i32
    %swap3A_1065 = arith.index_cast %swap3A_1064 : i32 to index
    %swap3A_1066 = arith.constant 0 : index
    %swap3A_1067 = tpu.vector_load %arg8[%swap3A_1065, %swap3A_1066] {strides = array<i32>} : memref<65x16xf32, #tpu.memory_space<vmem>>, vector<16xf32>,
    tpu.vector_store %arg8[%swap3A_1065, %swap3A_1066], %add3A_1063 {strides = array<i32>} : memref<65x16xf32, #tpu.memory_space<vmem>>, vector<16xf32>,
    %get3A_1068 = arith.constant 39 : i32
    %get3A_1069 = arith.index_cast %get3A_1068 : i32 to index
    %get3A_1070 = arith.constant 0 : index
    %get3A_1071 = tpu.vector_load %arg8[%get3A_1069, %get3A_1070] {strides = array<i32>} : memref<65x16xf32, #tpu.memory_space<vmem>>, vector<16xf32>,
    %get3A_1072 = arith.constant 39 : i32
    %get3A_1073 = arith.index_cast %get3A_1072 : i32 to index
    %get3A_1074 = arith.constant 0 : index
    %get3A_1075 = tpu.vector_load %arg9[%get3A_1073, %get3A_1074] {strides = array<i32>} : memref<65x16xf32, #tpu.memory_space<vmem>>, vector<16xf32>,
    %add3A_1076 = arith.addf %get3A_1071, %get3A_1075 : vector<16xf32>
    %swap3A_1077 = arith.constant 39 : i32
    %swap3A_1078 = arith.index_cast %swap3A_1077 : i32 to index
    %swap3A_1079 = arith.constant 0 : index
    %swap3A_1080 = tpu.vector_load %arg8[%swap3A_1078, %swap3A_1079] {strides = array<i32>} : memref<65x16xf32, #tpu.memory_space<vmem>>, vector<16xf32>,
    tpu.vector_store %arg8[%swap3A_1078, %swap3A_1079], %add3A_1076 {strides = array<i32>} : memref<65x16xf32, #tpu.memory_space<vmem>>, vector<16xf32>,
    %get3A_1081 = arith.constant 40 : i32
    %get3A_1082 = arith.index_cast %get3A_1081 : i32 to index
    %get3A_1083 = arith.constant 0 : index
    %get3A_1084 = tpu.vector_load %arg8[%get3A_1082, %get3A_1083] {strides = array<i32>} : memref<65x16xf32, #tpu.memory_space<vmem>>, vector<16xf32>,
    %get3A_1085 = arith.constant 40 : i32
    %get3A_1086 = arith.index_cast %get3A_1085 : i32 to index
    %get3A_1087 = arith.constant 0 : index
    %get3A_1088 = tpu.vector_load %arg9[%get3A_1086, %get3A_1087] {strides = array<i32>} : memref<65x16xf32, #tpu.memory_space<vmem>>, vector<16xf32>,
    %add3A_1089 = arith.addf %get3A_1084, %get3A_1088 : vector<16xf32>
    %swap3A_1090 = arith.constant 40 : i32
    %swap3A_1091 = arith.index_cast %swap3A_1090 : i32 to index
    %swap3A_1092 = arith.constant 0 : index
    %swap3A_1093 = tpu.vector_load %arg8[%swap3A_1091, %swap3A_1092] {strides = array<i32>} : memref<65x16xf32, #tpu.memory_space<vmem>>, vector<16xf32>,
    tpu.vector_store %arg8[%swap3A_1091, %swap3A_1092], %add3A_1089 {strides = array<i32>} : memref<65x16xf32, #tpu.memory_space<vmem>>, vector<16xf32>,
    %get3A_1094 = arith.constant 41 : i32
    %get3A_1095 = arith.index_cast %get3A_1094 : i32 to index
    %get3A_1096 = arith.constant 0 : index
    %get3A_1097 = tpu.vector_load %arg8[%get3A_1095, %get3A_1096] {strides = array<i32>} : memref<65x16xf32, #tpu.memory_space<vmem>>, vector<16xf32>,
    %get3A_1098 = arith.constant 41 : i32
    %get3A_1099 = arith.index_cast %get3A_1098 : i32 to index
    %get3A_1100 = arith.constant 0 : index
    %get3A_1101 = tpu.vector_load %arg9[%get3A_1099, %get3A_1100] {strides = array<i32>} : memref<65x16xf32, #tpu.memory_space<vmem>>, vector<16xf32>,
    %add3A_1102 = arith.addf %get3A_1097, %get3A_1101 : vector<16xf32>
    %swap3A_1103 = arith.constant 41 : i32
    %swap3A_1104 = arith.index_cast %swap3A_1103 : i32 to index
    %swap3A_1105 = arith.constant 0 : index
    %swap3A_1106 = tpu.vector_load %arg8[%swap3A_1104, %swap3A_1105] {strides = array<i32>} : memref<65x16xf32, #tpu.memory_space<vmem>>, vector<16xf32>,
    tpu.vector_store %arg8[%swap3A_1104, %swap3A_1105], %add3A_1102 {strides = array<i32>} : memref<65x16xf32, #tpu.memory_space<vmem>>, vector<16xf32>,
    %get3A_1107 = arith.constant 42 : i32
    %get3A_1108 = arith.index_cast %get3A_1107 : i32 to index
    %get3A_1109 = arith.constant 0 : index
    %get3A_1110 = tpu.vector_load %arg8[%get3A_1108, %get3A_1109] {strides = array<i32>} : memref<65x16xf32, #tpu.memory_space<vmem>>, vector<16xf32>,
    %get3A_1111 = arith.constant 42 : i32
    %get3A_1112 = arith.index_cast %get3A_1111 : i32 to index
    %get3A_1113 = arith.constant 0 : index
    %get3A_1114 = tpu.vector_load %arg9[%get3A_1112, %get3A_1113] {strides = array<i32>} : memref<65x16xf32, #tpu.memory_space<vmem>>, vector<16xf32>,
    %add3A_1115 = arith.addf %get3A_1110, %get3A_1114 : vector<16xf32>
    %swap3A_1116 = arith.constant 42 : i32
    %swap3A_1117 = arith.index_cast %swap3A_1116 : i32 to index
    %swap3A_1118 = arith.constant 0 : index
    %swap3A_1119 = tpu.vector_load %arg8[%swap3A_1117, %swap3A_1118] {strides = array<i32>} : memref<65x16xf32, #tpu.memory_space<vmem>>, vector<16xf32>,
    tpu.vector_store %arg8[%swap3A_1117, %swap3A_1118], %add3A_1115 {strides = array<i32>} : memref<65x16xf32, #tpu.memory_space<vmem>>, vector<16xf32>,
    %get3A_1120 = arith.constant 43 : i32
    %get3A_1121 = arith.index_cast %get3A_1120 : i32 to index
    %get3A_1122 = arith.constant 0 : index
    %get3A_1123 = tpu.vector_load %arg8[%get3A_1121, %get3A_1122] {strides = array<i32>} : memref<65x16xf32, #tpu.memory_space<vmem>>, vector<16xf32>,
    %get3A_1124 = arith.constant 43 : i32
    %get3A_1125 = arith.index_cast %get3A_1124 : i32 to index
    %get3A_1126 = arith.constant 0 : index
    %get3A_1127 = tpu.vector_load %arg9[%get3A_1125, %get3A_1126] {strides = array<i32>} : memref<65x16xf32, #tpu.memory_space<vmem>>, vector<16xf32>,
    %add3A_1128 = arith.addf %get3A_1123, %get3A_1127 : vector<16xf32>
    %swap3A_1129 = arith.constant 43 : i32
    %swap3A_1130 = arith.index_cast %swap3A_1129 : i32 to index
    %swap3A_1131 = arith.constant 0 : index
    %swap3A_1132 = tpu.vector_load %arg8[%swap3A_1130, %swap3A_1131] {strides = array<i32>} : memref<65x16xf32, #tpu.memory_space<vmem>>, vector<16xf32>,
    tpu.vector_store %arg8[%swap3A_1130, %swap3A_1131], %add3A_1128 {strides = array<i32>} : memref<65x16xf32, #tpu.memory_space<vmem>>, vector<16xf32>,
    %get3A_1133 = arith.constant 44 : i32
    %get3A_1134 = arith.index_cast %get3A_1133 : i32 to index
    %get3A_1135 = arith.constant 0 : index
    %get3A_1136 = tpu.vector_load %arg8[%get3A_1134, %get3A_1135] {strides = array<i32>} : memref<65x16xf32, #tpu.memory_space<vmem>>, vector<16xf32>,
    %get3A_1137 = arith.constant 44 : i32
    %get3A_1138 = arith.index_cast %get3A_1137 : i32 to index
    %get3A_1139 = arith.constant 0 : index
    %get3A_1140 = tpu.vector_load %arg9[%get3A_1138, %get3A_1139] {strides = array<i32>} : memref<65x16xf32, #tpu.memory_space<vmem>>, vector<16xf32>,
    %add3A_1141 = arith.addf %get3A_1136, %get3A_1140 : vector<16xf32>
    %swap3A_1142 = arith.constant 44 : i32
    %swap3A_1143 = arith.index_cast %swap3A_1142 : i32 to index
    %swap3A_1144 = arith.constant 0 : index
    %swap3A_1145 = tpu.vector_load %arg8[%swap3A_1143, %swap3A_1144] {strides = array<i32>} : memref<65x16xf32, #tpu.memory_space<vmem>>, vector<16xf32>,
    tpu.vector_store %arg8[%swap3A_1143, %swap3A_1144], %add3A_1141 {strides = array<i32>} : memref<65x16xf32, #tpu.memory_space<vmem>>, vector<16xf32>,
    %get3A_1146 = arith.constant 45 : i32
    %get3A_1147 = arith.index_cast %get3A_1146 : i32 to index
    %get3A_1148 = arith.constant 0 : index
    %get3A_1149 = tpu.vector_load %arg8[%get3A_1147, %get3A_1148] {strides = array<i32>} : memref<65x16xf32, #tpu.memory_space<vmem>>, vector<16xf32>,
    %get3A_1150 = arith.constant 45 : i32
    %get3A_1151 = arith.index_cast %get3A_1150 : i32 to index
    %get3A_1152 = arith.constant 0 : index
    %get3A_1153 = tpu.vector_load %arg9[%get3A_1151, %get3A_1152] {strides = array<i32>} : memref<65x16xf32, #tpu.memory_space<vmem>>, vector<16xf32>,
    %add3A_1154 = arith.addf %get3A_1149, %get3A_1153 : vector<16xf32>
    %swap3A_1155 = arith.constant 45 : i32
    %swap3A_1156 = arith.index_cast %swap3A_1155 : i32 to index
    %swap3A_1157 = arith.constant 0 : index
    %swap3A_1158 = tpu.vector_load %arg8[%swap3A_1156, %swap3A_1157] {strides = array<i32>} : memref<65x16xf32, #tpu.memory_space<vmem>>, vector<16xf32>,
    tpu.vector_store %arg8[%swap3A_1156, %swap3A_1157], %add3A_1154 {strides = array<i32>} : memref<65x16xf32, #tpu.memory_space<vmem>>, vector<16xf32>,
    %get3A_1159 = arith.constant 46 : i32
    %get3A_1160 = arith.index_cast %get3A_1159 : i32 to index
    %get3A_1161 = arith.constant 0 : index
    %get3A_1162 = tpu.vector_load %arg8[%get3A_1160, %get3A_1161] {strides = array<i32>} : memref<65x16xf32, #tpu.memory_space<vmem>>, vector<16xf32>,
    %get3A_1163 = arith.constant 46 : i32
    %get3A_1164 = arith.index_cast %get3A_1163 : i32 to index
    %get3A_1165 = arith.constant 0 : index
    %get3A_1166 = tpu.vector_load %arg9[%get3A_1164, %get3A_1165] {strides = array<i32>} : memref<65x16xf32, #tpu.memory_space<vmem>>, vector<16xf32>,
    %add3A_1167 = arith.addf %get3A_1162, %get3A_1166 : vector<16xf32>
    %swap3A_1168 = arith.constant 46 : i32
    %swap3A_1169 = arith.index_cast %swap3A_1168 : i32 to index
    %swap3A_1170 = arith.constant 0 : index
    %swap3A_1171 = tpu.vector_load %arg8[%swap3A_1169, %swap3A_1170] {strides = array<i32>} : memref<65x16xf32, #tpu.memory_space<vmem>>, vector<16xf32>,
    tpu.vector_store %arg8[%swap3A_1169, %swap3A_1170], %add3A_1167 {strides = array<i32>} : memref<65x16xf32, #tpu.memory_space<vmem>>, vector<16xf32>,
    %get3A_1172 = arith.constant 47 : i32
    %get3A_1173 = arith.index_cast %get3A_1172 : i32 to index
    %get3A_1174 = arith.constant 0 : index
    %get3A_1175 = tpu.vector_load %arg8[%get3A_1173, %get3A_1174] {strides = array<i32>} : memref<65x16xf32, #tpu.memory_space<vmem>>, vector<16xf32>,
    %get3A_1176 = arith.constant 47 : i32
    %get3A_1177 = arith.index_cast %get3A_1176 : i32 to index
    %get3A_1178 = arith.constant 0 : index
    %get3A_1179 = tpu.vector_load %arg9[%get3A_1177, %get3A_1178] {strides = array<i32>} : memref<65x16xf32, #tpu.memory_space<vmem>>, vector<16xf32>,
    %add3A_1180 = arith.addf %get3A_1175, %get3A_1179 : vector<16xf32>
    %swap3A_1181 = arith.constant 47 : i32
    %swap3A_1182 = arith.index_cast %swap3A_1181 : i32 to index
    %swap3A_1183 = arith.constant 0 : index
    %swap3A_1184 = tpu.vector_load %arg8[%swap3A_1182, %swap3A_1183] {strides = array<i32>} : memref<65x16xf32, #tpu.memory_space<vmem>>, vector<16xf32>,
    tpu.vector_store %arg8[%swap3A_1182, %swap3A_1183], %add3A_1180 {strides = array<i32>} : memref<65x16xf32, #tpu.memory_space<vmem>>, vector<16xf32>,
    %get3A_1185 = arith.constant 48 : i32
    %get3A_1186 = arith.index_cast %get3A_1185 : i32 to index
    %get3A_1187 = arith.constant 0 : index
    %get3A_1188 = tpu.vector_load %arg8[%get3A_1186, %get3A_1187] {strides = array<i32>} : memref<65x16xf32, #tpu.memory_space<vmem>>, vector<16xf32>,
    %get3A_1189 = arith.constant 48 : i32
    %get3A_1190 = arith.index_cast %get3A_1189 : i32 to index
    %get3A_1191 = arith.constant 0 : index
    %get3A_1192 = tpu.vector_load %arg9[%get3A_1190, %get3A_1191] {strides = array<i32>} : memref<65x16xf32, #tpu.memory_space<vmem>>, vector<16xf32>,
    %add3A_1193 = arith.addf %get3A_1188, %get3A_1192 : vector<16xf32>
    %swap3A_1194 = arith.constant 48 : i32
    %swap3A_1195 = arith.index_cast %swap3A_1194 : i32 to index
    %swap3A_1196 = arith.constant 0 : index
    %swap3A_1197 = tpu.vector_load %arg8[%swap3A_1195, %swap3A_1196] {strides = array<i32>} : memref<65x16xf32, #tpu.memory_space<vmem>>, vector<16xf32>,
    tpu.vector_store %arg8[%swap3A_1195, %swap3A_1196], %add3A_1193 {strides = array<i32>} : memref<65x16xf32, #tpu.memory_space<vmem>>, vector<16xf32>,
    %get3A_1198 = arith.constant 49 : i32
    %get3A_1199 = arith.index_cast %get3A_1198 : i32 to index
    %get3A_1200 = arith.constant 0 : index
    %get3A_1201 = tpu.vector_load %arg8[%get3A_1199, %get3A_1200] {strides = array<i32>} : memref<65x16xf32, #tpu.memory_space<vmem>>, vector<16xf32>,
    %get3A_1202 = arith.constant 49 : i32
    %get3A_1203 = arith.index_cast %get3A_1202 : i32 to index
    %get3A_1204 = arith.constant 0 : index
    %get3A_1205 = tpu.vector_load %arg9[%get3A_1203, %get3A_1204] {strides = array<i32>} : memref<65x16xf32, #tpu.memory_space<vmem>>, vector<16xf32>,
    %add3A_1206 = arith.addf %get3A_1201, %get3A_1205 : vector<16xf32>
    %swap3A_1207 = arith.constant 49 : i32
    %swap3A_1208 = arith.index_cast %swap3A_1207 : i32 to index
    %swap3A_1209 = arith.constant 0 : index
    %swap3A_1210 = tpu.vector_load %arg8[%swap3A_1208, %swap3A_1209] {strides = array<i32>} : memref<65x16xf32, #tpu.memory_space<vmem>>, vector<16xf32>,
    tpu.vector_store %arg8[%swap3A_1208, %swap3A_1209], %add3A_1206 {strides = array<i32>} : memref<65x16xf32, #tpu.memory_space<vmem>>, vector<16xf32>,
    %get3A_1211 = arith.constant 50 : i32
    %get3A_1212 = arith.index_cast %get3A_1211 : i32 to index
    %get3A_1213 = arith.constant 0 : index
    %get3A_1214 = tpu.vector_load %arg8[%get3A_1212, %get3A_1213] {strides = array<i32>} : memref<65x16xf32, #tpu.memory_space<vmem>>, vector<16xf32>,
    %get3A_1215 = arith.constant 50 : i32
    %get3A_1216 = arith.index_cast %get3A_1215 : i32 to index
    %get3A_1217 = arith.constant 0 : index
    %get3A_1218 = tpu.vector_load %arg9[%get3A_1216, %get3A_1217] {strides = array<i32>} : memref<65x16xf32, #tpu.memory_space<vmem>>, vector<16xf32>,
    %add3A_1219 = arith.addf %get3A_1214, %get3A_1218 : vector<16xf32>
    %swap3A_1220 = arith.constant 50 : i32
    %swap3A_1221 = arith.index_cast %swap3A_1220 : i32 to index
    %swap3A_1222 = arith.constant 0 : index
    %swap3A_1223 = tpu.vector_load %arg8[%swap3A_1221, %swap3A_1222] {strides = array<i32>} : memref<65x16xf32, #tpu.memory_space<vmem>>, vector<16xf32>,
    tpu.vector_store %arg8[%swap3A_1221, %swap3A_1222], %add3A_1219 {strides = array<i32>} : memref<65x16xf32, #tpu.memory_space<vmem>>, vector<16xf32>,
    %get3A_1224 = arith.constant 51 : i32
    %get3A_1225 = arith.index_cast %get3A_1224 : i32 to index
    %get3A_1226 = arith.constant 0 : index
    %get3A_1227 = tpu.vector_load %arg8[%get3A_1225, %get3A_1226] {strides = array<i32>} : memref<65x16xf32, #tpu.memory_space<vmem>>, vector<16xf32>,
    %get3A_1228 = arith.constant 51 : i32
    %get3A_1229 = arith.index_cast %get3A_1228 : i32 to index
    %get3A_1230 = arith.constant 0 : index
    %get3A_1231 = tpu.vector_load %arg9[%get3A_1229, %get3A_1230] {strides = array<i32>} : memref<65x16xf32, #tpu.memory_space<vmem>>, vector<16xf32>,
    %add3A_1232 = arith.addf %get3A_1227, %get3A_1231 : vector<16xf32>
    %swap3A_1233 = arith.constant 51 : i32
    %swap3A_1234 = arith.index_cast %swap3A_1233 : i32 to index
    %swap3A_1235 = arith.constant 0 : index
    %swap3A_1236 = tpu.vector_load %arg8[%swap3A_1234, %swap3A_1235] {strides = array<i32>} : memref<65x16xf32, #tpu.memory_space<vmem>>, vector<16xf32>,
    tpu.vector_store %arg8[%swap3A_1234, %swap3A_1235], %add3A_1232 {strides = array<i32>} : memref<65x16xf32, #tpu.memory_space<vmem>>, vector<16xf32>,
    %get3A_1237 = arith.constant 52 : i32
    %get3A_1238 = arith.index_cast %get3A_1237 : i32 to index
    %get3A_1239 = arith.constant 0 : index
    %get3A_1240 = tpu.vector_load %arg8[%get3A_1238, %get3A_1239] {strides = array<i32>} : memref<65x16xf32, #tpu.memory_space<vmem>>, vector<16xf32>,
    %get3A_1241 = arith.constant 52 : i32
    %get3A_1242 = arith.index_cast %get3A_1241 : i32 to index
    %get3A_1243 = arith.constant 0 : index
    %get3A_1244 = tpu.vector_load %arg9[%get3A_1242, %get3A_1243] {strides = array<i32>} : memref<65x16xf32, #tpu.memory_space<vmem>>, vector<16xf32>,
    %add3A_1245 = arith.addf %get3A_1240, %get3A_1244 : vector<16xf32>
    %swap3A_1246 = arith.constant 52 : i32
    %swap3A_1247 = arith.index_cast %swap3A_1246 : i32 to index
    %swap3A_1248 = arith.constant 0 : index
    %swap3A_1249 = tpu.vector_load %arg8[%swap3A_1247, %swap3A_1248] {strides = array<i32>} : memref<65x16xf32, #tpu.memory_space<vmem>>, vector<16xf32>,
    tpu.vector_store %arg8[%swap3A_1247, %swap3A_1248], %add3A_1245 {strides = array<i32>} : memref<65x16xf32, #tpu.memory_space<vmem>>, vector<16xf32>,
    %get3A_1250 = arith.constant 53 : i32
    %get3A_1251 = arith.index_cast %get3A_1250 : i32 to index
    %get3A_1252 = arith.constant 0 : index
    %get3A_1253 = tpu.vector_load %arg8[%get3A_1251, %get3A_1252] {strides = array<i32>} : memref<65x16xf32, #tpu.memory_space<vmem>>, vector<16xf32>,
    %get3A_1254 = arith.constant 53 : i32
    %get3A_1255 = arith.index_cast %get3A_1254 : i32 to index
    %get3A_1256 = arith.constant 0 : index
    %get3A_1257 = tpu.vector_load %arg9[%get3A_1255, %get3A_1256] {strides = array<i32>} : memref<65x16xf32, #tpu.memory_space<vmem>>, vector<16xf32>,
    %add3A_1258 = arith.addf %get3A_1253, %get3A_1257 : vector<16xf32>
    %swap3A_1259 = arith.constant 53 : i32
    %swap3A_1260 = arith.index_cast %swap3A_1259 : i32 to index
    %swap3A_1261 = arith.constant 0 : index
    %swap3A_1262 = tpu.vector_load %arg8[%swap3A_1260, %swap3A_1261] {strides = array<i32>} : memref<65x16xf32, #tpu.memory_space<vmem>>, vector<16xf32>,
    tpu.vector_store %arg8[%swap3A_1260, %swap3A_1261], %add3A_1258 {strides = array<i32>} : memref<65x16xf32, #tpu.memory_space<vmem>>, vector<16xf32>,
    %get3A_1263 = arith.constant 54 : i32
    %get3A_1264 = arith.index_cast %get3A_1263 : i32 to index
    %get3A_1265 = arith.constant 0 : index
    %get3A_1266 = tpu.vector_load %arg8[%get3A_1264, %get3A_1265] {strides = array<i32>} : memref<65x16xf32, #tpu.memory_space<vmem>>, vector<16xf32>,
    %get3A_1267 = arith.constant 54 : i32
    %get3A_1268 = arith.index_cast %get3A_1267 : i32 to index
    %get3A_1269 = arith.constant 0 : index
    %get3A_1270 = tpu.vector_load %arg9[%get3A_1268, %get3A_1269] {strides = array<i32>} : memref<65x16xf32, #tpu.memory_space<vmem>>, vector<16xf32>,
    %add3A_1271 = arith.addf %get3A_1266, %get3A_1270 : vector<16xf32>
    %swap3A_1272 = arith.constant 54 : i32
    %swap3A_1273 = arith.index_cast %swap3A_1272 : i32 to index
    %swap3A_1274 = arith.constant 0 : index
    %swap3A_1275 = tpu.vector_load %arg8[%swap3A_1273, %swap3A_1274] {strides = array<i32>} : memref<65x16xf32, #tpu.memory_space<vmem>>, vector<16xf32>,
    tpu.vector_store %arg8[%swap3A_1273, %swap3A_1274], %add3A_1271 {strides = array<i32>} : memref<65x16xf32, #tpu.memory_space<vmem>>, vector<16xf32>,
    %get3A_1276 = arith.constant 55 : i32
    %get3A_1277 = arith.index_cast %get3A_1276 : i32 to index
    %get3A_1278 = arith.constant 0 : index
    %get3A_1279 = tpu.vector_load %arg8[%get3A_1277, %get3A_1278] {strides = array<i32>} : memref<65x16xf32, #tpu.memory_space<vmem>>, vector<16xf32>,
    %get3A_1280 = arith.constant 55 : i32
    %get3A_1281 = arith.index_cast %get3A_1280 : i32 to index
    %get3A_1282 = arith.constant 0 : index
    %get3A_1283 = tpu.vector_load %arg9[%get3A_1281, %get3A_1282] {strides = array<i32>} : memref<65x16xf32, #tpu.memory_space<vmem>>, vector<16xf32>,
    %add3A_1284 = arith.addf %get3A_1279, %get3A_1283 : vector<16xf32>
    %swap3A_1285 = arith.constant 55 : i32
    %swap3A_1286 = arith.index_cast %swap3A_1285 : i32 to index
    %swap3A_1287 = arith.constant 0 : index
    %swap3A_1288 = tpu.vector_load %arg8[%swap3A_1286, %swap3A_1287] {strides = array<i32>} : memref<65x16xf32, #tpu.memory_space<vmem>>, vector<16xf32>,
    tpu.vector_store %arg8[%swap3A_1286, %swap3A_1287], %add3A_1284 {strides = array<i32>} : memref<65x16xf32, #tpu.memory_space<vmem>>, vector<16xf32>,
    %get3A_1289 = arith.constant 56 : i32
    %get3A_1290 = arith.index_cast %get3A_1289 : i32 to index
    %get3A_1291 = arith.constant 0 : index
    %get3A_1292 = tpu.vector_load %arg8[%get3A_1290, %get3A_1291] {strides = array<i32>} : memref<65x16xf32, #tpu.memory_space<vmem>>, vector<16xf32>,
    %get3A_1293 = arith.constant 56 : i32
    %get3A_1294 = arith.index_cast %get3A_1293 : i32 to index
    %get3A_1295 = arith.constant 0 : index
    %get3A_1296 = tpu.vector_load %arg9[%get3A_1294, %get3A_1295] {strides = array<i32>} : memref<65x16xf32, #tpu.memory_space<vmem>>, vector<16xf32>,
    %add3A_1297 = arith.addf %get3A_1292, %get3A_1296 : vector<16xf32>
    %swap3A_1298 = arith.constant 56 : i32
    %swap3A_1299 = arith.index_cast %swap3A_1298 : i32 to index
    %swap3A_1300 = arith.constant 0 : index
    %swap3A_1301 = tpu.vector_load %arg8[%swap3A_1299, %swap3A_1300] {strides = array<i32>} : memref<65x16xf32, #tpu.memory_space<vmem>>, vector<16xf32>,
    tpu.vector_store %arg8[%swap3A_1299, %swap3A_1300], %add3A_1297 {strides = array<i32>} : memref<65x16xf32, #tpu.memory_space<vmem>>, vector<16xf32>,
    %get3A_1302 = arith.constant 57 : i32
    %get3A_1303 = arith.index_cast %get3A_1302 : i32 to index
    %get3A_1304 = arith.constant 0 : index
    %get3A_1305 = tpu.vector_load %arg8[%get3A_1303, %get3A_1304] {strides = array<i32>} : memref<65x16xf32, #tpu.memory_space<vmem>>, vector<16xf32>,
    %get3A_1306 = arith.constant 57 : i32
    %get3A_1307 = arith.index_cast %get3A_1306 : i32 to index
    %get3A_1308 = arith.constant 0 : index
    %get3A_1309 = tpu.vector_load %arg9[%get3A_1307, %get3A_1308] {strides = array<i32>} : memref<65x16xf32, #tpu.memory_space<vmem>>, vector<16xf32>,
    %add3A_1310 = arith.addf %get3A_1305, %get3A_1309 : vector<16xf32>
    %swap3A_1311 = arith.constant 57 : i32
    %swap3A_1312 = arith.index_cast %swap3A_1311 : i32 to index
    %swap3A_1313 = arith.constant 0 : index
    %swap3A_1314 = tpu.vector_load %arg8[%swap3A_1312, %swap3A_1313] {strides = array<i32>} : memref<65x16xf32, #tpu.memory_space<vmem>>, vector<16xf32>,
    tpu.vector_store %arg8[%swap3A_1312, %swap3A_1313], %add3A_1310 {strides = array<i32>} : memref<65x16xf32, #tpu.memory_space<vmem>>, vector<16xf32>,
    %get3A_1315 = arith.constant 58 : i32
    %get3A_1316 = arith.index_cast %get3A_1315 : i32 to index
    %get3A_1317 = arith.constant 0 : index
    %get3A_1318 = tpu.vector_load %arg8[%get3A_1316, %get3A_1317] {strides = array<i32>} : memref<65x16xf32, #tpu.memory_space<vmem>>, vector<16xf32>,
    %get3A_1319 = arith.constant 58 : i32
    %get3A_1320 = arith.index_cast %get3A_1319 : i32 to index
    %get3A_1321 = arith.constant 0 : index
    %get3A_1322 = tpu.vector_load %arg9[%get3A_1320, %get3A_1321] {strides = array<i32>} : memref<65x16xf32, #tpu.memory_space<vmem>>, vector<16xf32>,
    %add3A_1323 = arith.addf %get3A_1318, %get3A_1322 : vector<16xf32>
    %swap3A_1324 = arith.constant 58 : i32
    %swap3A_1325 = arith.index_cast %swap3A_1324 : i32 to index
    %swap3A_1326 = arith.constant 0 : index
    %swap3A_1327 = tpu.vector_load %arg8[%swap3A_1325, %swap3A_1326] {strides = array<i32>} : memref<65x16xf32, #tpu.memory_space<vmem>>, vector<16xf32>,
    tpu.vector_store %arg8[%swap3A_1325, %swap3A_1326], %add3A_1323 {strides = array<i32>} : memref<65x16xf32, #tpu.memory_space<vmem>>, vector<16xf32>,
    %get3A_1328 = arith.constant 59 : i32
    %get3A_1329 = arith.index_cast %get3A_1328 : i32 to index
    %get3A_1330 = arith.constant 0 : index
    %get3A_1331 = tpu.vector_load %arg8[%get3A_1329, %get3A_1330] {strides = array<i32>} : memref<65x16xf32, #tpu.memory_space<vmem>>, vector<16xf32>,
    %get3A_1332 = arith.constant 59 : i32
    %get3A_1333 = arith.index_cast %get3A_1332 : i32 to index
    %get3A_1334 = arith.constant 0 : index
    %get3A_1335 = tpu.vector_load %arg9[%get3A_1333, %get3A_1334] {strides = array<i32>} : memref<65x16xf32, #tpu.memory_space<vmem>>, vector<16xf32>,
    %add3A_1336 = arith.addf %get3A_1331, %get3A_1335 : vector<16xf32>
    %swap3A_1337 = arith.constant 59 : i32
    %swap3A_1338 = arith.index_cast %swap3A_1337 : i32 to index
    %swap3A_1339 = arith.constant 0 : index
    %swap3A_1340 = tpu.vector_load %arg8[%swap3A_1338, %swap3A_1339] {strides = array<i32>} : memref<65x16xf32, #tpu.memory_space<vmem>>, vector<16xf32>,
    tpu.vector_store %arg8[%swap3A_1338, %swap3A_1339], %add3A_1336 {strides = array<i32>} : memref<65x16xf32, #tpu.memory_space<vmem>>, vector<16xf32>,
    %get3A_1341 = arith.constant 60 : i32
    %get3A_1342 = arith.index_cast %get3A_1341 : i32 to index
    %get3A_1343 = arith.constant 0 : index
    %get3A_1344 = tpu.vector_load %arg8[%get3A_1342, %get3A_1343] {strides = array<i32>} : memref<65x16xf32, #tpu.memory_space<vmem>>, vector<16xf32>,
    %get3A_1345 = arith.constant 60 : i32
    %get3A_1346 = arith.index_cast %get3A_1345 : i32 to index
    %get3A_1347 = arith.constant 0 : index
    %get3A_1348 = tpu.vector_load %arg9[%get3A_1346, %get3A_1347] {strides = array<i32>} : memref<65x16xf32, #tpu.memory_space<vmem>>, vector<16xf32>,
    %add3A_1349 = arith.addf %get3A_1344, %get3A_1348 : vector<16xf32>
    %swap3A_1350 = arith.constant 60 : i32
    %swap3A_1351 = arith.index_cast %swap3A_1350 : i32 to index
    %swap3A_1352 = arith.constant 0 : index
    %swap3A_1353 = tpu.vector_load %arg8[%swap3A_1351, %swap3A_1352] {strides = array<i32>} : memref<65x16xf32, #tpu.memory_space<vmem>>, vector<16xf32>,
    tpu.vector_store %arg8[%swap3A_1351, %swap3A_1352], %add3A_1349 {strides = array<i32>} : memref<65x16xf32, #tpu.memory_space<vmem>>, vector<16xf32>,
    %get3A_1354 = arith.constant 61 : i32
    %get3A_1355 = arith.index_cast %get3A_1354 : i32 to index
    %get3A_1356 = arith.constant 0 : index
    %get3A_1357 = tpu.vector_load %arg8[%get3A_1355, %get3A_1356] {strides = array<i32>} : memref<65x16xf32, #tpu.memory_space<vmem>>, vector<16xf32>,
    %get3A_1358 = arith.constant 61 : i32
    %get3A_1359 = arith.index_cast %get3A_1358 : i32 to index
    %get3A_1360 = arith.constant 0 : index
    %get3A_1361 = tpu.vector_load %arg9[%get3A_1359, %get3A_1360] {strides = array<i32>} : memref<65x16xf32, #tpu.memory_space<vmem>>, vector<16xf32>,
    %add3A_1362 = arith.addf %get3A_1357, %get3A_1361 : vector<16xf32>
    %swap3A_1363 = arith.constant 61 : i32
    %swap3A_1364 = arith.index_cast %swap3A_1363 : i32 to index
    %swap3A_1365 = arith.constant 0 : index
    %swap3A_1366 = tpu.vector_load %arg8[%swap3A_1364, %swap3A_1365] {strides = array<i32>} : memref<65x16xf32, #tpu.memory_space<vmem>>, vector<16xf32>,
    tpu.vector_store %arg8[%swap3A_1364, %swap3A_1365], %add3A_1362 {strides = array<i32>} : memref<65x16xf32, #tpu.memory_space<vmem>>, vector<16xf32>,
    %get3A_1367 = arith.constant 62 : i32
    %get3A_1368 = arith.index_cast %get3A_1367 : i32 to index
    %get3A_1369 = arith.constant 0 : index
    %get3A_1370 = tpu.vector_load %arg8[%get3A_1368, %get3A_1369] {strides = array<i32>} : memref<65x16xf32, #tpu.memory_space<vmem>>, vector<16xf32>,
    %get3A_1371 = arith.constant 62 : i32
    %get3A_1372 = arith.index_cast %get3A_1371 : i32 to index
    %get3A_1373 = arith.constant 0 : index
    %get3A_1374 = tpu.vector_load %arg9[%get3A_1372, %get3A_1373] {strides = array<i32>} : memref<65x16xf32, #tpu.memory_space<vmem>>, vector<16xf32>,
    %add3A_1375 = arith.addf %get3A_1370, %get3A_1374 : vector<16xf32>
    %swap3A_1376 = arith.constant 62 : i32
    %swap3A_1377 = arith.index_cast %swap3A_1376 : i32 to index
    %swap3A_1378 = arith.constant 0 : index
    %swap3A_1379 = tpu.vector_load %arg8[%swap3A_1377, %swap3A_1378] {strides = array<i32>} : memref<65x16xf32, #tpu.memory_space<vmem>>, vector<16xf32>,
    tpu.vector_store %arg8[%swap3A_1377, %swap3A_1378], %add3A_1375 {strides = array<i32>} : memref<65x16xf32, #tpu.memory_space<vmem>>, vector<16xf32>,
    %get3A_1380 = arith.constant 63 : i32
    %get3A_1381 = arith.index_cast %get3A_1380 : i32 to index
    %get3A_1382 = arith.constant 0 : index
    %get3A_1383 = tpu.vector_load %arg8[%get3A_1381, %get3A_1382] {strides = array<i32>} : memref<65x16xf32, #tpu.memory_space<vmem>>, vector<16xf32>,
    %get3A_1384 = arith.constant 63 : i32
    %get3A_1385 = arith.index_cast %get3A_1384 : i32 to index
    %get3A_1386 = arith.constant 0 : index
    %get3A_1387 = tpu.vector_load %arg9[%get3A_1385, %get3A_1386] {strides = array<i32>} : memref<65x16xf32, #tpu.memory_space<vmem>>, vector<16xf32>,
    %add3A_1388 = arith.addf %get3A_1383, %get3A_1387 : vector<16xf32>
    %swap3A_1389 = arith.constant 63 : i32
    %swap3A_1390 = arith.index_cast %swap3A_1389 : i32 to index
    %swap3A_1391 = arith.constant 0 : index
    %swap3A_1392 = tpu.vector_load %arg8[%swap3A_1390, %swap3A_1391] {strides = array<i32>} : memref<65x16xf32, #tpu.memory_space<vmem>>, vector<16xf32>,
    tpu.vector_store %arg8[%swap3A_1390, %swap3A_1391], %add3A_1388 {strides = array<i32>} : memref<65x16xf32, #tpu.memory_space<vmem>>, vector<16xf32>,
    %get3A_1393 = arith.constant 64 : i32
    %get3A_1394 = arith.index_cast %get3A_1393 : i32 to index
    %get3A_1395 = arith.constant 0 : index
    %get3A_1396 = tpu.vector_load %arg8[%get3A_1394, %get3A_1395] {strides = array<i32>} : memref<65x16xf32, #tpu.memory_space<vmem>>, vector<16xf32>,
    %get3A_1397 = arith.constant 64 : i32
    %get3A_1398 = arith.index_cast %get3A_1397 : i32 to index
    %get3A_1399 = arith.constant 0 : index
    %get3A_1400 = tpu.vector_load %arg9[%get3A_1398, %get3A_1399] {strides = array<i32>} : memref<65x16xf32, #tpu.memory_space<vmem>>, vector<16xf32>,
    %add3A_1401 = arith.addf %get3A_1396, %get3A_1400 : vector<16xf32>
    %swap3A_1402 = arith.constant 64 : i32
    %swap3A_1403 = arith.index_cast %swap3A_1402 : i32 to index
    %swap3A_1404 = arith.constant 0 : index
    %swap3A_1405 = tpu.vector_load %arg8[%swap3A_1403, %swap3A_1404] {strides = array<i32>} : memref<65x16xf32, #tpu.memory_space<vmem>>, vector<16xf32>,
    tpu.vector_store %arg8[%swap3A_1403, %swap3A_1404], %add3A_1401 {strides = array<i32>} : memref<65x16xf32, #tpu.memory_space<vmem>>, vector<16xf32>,
    "tpu.region"() ({
      %run_scoped3A = tpu.sem_alloc : memref<!tpu.dma_semaphore, #tpu.memory_space<semaphore_mem>>
      %dma_start3A_1406 = arith.constant 0 : i32
      %dma_start3A_1407 = arith.constant 0 : i32
      %dma_start3A_1408 = tpu.memref_slice %arg4[%add3A, %dma_start3A_1406, %dma_start3A_1407] : memref<32x65x16xf32, #tpu.memory_space<hbm>> -> memref<1x65x16xf32, #tpu.memory_space<hbm>>
      %dma_start3A_1409 = tpu.memref_squeeze %dma_start3A_1408 : memref<1x65x16xf32, #tpu.memory_space<hbm>> -> memref<65x16xf32, #tpu.memory_space<hbm>>
      %dma_start3A_1410 = arith.constant 0 : i32
      %dma_start3A_1411 = arith.constant 0 : i32
      %dma_start3A_1412 = tpu.memref_slice %arg4[%add3A, %dma_start3A_1410, %dma_start3A_1411] : memref<32x65x16xf32, #tpu.memory_space<hbm>> -> memref<1x65x16xf32, #tpu.memory_space<hbm>>
      %dma_start3A_1413 = tpu.memref_squeeze %dma_start3A_1412 : memref<1x65x16xf32, #tpu.memory_space<hbm>> -> memref<65x16xf32, #tpu.memory_space<hbm>>
      tpu.enqueue_dma source(%arg8 : memref<65x16xf32, #tpu.memory_space<vmem>>) target(%dma_start3A_1413 : memref<65x16xf32, #tpu.memory_space<hbm>>) target_semaphore(%run_scoped3A : memref<!tpu.dma_semaphore, #tpu.memory_space<semaphore_mem>>)
      %dma_wait3A = arith.constant 0 : i32
      %dma_wait3A_1414 = arith.constant 0 : i32
      %dma_wait3A_1415 = tpu.memref_slice %arg4[%add3A, %dma_wait3A, %dma_wait3A_1414] : memref<32x65x16xf32, #tpu.memory_space<hbm>> -> memref<1x65x16xf32, #tpu.memory_space<hbm>>
      %dma_wait3A_1416 = tpu.memref_squeeze %dma_wait3A_1415 : memref<1x65x16xf32, #tpu.memory_space<hbm>> -> memref<65x16xf32, #tpu.memory_space<hbm>>
      %dma_wait3A_1417 = arith.constant 0 : i32
      %dma_wait3A_1418 = arith.constant 0 : i32
      %dma_wait3A_1419 = tpu.memref_slice %arg4[%add3A, %dma_wait3A_1417, %dma_wait3A_1418] : memref<32x65x16xf32, #tpu.memory_space<hbm>> -> memref<1x65x16xf32, #tpu.memory_space<hbm>>
      %dma_wait3A_1420 = tpu.memref_squeeze %dma_wait3A_1419 : memref<1x65x16xf32, #tpu.memory_space<hbm>> -> memref<65x16xf32, #tpu.memory_space<hbm>>
      tpu.wait_dma2 semaphore(%run_scoped3A : memref<!tpu.dma_semaphore, #tpu.memory_space<semaphore_mem>>) src(%arg8 : memref<65x16xf32, #tpu.memory_space<vmem>>) dst(%dma_wait3A_1420 : memref<65x16xf32, #tpu.memory_space<hbm>>)
      tpu.yield
    }) : () -> ()
    return
  }
}

module attributes {stable_mosaic.version = 14 : i64} {
  func.func @_fin_body(%arg0: memref<32x65x16xf32, #tpu.memory_space<vmem>>, %arg1: memref<1x64xf32, #tpu.memory_space<vmem>>, %arg2: memref<2x16xf32, #tpu.memory_space<vmem>>, %arg3: memref<1x1xf32, #tpu.memory_space<vmem>>) attributes {dimension_semantics = [], scalar_prefetch = 0 : i64, scratch_operands = 0 : i64, tpu.core_type = #tpu.core_type<tc>} {
    %get3A = arith.constant 0 : index
    %get3A_0 = arith.constant 0 : index
    %get3A_1 = arith.constant 0 : index
    %get3A_2 = vector.load %arg0[%get3A, %get3A_0, %get3A_1] : memref<32x65x16xf32, #tpu.memory_space<vmem>>, vector<32x65x16xf32>
    %reduce_sum3A = arith.constant dense<0.000000e+00> : vector<65x16xf32>
    %reduce_sum3A_3 = vector.multi_reduction <add>, %get3A_2, %reduce_sum3A [0] : vector<32x65x16xf32> to vector<65x16xf32>
    %reduce_sum3A_4 = arith.constant dense<0.000000e+00> : vector<65xf32>
    %reduce_sum3A_5 = vector.multi_reduction <add>, %reduce_sum3A_3, %reduce_sum3A_4 [1] : vector<65x16xf32> to vector<65xf32>
    %iota3A = tpu.iota {dimensions = array<i32: 1>} : vector<1x64xi32>
    %iota3A_6 = vector.shape_cast %iota3A : vector<1x64xi32> to vector<64xi32>
    %eq3A = arith.constant 63 : i32
    %eq3A_7 = vector.broadcast %eq3A : i32 to vector<64xi32>
    %eq3A_8 = arith.cmpi eq, %iota3A_6, %eq3A_7 : vector<64xi32>
    %slice3A = vector.extract_strided_slice %reduce_sum3A_5 {offsets = [0], sizes = [64], strides = [1]} : vector<65xf32> to vector<64xf32>
    %slice3A_9 = vector.extract_strided_slice %reduce_sum3A_5 {offsets = [64], sizes = [1], strides = [1]} : vector<65xf32> to vector<1xf32>
    %squeeze3A = vector.extract %slice3A_9[0] : f32 from vector<1xf32>
    %jit3A = arith.constant 0.000000e+00 : f32
    %broadcast_in_dim3A = vector.broadcast %squeeze3A : f32 to vector<64xf32>
    %broadcast_in_dim3A_10 = vector.broadcast %jit3A : f32 to vector<64xf32>
    %select_n3A = arith.select %eq3A_8, %broadcast_in_dim3A, %broadcast_in_dim3A_10 : vector<64xi1>, vector<64xf32>
    %add3A = arith.addf %slice3A, %select_n3A : vector<64xf32>
    %get3A_11 = arith.constant 0 : index
    %get3A_12 = arith.constant 0 : index
    %get3A_13 = vector.load %arg2[%get3A_11, %get3A_12] : memref<2x16xf32, #tpu.memory_space<vmem>>, vector<1x1xf32>
    %get3A_14 = vector.extract %get3A_13[0, 0] : f32 from vector<1x1xf32>
    %get3A_15 = arith.constant 1 : index
    %get3A_16 = arith.constant 0 : index
    %get3A_17 = vector.load %arg2[%get3A_15, %get3A_16] : memref<2x16xf32, #tpu.memory_space<vmem>>, vector<1x1xf32>
    %get3A_18 = vector.extract %get3A_17[0, 0] : f32 from vector<1x1xf32>
    %sub3A = arith.subf %get3A_18, %get3A_14 : f32
    %le3A = arith.constant 0.000000e+00 : f32
    %le3A_19 = arith.cmpf ole, %sub3A, %le3A : f32
    %mul3A = arith.constant 4.096000e+03 : f32
    %mul3A_20 = arith.constant 4.096000e+03 : f32
    %mul3A_21 = arith.mulf %mul3A, %mul3A_20 : f32
    %jit3A_22 = arith.constant 0.000000e+00 : f32
    %broadcast_in_dim3A_23 = vector.broadcast %mul3A_21 : f32 to vector<64xf32>
    %broadcast_in_dim3A_24 = vector.broadcast %jit3A_22 : f32 to vector<64xf32>
    %select_n3A_25 = arith.select %eq3A_8, %broadcast_in_dim3A_23, %broadcast_in_dim3A_24 : vector<64xi1>, vector<64xf32>
    %select_n3A_26 = arith.select %le3A_19, %select_n3A_25, %add3A : vector<64xf32>
    %logistic3A = arith.negf %select_n3A_26 : vector<64xf32>
    %logistic3A_27 = math.exp %logistic3A : vector<64xf32>
    %logistic3A_28 = arith.constant 1.000000e+00 : f32
    %logistic3A_29 = vector.broadcast %logistic3A_28 : f32 to vector<64xf32>
    %logistic3A_30 = arith.addf %logistic3A_29, %logistic3A_27 : vector<64xf32>
    %logistic3A_31 = arith.divf %logistic3A_29, %logistic3A_30 : vector<64xf32>
    %get3A_32 = arith.constant 0 : index
    %get3A_33 = arith.constant 0 : index
    %get3A_34 = vector.load %arg1[%get3A_32, %get3A_33] : memref<1x64xf32, #tpu.memory_space<vmem>>, vector<1x64xf32>
    %get3A_35 = vector.shape_cast %get3A_34 : vector<1x64xf32> to vector<64xf32>
    %mul3A_36 = arith.mulf %logistic3A_31, %get3A_35 : vector<64xf32>
    %reduce_sum3A_37 = vector.shape_cast %mul3A_36 : vector<64xf32> to vector<1x64xf32>
    %reduce_sum3A_38 = arith.constant dense<0.000000e+00> : vector<1xf32>
    %reduce_sum3A_39 = vector.multi_reduction <add>, %reduce_sum3A_37, %reduce_sum3A_38 [1] : vector<1x64xf32> to vector<1xf32>
    %reduce_sum3A_40 = vector.shape_cast %reduce_sum3A_39 : vector<1xf32> to vector<1x1xf32>
    %reduce_sum3A_41 = vector.extract %reduce_sum3A_40[0, 0] : f32 from vector<1x1xf32>
    %logistic3A_42 = arith.negf %reduce_sum3A_41 : f32
    %logistic3A_43 = math.exp %logistic3A_42 : f32
    %logistic3A_44 = arith.constant 1.000000e+00 : f32
    %logistic3A_45 = arith.addf %logistic3A_44, %logistic3A_43 : f32
    %logistic3A_46 = arith.divf %logistic3A_44, %logistic3A_45 : f32
    %reshape3A = vector.broadcast %logistic3A_46 : f32 to vector<1x1xf32>
    %swap3A = arith.constant 0 : index
    %swap3A_47 = arith.constant 0 : index
    %swap3A_48 = vector.load %arg3[%swap3A, %swap3A_47] : memref<1x1xf32, #tpu.memory_space<vmem>>, vector<1x1xf32>
    tpu.vector_store %arg3[%swap3A, %swap3A_47], %reshape3A {strides = array<i32>} : memref<1x1xf32, #tpu.memory_space<vmem>>, vector<1x1xf32>,
    return
  }
}

module attributes {stable_mosaic.version = 14 : i64} {
  func.func @_mm_body(%arg0: i32, %arg1: memref<512x128xf32, #tpu.memory_space<vmem>>, %arg2: memref<4096x128xf32, #tpu.memory_space<vmem>>, %arg3: memref<512x4096xf32, #tpu.memory_space<vmem>>, %arg4: memref<2x16xf32, #tpu.memory_space<vmem>>, %arg5: memref<2xf32, #tpu.memory_space<smem>>) attributes {dimension_semantics = [#tpu.dimension_semantics<arbitrary>], iteration_bounds = array<i64: 8>, scalar_prefetch = 0 : i64, scratch_operands = 1 : i64, tpu.core_type = #tpu.core_type<tc>, window_params = [{transform_indices = @transform_0, window_bounds = array<i64: 512, 128>}, {pipeline_mode = #tpu.pipeline_mode<synchronous>, transform_indices = @transform_1, window_bounds = array<i64: 4096, 128>}, {transform_indices = @transform_2, window_bounds = array<i64: 512, 4096>}, {pipeline_mode = #tpu.pipeline_mode<synchronous>, transform_indices = @transform_3, window_bounds = array<i64: 2, 16>}]} {
    %get3A = arith.constant 0 : index
    %get3A_0 = arith.constant 0 : index
    %get3A_1 = vector.load %arg1[%get3A, %get3A_0] : memref<512x128xf32, #tpu.memory_space<vmem>>, vector<512x128xf32>
    %get3A_2 = arith.constant 0 : index
    %get3A_3 = arith.constant 0 : index
    %get3A_4 = vector.load %arg2[%get3A_2, %get3A_3] : memref<4096x128xf32, #tpu.memory_space<vmem>>, vector<4096x128xf32>
    %dot_general3A = arith.constant dense<0.000000e+00> : vector<512x4096xf32>
    %dot_general3A_5 = tpu.matmul %get3A_1, %get3A_4, %dot_general3A {dimension_numbers = #tpu.dot_dimension_numbers<[1], [1], [0], [0], [0, 0, 1, 0], [], []>, transpose_lhs_hint = false} : vector<512x128xf32>, vector<4096x128xf32>, vector<512x4096xf32> -> vector<512x4096xf32>
    %swap3A = arith.constant 0 : index
    %swap3A_6 = arith.constant 0 : index
    %swap3A_7 = vector.load %arg3[%swap3A, %swap3A_6] : memref<512x4096xf32, #tpu.memory_space<vmem>>, vector<512x4096xf32>
    tpu.vector_store %arg3[%swap3A, %swap3A_6], %dot_general3A_5 {strides = array<i32>} : memref<512x4096xf32, #tpu.memory_space<vmem>>, vector<512x4096xf32>,
    %reduce_min3A = vector.shape_cast %dot_general3A_5 : vector<512x4096xf32> to vector<1x512x4096xf32>
    %reduce_min3A_8 = arith.constant dense<0x7F800000> : vector<1xf32>
    %reduce_min3A_9 = vector.multi_reduction <minimumf>, %reduce_min3A, %reduce_min3A_8 [1, 2] : vector<1x512x4096xf32> to vector<1xf32>
    %reduce_min3A_10 = vector.shape_cast %reduce_min3A_9 : vector<1xf32> to vector<1x1x1xf32>
    %reduce_min3A_11 = vector.extract %reduce_min3A_10[0, 0, 0] : f32 from vector<1x1x1xf32>
    %reduce_max3A = vector.shape_cast %dot_general3A_5 : vector<512x4096xf32> to vector<1x512x4096xf32>
    %reduce_max3A_12 = arith.constant dense<0xFF800000> : vector<1xf32>
    %reduce_max3A_13 = vector.multi_reduction <maximumf>, %reduce_max3A, %reduce_max3A_12 [1, 2] : vector<1x512x4096xf32> to vector<1xf32>
    %reduce_max3A_14 = vector.shape_cast %reduce_max3A_13 : vector<1xf32> to vector<1x1x1xf32>
    %reduce_max3A_15 = vector.extract %reduce_max3A_14[0, 0, 0] : f32 from vector<1x1x1xf32>
    %eq3A = arith.constant 0 : i32
    %eq3A_16 = arith.cmpi eq, %arg0, %eq3A : i32
    %convert_element_type3A = arith.extui %eq3A_16 : i1 to i32
    %cond3A = arith.constant 0 : i32
    %cond3A_17 = arith.cmpi ne, %convert_element_type3A, %cond3A : i32
    scf.if %cond3A_17 {
      %swap3A_33 = arith.constant 0 : index
      %swap3A_34 = memref.load %arg5[%swap3A_33] : memref<2xf32, #tpu.memory_space<smem>>
      memref.store %reduce_min3A_11, %arg5[%swap3A_33] : memref<2xf32, #tpu.memory_space<smem>>
      %swap3A_35 = arith.constant 1 : index
      %swap3A_36 = memref.load %arg5[%swap3A_35] : memref<2xf32, #tpu.memory_space<smem>>
      memref.store %reduce_max3A_15, %arg5[%swap3A_35] : memref<2xf32, #tpu.memory_space<smem>>
    } else {
    }
    %gt3A = arith.constant 0 : i32
    %gt3A_18 = arith.cmpi sgt, %arg0, %gt3A : i32
    %convert_element_type3A_19 = arith.extui %gt3A_18 : i1 to i32
    %cond3A_20 = arith.constant 0 : i32
    %cond3A_21 = arith.cmpi ne, %convert_element_type3A_19, %cond3A_20 : i32
    scf.if %cond3A_21 {
      %get3A_33 = arith.constant 0 : index
      %get3A_34 = memref.load %arg5[%get3A_33] : memref<2xf32, #tpu.memory_space<smem>>
      %min3A = arith.minimumf %get3A_34, %reduce_min3A_11 : f32
      %swap3A_35 = arith.constant 0 : index
      %swap3A_36 = memref.load %arg5[%swap3A_35] : memref<2xf32, #tpu.memory_space<smem>>
      memref.store %min3A, %arg5[%swap3A_35] : memref<2xf32, #tpu.memory_space<smem>>
      %get3A_37 = arith.constant 1 : index
      %get3A_38 = memref.load %arg5[%get3A_37] : memref<2xf32, #tpu.memory_space<smem>>
      %max3A = arith.maximumf %get3A_38, %reduce_max3A_15 : f32
      %swap3A_39 = arith.constant 1 : index
      %swap3A_40 = memref.load %arg5[%swap3A_39] : memref<2xf32, #tpu.memory_space<smem>>
      memref.store %max3A, %arg5[%swap3A_39] : memref<2xf32, #tpu.memory_space<smem>>
    } else {
    }
    %get3A_22 = arith.constant 0 : index
    %get3A_23 = memref.load %arg5[%get3A_22] : memref<2xf32, #tpu.memory_space<smem>>
    %broadcast_in_dim3A = vector.broadcast %get3A_23 : f32 to vector<1x16xf32>
    %swap3A_24 = arith.constant 0 : index
    %swap3A_25 = arith.constant 0 : index
    %swap3A_26 = vector.load %arg4[%swap3A_24, %swap3A_25] : memref<2x16xf32, #tpu.memory_space<vmem>>, vector<1x16xf32>
    tpu.vector_store %arg4[%swap3A_24, %swap3A_25], %broadcast_in_dim3A {strides = array<i32>} : memref<2x16xf32, #tpu.memory_space<vmem>>, vector<1x16xf32>,
    %get3A_27 = arith.constant 1 : index
    %get3A_28 = memref.load %arg5[%get3A_27] : memref<2xf32, #tpu.memory_space<smem>>
    %broadcast_in_dim3A_29 = vector.broadcast %get3A_28 : f32 to vector<1x16xf32>
    %swap3A_30 = arith.constant 1 : index
    %swap3A_31 = arith.constant 0 : index
    %swap3A_32 = vector.load %arg4[%swap3A_30, %swap3A_31] : memref<2x16xf32, #tpu.memory_space<vmem>>, vector<1x16xf32>
    tpu.vector_store %arg4[%swap3A_30, %swap3A_31], %broadcast_in_dim3A_29 {strides = array<i32>} : memref<2x16xf32, #tpu.memory_space<vmem>>, vector<1x16xf32>,
    return
  }
  func.func @transform_0(%arg0: i32) -> (i32, i32) {
    %c0_i32 = arith.constant 0 : i32
    %c0_i32_0 = arith.constant 0 : i32
    return %arg0, %c0_i32 : i32, i32
  }
  func.func @transform_1(%arg0: i32) -> (i32, i32) {
    %c0_i32 = arith.constant 0 : i32
    %c0_i32_0 = arith.constant 0 : i32
    %c0_i32_1 = arith.constant 0 : i32
    return %c0_i32, %c0_i32_0 : i32, i32
  }
  func.func @transform_2(%arg0: i32) -> (i32, i32) {
    %c0_i32 = arith.constant 0 : i32
    %c0_i32_0 = arith.constant 0 : i32
    return %arg0, %c0_i32 : i32, i32
  }
  func.func @transform_3(%arg0: i32) -> (i32, i32) {
    %c0_i32 = arith.constant 0 : i32
    %c0_i32_0 = arith.constant 0 : i32
    %c0_i32_1 = arith.constant 0 : i32
    return %c0_i32, %c0_i32_0 : i32, i32
  }
}

</mosaic_0001>

<sc_bundles>
// kernel: kernel.5.cloned.1.call-start
scs
__scs_entry_jumppad:
0x0: {  	(pc) =	sbr.rel $0x88, $3  }
0x1: {  	(tag) =	ssettag $0x0;
	lr =	simm.s32 $0x1  }
0x2: {  	[smem:$0x3F9E] =	sst lr;
	_ =	strace $0xD0000000  }
0x3: {  	_ = 	snop  }
0x4: {  	_ = 	snop  }
0x5: {  	_ = 	snop  }
0x6: {  	_ = 	snop  }
0x7: {  	_ = 	snop  }
__scs_overlays_trampoline_lowered:
0x8: {  	[smem:$0x3FAD] =	sst s0  }
0x9: {  	[smem:$0x3FAE] =	sst s1  }
0xa: {  	[smem:$0x3FAF] =	sst s2  }
0xb: {  	[smem:$0x3FB0] =	sst s3  }
0xc: {  	[smem:$0x3FB1] =	sst s4  }
0xd: {  	[smem:$0x3FB2] =	sst s5  }
0xe: {  	[smem:$0x3FB3] =	sst s6  }
0xf: {  	[smem:$0x3FB4] =	sst s7  }
0x10: {  	[smem:$0x3FB5] =	sst s8  }
0x11: {  	[smem:$0x3FB6] =	sst s9;
	s0 =	simm.s32 @!p0 $0x0  }
0x12: {  	s1 =	sld [smem:$0x3F9C];
	s0 =	simm.s32 @p0 $0x1  }
0x13: {  	[smem:$0x3FB7] =	sst s0;
	s0 =	simm.s32 @!p1 $0x0  }
0x14: {  	s2 =	sld [smem:$0x3F9B];
	s0 =	simm.s32 @p1 $0x1  }
0x15: {  	[smem:$0x3FB8] =	sst s0;
	s0 =	simm.s32 @!p2 $0x0  }
0x16: {  	s3 =	sld [smem:$0x3FDB];
	s0 =	simm.s32 @p2 $0x1  }
0x17: {  	s4 =	simm.s32 $0x1BF5;
	[smem:$0x3FBA] =	sst s0  }
0x18: {  	s0 =	sld [smem:$0x3F9D];
	_ =	swait.ge [sflag:s4], $0x0  }
0x19: {  	s7 =	sld [smem:$0x3F9E]  }
0x1a: {  	s8 =	sadd.s32 $0xFFFFE003, lr  }
0x1b: {  	s9 =	sadd.s32 $0xFFFFFEF7, lr;
	s5 =	simm.s32 $0xFFFFFFFF;
	p2 =	slt.u32 s8, $0xFFFFF086  }
0x1c: {  	p1 =	slt.u32 s9, $0xF7A;
	s5 =	simm.s32 @!p2 $0x0  }
0x1d: {  	s5 =	simm.s32 @p1 $0x1;
	p0 =	seq.s32 s7, s2  }
0x1e: {  	s7 =	smul.u32 @!p0 $0xF7A, s2;
	p2 =	seq.s32 @!p0 s5, $0x0  }
0x1f: {  	s9 =	smul.u32 $0xF7A, s1;
	s8 =	simm.s32 @!p0 $0x1BF5;
	p2 =	por !p2, p0  }
0x20: {  	[sflag:s8] =	ssyncset.s32 @!p0 $0xFFFFF086;
	s6 =	sadd.s32 @!p0 s3, s7;
	s7 =	simm.s32 @!p0 $0x108  }
0x21: {  	s3 =	sadd.s32 s3, s9;
	s6 =	sadd.s32 @!p0 $0x88, s6;
	s7 =	simm.s32 @p2 $0x1082  }
0x22: {  	[simem:s7], [sflag:s8] =	dma.local @!p0 [hbm:s6], $0xF7A  }
0x23: {  	s9 =	sor.u32 $0xD0000000, s2;
	s6 =	simm.s32 $0x108;
	_ =	swait.ge @!p0 [sflag:s8], $0x0  }
0x24: {  	s3 =	sadd.s32 $0x88, s3;
	s6 =	simm.s32 @!p1 $0x1082;
	[sflag:s4] =	ssyncset.s32 $0xFFFFF086  }
0x25: {  	[simem:s6], [sflag:s4] =	dma.local [hbm:s3], $0xF7A  }
0x26: {  	[smem:$0x3F9E] =	sst s1;
	(tag) =	ssettag s2;
	_ =	strace s9  }
0x27: {  	s1 =	sld [smem:$0x3FAE]  }
0x28: {  	s2 =	sld [smem:$0x3FAF]  }
0x29: {  	s4 =	sld [smem:$0x3FB1]  }
0x2a: {  	p0 =	seq.s32 s5, $0x0;
	s5 =	sld [smem:$0x3FB2]  }
0x2b: {  	s6 =	sld [smem:$0x3FB3]  }
0x2c: {  	s7 =	sld [smem:$0x3FB4]  }
0x2d: {  	s3 =	simm.s32 $0x108;
	s8 =	sld [smem:$0x3FB5]  }
0x2e: {  	s3 =	simm.s32 @!p0 $0x1082;
	s9 =	sld [smem:$0x3FB6]  }
0x2f: {  	lr =	sadd.s32 s0, s3;
	s0 =	sld [smem:$0x3FAD]  }
0x30: {  	s3 =	sld [smem:$0x3FB0]  }
0x31: {  	[smem:$0x3FB9] =	sst s10  }
0x32: {  	s10 =	sld [smem:$0x3FB7];
	_ =	sdelay $0x3  }
0x33: {  	p0 =	seq.s32 s10, $0x1;
	s10 =	sld [smem:$0x3FB9];
	_ =	sdelay $0x3  }
0x34: {  	[smem:$0x3FB9] =	sst s10  }
0x35: {  	s10 =	sld [smem:$0x3FB8];
	_ =	sdelay $0x3  }
0x36: {  	p1 =	seq.s32 s10, $0x1;
	s10 =	sld [smem:$0x3FB9];
	_ =	sdelay $0x3  }
0x37: {  	[smem:$0x3FB9] =	sst s10  }
0x38: {  	s10 =	sld [smem:$0x3FBA]  }
0x39: {  	_ = 	snop;
	(pc) =	sbr.ind lr, $3  }
0x3a: {  	_ = 	snop  }
0x3b: {  	_ = 	snop  }
0x3c: {  	p2 =	seq.s32 s10, $0x1;
	s10 =	sld [smem:$0x3FB9]  }
0x3d: {  	_ =	shalt  }
0x3e: {  	_ =	shalt  }
0x3f: {  	_ =	shalt  }
0x40: {  	_ =	shalt  }
0x41: {  	_ =	shalt  }
0x42: {  	_ =	shalt  }
0x43: {  	_ =	shalt  }
0x44: {  	_ =	shalt  }
0x45: {  	_ =	shalt  }
0x46: {  	_ =	shalt  }
0x47: {  	_ =	shalt  }
0x48: {  	_ =	shalt  }
0x49: {  	_ =	shalt  }
0x4a: {  	_ =	shalt  }
0x4b: {  	_ =	shalt  }
0x4c: {  	_ =	shalt  }
0x4d: {  	_ =	shalt  }
0x4e: {  	_ =	shalt  }
0x4f: {  	_ =	shalt  }
0x50: {  	_ =	shalt  }
0x51: {  	_ =	shalt  }
0x52: {  	_ =	shalt  }
0x53: {  	_ =	shalt  }
0x54: {  	_ =	shalt  }
0x55: {  	_ =	shalt  }
0x56: {  	_ =	shalt  }
0x57: {  	_ =	shalt  }
0x58: {  	_ =	shalt  }
0x59: {  	_ =	shalt  }
0x5a: {  	_ =	shalt  }
0x5b: {  	_ =	shalt  }
0x5c: {  	_ =	shalt  }
0x5d: {  	_ =	shalt  }
0x5e: {  	_ =	shalt  }
0x5f: {  	_ =	shalt  }
0x60: {  	_ =	shalt  }
0x61: {  	_ =	shalt  }
0x62: {  	_ =	shalt  }
0x63: {  	_ =	shalt  }
0x64: {  	_ =	shalt  }
0x65: {  	_ =	shalt  }
0x66: {  	_ =	shalt  }
0x67: {  	_ =	shalt  }
0x68: {  	_ =	shalt  }
0x69: {  	_ =	shalt  }
0x6a: {  	_ =	shalt  }
0x6b: {  	_ =	shalt  }
0x6c: {  	_ =	shalt  }
0x6d: {  	_ =	shalt  }
0x6e: {  	_ =	shalt  }
0x6f: {  	_ =	shalt  }
0x70: {  	_ =	shalt  }
0x71: {  	_ =	shalt  }
0x72: {  	_ =	shalt  }
0x73: {  	_ =	shalt  }
0x74: {  	_ =	shalt  }
0x75: {  	_ =	shalt  }
0x76: {  	_ =	shalt  }
0x77: {  	_ =	shalt  }
0x78: {  	_ =	shalt  }
0x79: {  	_ =	shalt  }
0x7a: {  	_ =	shalt  }
0x7b: {  	_ =	shalt  }
0x7c: {  	_ =	shalt  }
0x7d: {  	_ =	shalt  }
0x7e: {  	_ =	shalt  }
0x7f: {  	_ =	shalt  }
0x80: {  	_ =	shalt  }
0x81: {  	_ =	shalt  }
0x82: {  	_ =	shalt  }
0x83: {  	_ =	shalt  }
0x84: {  	_ =	shalt  }
0x85: {  	_ =	shalt  }
0x86: {  	_ =	shalt  }
0x87: {  	_ =	shalt  }
.Lfunc_end0:
.L_simem_size_0:
called_computation_lowered:
.L_overlay_start_0:
0x88: {  	s2 =	sld [smem:$0x3FD9]  }
0x89: {  	s3 =	sld [smem:$0x3FFE];
	_ =	sdelay $0x1  }
0x8a: {  	s1 =	srdreg.scid  }
0x8b: {  	s0 =	sand.u32 $0x1, s1  }
0x8c: {  	s16 =	sshll.u32 s0, $0xA;
	s2 =	sadd.s32 s3, s2  }
0x8d: {  	s2 =	sadd.s32 s2, s16  }
0x8e: {  	[smem:$0x3FC5] =	sst s2  }
0x8f: {  	_ = 	snop  }
0x90: {  	(tm) =	ssettm $0x1  }
0x91: {  	s17 =	sld [smem:$0x3FFB];
	_ =	sdelay $0x3  }
0x92: {  	_ =	strace s17  }
0x93: {  	s2 =	sld [smem:$0x3FFC];
	_ =	sdelay $0x3  }
0x94: {  	_ =	strace s2  }
0x95: {  	s2 =	sld [smem:$0x3FFD];
	_ =	sdelay $0x3  }
0x96: {  	_ =	strace s2  }
0x97: {  	_ =	strace $0x8FFFFFFF  }
0x98: {  	s18 =	sld [smem:$0x3FDB];
	_ =	sdelay $0x1  }
0x99: {  	s19 =	simm.s32 $_scs_section_size  }
0x9a: {  	s4 =	simm.s32 $_size__tile_overlayer_lowered;
	s5 =	simm.s32 $_tile_overlayer_lowered  }
0x9b: {  	s22 =	simm.s32 $0x1BFF;
	s21 =	sshll.u32 s5, $0x1;
	s2 =	sadd.s32 s19, s18  }
0x9c: {  	s6 =	simm.s32 $0x0;
	s20 =	sshll.u32 s4, $0x1;
	s4 =	sadd.s32 s21, s2  }
0x9d: {  	[timem:s6], [sflag:s22] =	dma.local [hbm:s4], s20  }
0x9e: {  	_ =	swait.ge [sflag:s22], s20  }
0x9f: {  	s3 =	ssub.s32 $0x0, s20;
	[sflag:s22] =	ssyncset.done $0x0  }
0xa0: {  	[sflag:s22] =	ssyncadd.s32 s3;
	_ =	sdelay $0x1  }
0xa1: {  	s23 =	simm.s32 $0x1B8B  }
0xa2: {  	_ =	swait.ge [sflag:s23], $0x1  }
0xa3: {  	[sflag:s23] =	ssyncset.done $0x0  }
0xa4: {  	s25 =	simm.s32 $0x1B8E;
	s24 =	sld [smem:$0x3FFE];
	[sflag:s23] =	ssyncadd.s32 $0xFFFFFFFF  }
0xa5: {  	s26 =	simm.s32 $execute0_lowered;
	[smem:$0x3FD2] =	sst s25  }
0xa6: {  	s4 =	sshll.u32 s26, $0x1;
	_ =	strace $0x80000046;
	[dreg:$0x1] =	wrdreg $0xFFFFFFFF  }
0xa7: {  	s28 =	simm.s32 $_size_execute0_lowered;
	s2 =	sadd.s32 s2, s4;
	[dreg:$0x0] =	wrdreg $0x0  }
0xa8: {  	s4 =	sshll.u32 s28, $0x1;
	[dreg:$0x2] =	wrdreg s2  }
0xa9: {  	[dreg:$0x3] =	wrdreg s4  }
0xaa: {  	[dreg:$0x4] =	wrdreg $0xC0  }
0xab: {  	_ =	task [dreg:s6], $0x5FFFF  }
0xac: {  	[dreg:$0x1] =	wrdreg $0xFFFFFFFF  }
0xad: {  	[dreg:$0x0] =	wrdreg $0x60  }
0xae: {  	[dreg:$0x2] =	wrdreg s24  }
0xaf: {  	[dreg:$0x3] =	wrdreg $0x9  }
0xb0: {  	_ =	task.clear_ibuf [dreg:s6], $0x4FFFF;
	_ =	strace $0x90000046  }
0xb1: {  	s29 =	simm.s32 $0x9;
	_ =	strace $0x80000048  }
0xb2: {  	_ =	swait.ge [sflag:s29], $0x1  }
0xb3: {  	[sflag:s29] =	ssyncadd.s32 $0xFFFFFFFF  }
0xb4: {  	_ =	strace $0x90000048  }
0xb5: {  	_ =	sfence  }
0xb6: {  	s30 =	sld [smem:$0x0];
	_ =	sdelay $0x2  }
0xb7: {  	s31 =	sshll.u32 s1, $0xD;
	s1 =	sshrl.u32 s1, $0x2  }
0xb8: {  	s3 =	sand.u32 $0x4000, s31;
	s1 =	sadd.s32 s1, s30  }
0xb9: {  	s0 =	sor.u32 s3, s0;
	s1 =	sshll.u32 s1, $0x11  }
0xba: {  	s0 =	sor.u32 s1, s0  }
0xbb: {  	s0 =	sadd.s32 $0x8F2B, s0  }
0xbc: {  	[sflag:s0] =	ssyncadd.remote.s32 $0x1  }
0xbd: {  	_ =	sfence.sel $0xFFFF  }
0xbe: {  	[dreg:$0x0] =	wrdreg $0xFFFFFFFF;
	(pc) =	sbr.abs _section_cstart, $3  }
0xbf: {  	[dreg:$0x1] =	wrdreg $0xFFFFFFFF  }
0xc0: {  	_ =	task.clear_ibuf [dreg:s6], $0x2FFFF;
	_ =	strace $0x9FFFFFFF  }
0xc1: {  	(tm) =	ssettm $0x7FFFFFFF  }
tec
execute0_lowered:
.L_overlay_start_1:
0x0: {  	(tag) =	ssettag $0x1  }
0x1: {  	s7 =	rddreg [dreg:$0x0]  }
0x2: {  	s0 =	rddreg [dreg:$0x1];
	s2 =	simm.s32 $0x0  }
0x3: {  	s3 =	srdreg.scid;
	s1 =	stileid.u32;
	s11 =	simm.s32 $0x3  }
0x4: {  	s12 =	simm.s32 $0x100;
	s13 =	simm.s32 $0x400;
	s14 =	simm.s32 $0x2000  }
0x5: {  	s15 =	simm.s32 $0x1;
	s16 =	simm.s32 $0x4100;
	s17 =	simm.s32 $0x6500  }
0x6: {  	s18 =	simm.s32 $0x2;
	s19 =	simm.s32 $0x0;
	[smem:$0x7FF] =	sst s2  }
0x7: {  	s4 =	sand.u32 $0x1, s3;
	s5 =	sshll.u32 s1, $0x1;
	s3 =	sadd.s32 $0x1200, s7  }
.Ltmp0:
0x8: {  	_ =	strace $0x80000047;
	s5 =	sor.u32 s4, s5;
	(pc) =	sbr.rel .LBB2_1-.Ltmp0, $4  }
0x9: {  	s9 =	ssub.s32 $0x2, s4;
	s8 =	smul.u32 $0x480, s5;
	s4 =	sshll.u32 s5, $0x10  }
0xa: {  	s5 =	sadd.s32 $0x201200, s7;
	s10 =	sshrl.u32 s9, $0x1;
	s6 =	sadd.s32 s3, s4  }
0xb: {  	s9 =	ssub.s32 s9, s10;
	s10 =	simm.s32 $0x4000;
	s8 =	sadd.s32 s8, s7  }
0xc: {  	v0 =	vimm.f32 $0.0e+00;
	v1 =	vlaneseq.u32;
	v2 =	vimm.f32 $1.000000000e+00;
	s7 =	sadd.s32 $0x20, s6;
	s9 =	smax.u32 s9, $0x1;
	s8 =	sadd.s32 $0x201400, s8  }
.LBB2_12:
0xd: {  	v3 =	vld [tilespmem:$0x4100]  }
0xe: {  	v4 =	vld [tilespmem:$0x6500]  }
0xf: {  	v5 =	vld [tilespmem:$0x4180]  }
0x10: {  	v6 =	vld [tilespmem:$0x6580]  }
0x11: {  	v7 =	vld [tilespmem:$0x4200]  }
0x12: {  	v8 =	vld [tilespmem:$0x6600]  }
0x13: {  	v9 =	vld [tilespmem:$0x4280]  }
0x14: {  	v10 =	vld [tilespmem:$0x6680]  }
0x15: {  	v11 =	vld [tilespmem:$0x4300]  }
0x16: {  	v12 =	vld [tilespmem:$0x6700]  }
0x17: {  	v13 =	vld [tilespmem:$0x4380]  }
0x18: {  	v14 =	vld [tilespmem:$0x6780]  }
0x19: {  	v15 =	vld [tilespmem:$0x4400]  }
0x1a: {  	v16 =	vld [tilespmem:$0x6800]  }
0x1b: {  	v17 =	vld [tilespmem:$0x4480]  }
0x1c: {  	v18 =	vld [tilespmem:$0x6880]  }
0x1d: {  	v19 =	vld [tilespmem:$0x4500]  }
0x1e: {  	v20 =	vld [tilespmem:$0x6900]  }
0x1f: {  	v21 =	vld [tilespmem:$0x4580]  }
0x20: {  	v22 =	vld [tilespmem:$0x6980]  }
0x21: {  	v23 =	vld [tilespmem:$0x4600]  }
0x22: {  	v24 =	vld [tilespmem:$0x6A00]  }
0x23: {  	v25 =	vld [tilespmem:$0x4680]  }
0x24: {  	v26 =	vld [tilespmem:$0x6A80]  }
0x25: {  	v27 =	vld [tilespmem:$0x4700]  }
0x26: {  	v28 =	vld [tilespmem:$0x6B00]  }
0x27: {  	v29 =	vld [tilespmem:$0x4780]  }
0x28: {  	v30 =	vld [tilespmem:$0x6B80]  }
0x29: {  	v31 =	vld [tilespmem:$0x4800]  }
0x2a: {  	v32 =	vld [tilespmem:$0x6C00]  }
0x2b: {  	v33 =	vld [tilespmem:$0x4880]  }
0x2c: {  	v34 =	vld [tilespmem:$0x6C80]  }
0x2d: {  	v35 =	vld [tilespmem:$0x4900]  }
0x2e: {  	v36 =	vld [tilespmem:$0x6D00]  }
0x2f: {  	v37 =	vld [tilespmem:$0x4980]  }
0x30: {  	v38 =	vld [tilespmem:$0x6D80]  }
0x31: {  	v39 =	vld [tilespmem:$0x4A00]  }
0x32: {  	v40 =	vld [tilespmem:$0x6E00]  }
0x33: {  	v41 =	vld [tilespmem:$0x4A80]  }
0x34: {  	v42 =	vld [tilespmem:$0x6E80]  }
0x35: {  	v43 =	vld [tilespmem:$0x4B00]  }
0x36: {  	v44 =	vld [tilespmem:$0x6F00]  }
0x37: {  	v45 =	vld [tilespmem:$0x4B80]  }
0x38: {  	v46 =	vld [tilespmem:$0x6F80]  }
0x39: {  	v47 =	vld [tilespmem:$0x4C00]  }
0x3a: {  	v48 =	vld [tilespmem:$0x7000]  }
0x3b: {  	v49 =	vld [tilespmem:$0x4C80]  }
0x3c: {  	v50 =	vld [tilespmem:$0x7080]  }
0x3d: {  	v51 =	vld [tilespmem:$0x4D00]  }
0x3e: {  	v52 =	vld [tilespmem:$0x7100]  }
0x3f: {  	v53 =	vld [tilespmem:$0x4D80]  }
0x40: {  	v54 =	vld [tilespmem:$0x7180]  }
0x41: {  	v55 =	vld [tilespmem:$0x4E00]  }
0x42: {  	v56 =	vld [tilespmem:$0x7200]  }
0x43: {  	v57 =	vld [tilespmem:$0x4E80]  }
0x44: {  	v58 =	vld [tilespmem:$0x7280]  }
0x45: {  	v61 =	vld [tilespmem:$0x4F80]  }
0x46: {  	v59 =	vld [tilespmem:$0x4F00]  }
0x47: {  	v60 =	vld [tilespmem:$0x7300]  }
0x48: {  	v62 =	vld [tilespmem:$0x7380]  }
0x49: {  	v63 =	vld [tilespmem:$0x7400]  }
0x4a: {  	[tilespmem:$0x1FF70] =	vst v61;
	v61 =	vld [tilespmem:$0x5000]  }
0x4b: {  	v3 =	vadd.f32 v4, v3;
	v4 =	vld [tilespmem:$0x5280]  }
0x4c: {  	v5 =	vadd.f32 v6, v5;
	v6 =	vld [tilespmem:$0x7680]  }
0x4d: {  	v14 =	vadd.f32 v14, v13;
	v13 =	vld [tilespmem:$0x5480];
	[tilespmem:$0x4100] =	vst v3  }
0x4e: {  	v18 =	vadd.f32 v18, v17;
	v17 =	vld [tilespmem:$0x5580];
	v3 =	vadd.f32 v8, v7;
	[tilespmem:$0x4180] =	vst v5  }
0x4f: {  	v22 =	vadd.f32 v22, v21;
	v21 =	vld [tilespmem:$0x5680];
	[tilespmem:$0x4380] =	vst v14  }
0x50: {  	v26 =	vadd.f32 v26, v25;
	v25 =	vld [tilespmem:$0x5780];
	[tilespmem:$0x4200] =	vst v3  }
0x51: {  	v3 =	vadd.f32 v12, v11;
	[tilespmem:$0x1FF80] =	vst v61;
	v61 =	vld [tilespmem:$0x5080]  }
0x52: {  	v30 =	vadd.f32 v30, v29;
	v34 =	vadd.f32 v34, v33;
	v29 =	vld [tilespmem:$0x5880];
	[tilespmem:$0x4480] =	vst v18  }
0x53: {  	v37 =	vadd.f32 v38, v37;
	v33 =	vld [tilespmem:$0x5980];
	[tilespmem:$0x4300] =	vst v3;
	v3 =	vadd.f32 v16, v15  }
0x54: {  	v38 =	vadd.f32 v42, v41;
	v41 =	vadd.f32 v54, v53;
	v54 =	vld [tilespmem:$0x7F80];
	[tilespmem:$0x4580] =	vst v22  }
0x55: {  	v42 =	vadd.f32 v58, v57;
	v57 =	vld [tilespmem:$0x8000];
	[tilespmem:$0x4400] =	vst v3;
	v3 =	vadd.f32 v20, v19  }
0x56: {  	v58 =	vld [tilespmem:$0x5C80];
	[tilespmem:$0x1FF90] =	vst v61  }
0x57: {  	v61 =	vld [tilespmem:$0x7480];
	[tilespmem:$0x4500] =	vst v3;
	v3 =	vadd.f32 v24, v23  }
0x58: {  	v7 =	vld [tilespmem:$0x5300];
	[tilespmem:$0x4680] =	vst v26  }
0x59: {  	v8 =	vld [tilespmem:$0x7700];
	[tilespmem:$0x4600] =	vst v3;
	v3 =	vadd.f32 v28, v27  }
0x5a: {  	v5 =	vadd.f32 v10, v9;
	v9 =	vld [tilespmem:$0x5380];
	[tilespmem:$0x4780] =	vst v30  }
0x5b: {  	v10 =	vld [tilespmem:$0x7780];
	[tilespmem:$0x4700] =	vst v3;
	v3 =	vadd.f32 v32, v31  }
0x5c: {  	v14 =	vld [tilespmem:$0x7880];
	[tilespmem:$0x1FFA0] =	vst v61  }
0x5d: {  	v61 =	vld [tilespmem:$0x5100];
	[tilespmem:$0x4800] =	vst v3;
	v3 =	vadd.f32 v36, v35  }
0x5e: {  	v18 =	vld [tilespmem:$0x7980];
	[tilespmem:$0x4880] =	vst v34  }
0x5f: {  	v22 =	vld [tilespmem:$0x7A80];
	[tilespmem:$0x4900] =	vst v3;
	v3 =	vadd.f32 v40, v39  }
0x60: {  	[tilespmem:$0x4980] =	vst v37;
	v26 =	vld [tilespmem:$0x7B80]  }
0x61: {  	v30 =	vld [tilespmem:$0x7C80];
	[tilespmem:$0x4A00] =	vst v3;
	v3 =	vadd.f32 v44, v43  }
0x62: {  	v34 =	vld [tilespmem:$0x7D80];
	[tilespmem:$0x1FFB0] =	vst v61  }
0x63: {  	v61 =	vld [tilespmem:$0x7500];
	[tilespmem:$0x4B00] =	vst v3;
	v3 =	vadd.f32 v48, v47  }
0x64: {  	[tilespmem:$0x4D80] =	vst v41;
	v37 =	vld [tilespmem:$0x5A80]  }
0x65: {  	v41 =	vld [tilespmem:$0x5E00];
	[tilespmem:$0x4C00] =	vst v3;
	v3 =	vadd.f32 v52, v51  }
0x66: {  	v11 =	vld [tilespmem:$0x5400]  }
0x67: {  	v12 =	vld [tilespmem:$0x7800];
	[tilespmem:$0x4D00] =	vst v3;
	v3 =	vadd.f32 v56, v55  }
0x68: {  	v15 =	vld [tilespmem:$0x5500];
	[tilespmem:$0x1FFC0] =	vst v61  }
0x69: {  	v61 =	vld [tilespmem:$0x5180];
	[tilespmem:$0x4E00] =	vst v3;
	v3 =	vadd.f32 v60, v59  }
0x6a: {  	v16 =	vld [tilespmem:$0x7900]  }
0x6b: {  	[tilespmem:$0x4F00] =	vst v3;
	v3 =	vld [tilespmem:$0x1FF80]  }
0x6c: {  	v19 =	vld [tilespmem:$0x5600]  }
0x6d: {  	v53 =	vadd.f32 v10, v9;
	v20 =	vld [tilespmem:$0x7A00]  }
0x6e: {  	[tilespmem:$0x1FFD0] =	vst v61;
	v61 =	vld [tilespmem:$0x7580]  }
0x6f: {  	[tilespmem:$0x5380] =	vst v53;
	v53 =	vld [tilespmem:$0x6000]  }
0x70: {  	v23 =	vld [tilespmem:$0x5700];
	v3 =	vadd.f32 v63, v3  }
0x71: {  	v39 =	vadd.f32 v46, v45;
	v46 =	vld [tilespmem:$0x1FFC0]  }
0x72: {  	[tilespmem:$0x5000] =	vst v3;
	v3 =	vld [tilespmem:$0x1FFB0]  }
0x73: {  	[tilespmem:$0x1FFE0] =	vst v61;
	v61 =	vld [tilespmem:$0x5200]  }
0x74: {  	v24 =	vld [tilespmem:$0x7B00]  }
0x75: {  	v27 =	vld [tilespmem:$0x5800]  }
0x76: {  	v28 =	vld [tilespmem:$0x7C00]  }
0x77: {  	[tilespmem:$0x4A80] =	vst v38;
	v31 =	vld [tilespmem:$0x5900];
	v3 =	vadd.f32 v46, v3  }
0x78: {  	[tilespmem:$0x1FFF0] =	vst v61;
	v61 =	vld [tilespmem:$0x7600]  }
0x79: {  	[tilespmem:$0x5100] =	vst v3;
	v3 =	vld [tilespmem:$0x1FFF0]  }
0x7a: {  	[tilespmem:$0x4E80] =	vst v42;
	v4 =	vadd.f32 v6, v4;
	v32 =	vld [tilespmem:$0x7D00]  }
0x7b: {  	[tilespmem:$0x4280] =	vst v5;
	v26 =	vadd.f32 v26, v25;
	v35 =	vld [tilespmem:$0x5A00]  }
0x7c: {  	[tilespmem:$0x5280] =	vst v4;
	v42 =	vadd.f32 v30, v29;
	v43 =	vld [tilespmem:$0x1FF70]  }
0x7d: {  	[tilespmem:$0x5780] =	vst v26;
	v36 =	vld [tilespmem:$0x7E00]  }
0x7e: {  	[tilespmem:$0x5880] =	vst v42;
	v45 =	vld [tilespmem:$0x1FFA0];
	v3 =	vadd.f32 v61, v3  }
0x7f: {  	v40 =	vadd.f32 v50, v49;
	v49 =	vld [tilespmem:$0x7E80];
	[tilespmem:$0x4B80] =	vst v39  }
0x80: {  	v50 =	vld [tilespmem:$0x5B00];
	[tilespmem:$0x5200] =	vst v3;
	v3 =	vadd.f32 v8, v7  }
0x81: {  	[tilespmem:$0x4C80] =	vst v40;
	v44 =	vld [tilespmem:$0x1FF90];
	v5 =	vadd.f32 v62, v43  }
0x82: {  	v40 =	vld [tilespmem:$0x8180];
	[tilespmem:$0x5300] =	vst v3;
	v3 =	vadd.f32 v12, v11  }
0x83: {  	v51 =	vld [tilespmem:$0x7F00];
	v62 =	vadd.f32 v22, v21;
	[tilespmem:$0x4F80] =	vst v5  }
0x84: {  	v52 =	vld [tilespmem:$0x5B80];
	[tilespmem:$0x5400] =	vst v3;
	v3 =	vadd.f32 v16, v15  }
0x85: {  	v43 =	vld [tilespmem:$0x8200];
	v56 =	vadd.f32 v14, v13;
	[tilespmem:$0x5680] =	vst v62  }
0x86: {  	v55 =	vld [tilespmem:$0x5C00];
	[tilespmem:$0x5500] =	vst v3;
	v3 =	vadd.f32 v20, v19  }
0x87: {  	v5 =	vadd.f32 v45, v44;
	[tilespmem:$0x5480] =	vst v56;
	v47 =	vld [tilespmem:$0x1FFD0]  }
0x88: {  	v48 =	vld [tilespmem:$0x1FFE0];
	[tilespmem:$0x5600] =	vst v3;
	v3 =	vadd.f32 v24, v23  }
0x89: {  	v44 =	vld [tilespmem:$0x5E80];
	v59 =	vadd.f32 v18, v17;
	[tilespmem:$0x5080] =	vst v5  }
0x8a: {  	v60 =	vld [tilespmem:$0x8080];
	[tilespmem:$0x5700] =	vst v3;
	v3 =	vadd.f32 v28, v27  }
0x8b: {  	v45 =	vadd.f32 v34, v33;
	v56 =	vld [tilespmem:$0x6080];
	[tilespmem:$0x5580] =	vst v59  }
0x8c: {  	v59 =	vld [tilespmem:$0x6100];
	[tilespmem:$0x5800] =	vst v3;
	v3 =	vadd.f32 v32, v31  }
0x8d: {  	[tilespmem:$0x5980] =	vst v45;
	v63 =	vld [tilespmem:$0x8100];
	v5 =	vadd.f32 v48, v47  }
0x8e: {  	v47 =	vld [tilespmem:$0x5F00];
	[tilespmem:$0x5900] =	vst v3;
	v3 =	vadd.f32 v36, v35  }
0x8f: {  	v48 =	vadd.f32 v49, v37;
	[tilespmem:$0x5180] =	vst v5;
	v61 =	vld [tilespmem:$0x5D00]  }
0x90: {  	v46 =	vld [tilespmem:$0x8280];
	[tilespmem:$0x5A00] =	vst v3;
	v3 =	vadd.f32 v51, v50  }
0x91: {  	v49 =	vld [tilespmem:$0x8300];
	[tilespmem:$0x5A80] =	vst v48;
	v51 =	vadd.f32 v54, v52  }
0x92: {  	v24 =	vld [tilespmem:$0x5D80];
	[tilespmem:$0x5B00] =	vst v3;
	v3 =	vadd.f32 v57, v55  }
0x93: {  	v50 =	vld [tilespmem:$0x5F80];
	v54 =	vadd.f32 v60, v58;
	[tilespmem:$0x5B80] =	vst v51  }
0x94: {  	v52 =	vld [tilespmem:$0x8380];
	[tilespmem:$0x5C00] =	vst v3;
	v3 =	vadd.f32 v63, v61  }
0x95: {  	v60 =	vadd.f32 v46, v44;
	v55 =	vld [tilespmem:$0x8400];
	[tilespmem:$0x5C80] =	vst v54  }
0x96: {  	v58 =	vld [tilespmem:$0x8480];
	[tilespmem:$0x5D00] =	vst v3;
	v3 =	vadd.f32 v43, v41  }
0x97: {  	v57 =	vadd.f32 v40, v24;
	[tilespmem:$0x5E80] =	vst v60;
	v61 =	vld [tilespmem:$0x8500]  }
0x98: {  	[tilespmem:$0x5E00] =	vst v3;
	v3 =	vadd.f32 v49, v47  }
0x99: {  	[tilespmem:$0x5D80] =	vst v57;
	v62 =	vadd.f32 v52, v50  }
0x9a: {  	[tilespmem:$0x5F00] =	vst v3;
	v3 =	vadd.f32 v55, v53  }
0x9b: {  	v63 =	vadd.f32 v58, v56;
	[tilespmem:$0x5F80] =	vst v62  }
0x9c: {  	s19 =	sadd.s32 $0x1, s19;
	[tilespmem:$0x6000] =	vst v3;
	v3 =	vadd.f32 v61, v59  }
0x9d: {  	p0 =	sne.s32 s19, s9;
	[tilespmem:$0x6080] =	vst v63  }
.Ltmp1:
0x9e: {  	[tilespmem:$0x6100] =	vst v3;
	(pc) =	sbr.rel @!p0 .LBB2_13-.Ltmp1, $4  }
0x9f: {  	[hbm4b:s8+s2] =	stream.linear.scatter [tilespmem:s16], [sflag:$0x3], $0x2080, $0x38;
	[tilespmem:$0x8900] =	vst v63  }
0xa0: {  	_ =	swait.ge [sflag:s11], $0x2080  }
0xa1: {  	[sflag:s11] =	ssyncset.done $0x0  }
0xa2: {  	[sflag:s11] =	ssyncadd.s32 $0xFFFFDF80  }
.LBB2_1:
0xa3: {  	[tilespmem:s10], [sflag:$0x3] =	stream.linear.gather [hbm4b:s5+s2], $0x100, $0x38;
	[tilespmem:$0x8900] =	vst v63  }
0xa4: {  	_ =	swait.ge [sflag:s11], $0x100  }
0xa5: {  	[sflag:s11] =	ssyncset.done $0x0  }
0xa6: {  	[sflag:s11] =	ssyncadd.s32 $0xFFFFFF00  }
0xa7: {  	[tilespmem:$0x4100] =	vst v0  }
0xa8: {  	[tilespmem:$0x6500] =	vst v0  }
0xa9: {  	[tilespmem:$0x4180] =	vst v0  }
0xaa: {  	[tilespmem:$0x6580] =	vst v0  }
0xab: {  	[tilespmem:$0x4200] =	vst v0  }
0xac: {  	[tilespmem:$0x6600] =	vst v0  }
0xad: {  	[tilespmem:$0x4280] =	vst v0  }
0xae: {  	[tilespmem:$0x6680] =	vst v0  }
0xaf: {  	[tilespmem:$0x4300] =	vst v0  }
0xb0: {  	[tilespmem:$0x6700] =	vst v0  }
0xb1: {  	[tilespmem:$0x4380] =	vst v0  }
0xb2: {  	[tilespmem:$0x6780] =	vst v0  }
0xb3: {  	[tilespmem:$0x4400] =	vst v0  }
0xb4: {  	[tilespmem:$0x6800] =	vst v0  }
0xb5: {  	[tilespmem:$0x4480] =	vst v0  }
0xb6: {  	[tilespmem:$0x6880] =	vst v0  }
0xb7: {  	[tilespmem:$0x4500] =	vst v0  }
0xb8: {  	[tilespmem:$0x6900] =	vst v0  }
0xb9: {  	[tilespmem:$0x4580] =	vst v0  }
0xba: {  	[tilespmem:$0x6980] =	vst v0  }
0xbb: {  	[tilespmem:$0x4600] =	vst v0  }
0xbc: {  	[tilespmem:$0x6A00] =	vst v0  }
0xbd: {  	[tilespmem:$0x4680] =	vst v0  }
0xbe: {  	[tilespmem:$0x6A80] =	vst v0  }
0xbf: {  	[tilespmem:$0x4700] =	vst v0  }
0xc0: {  	[tilespmem:$0x6B00] =	vst v0  }
0xc1: {  	[tilespmem:$0x4780] =	vst v0  }
0xc2: {  	[tilespmem:$0x6B80] =	vst v0  }
0xc3: {  	[tilespmem:$0x4800] =	vst v0  }
0xc4: {  	[tilespmem:$0x6C00] =	vst v0  }
0xc5: {  	[tilespmem:$0x4880] =	vst v0  }
0xc6: {  	[tilespmem:$0x6C80] =	vst v0  }
0xc7: {  	[tilespmem:$0x4900] =	vst v0  }
0xc8: {  	[tilespmem:$0x6D00] =	vst v0  }
0xc9: {  	[tilespmem:$0x4980] =	vst v0  }
0xca: {  	[tilespmem:$0x6D80] =	vst v0  }
0xcb: {  	[tilespmem:$0x4A00] =	vst v0  }
0xcc: {  	[tilespmem:$0x6E00] =	vst v0  }
0xcd: {  	[tilespmem:$0x4A80] =	vst v0  }
0xce: {  	[tilespmem:$0x6E80] =	vst v0  }
0xcf: {  	[tilespmem:$0x4B00] =	vst v0  }
0xd0: {  	[tilespmem:$0x6F00] =	vst v0  }
0xd1: {  	[tilespmem:$0x4B80] =	vst v0  }
0xd2: {  	[tilespmem:$0x6F80] =	vst v0  }
0xd3: {  	[tilespmem:$0x4C00] =	vst v0  }
0xd4: {  	[tilespmem:$0x7000] =	vst v0  }
0xd5: {  	[tilespmem:$0x4C80] =	vst v0  }
0xd6: {  	[tilespmem:$0x7080] =	vst v0  }
0xd7: {  	[tilespmem:$0x4D00] =	vst v0  }
0xd8: {  	[tilespmem:$0x7100] =	vst v0  }
0xd9: {  	[tilespmem:$0x4D80] =	vst v0  }
0xda: {  	[tilespmem:$0x7180] =	vst v0  }
0xdb: {  	[tilespmem:$0x4E00] =	vst v0  }
0xdc: {  	[tilespmem:$0x7200] =	vst v0  }
0xdd: {  	[tilespmem:$0x4E80] =	vst v0  }
0xde: {  	[tilespmem:$0x7280] =	vst v0  }
0xdf: {  	[tilespmem:$0x4F00] =	vst v0  }
0xe0: {  	[tilespmem:$0x7300] =	vst v0  }
0xe1: {  	[tilespmem:$0x4F80] =	vst v0  }
0xe2: {  	[tilespmem:$0x7380] =	vst v0  }
0xe3: {  	[tilespmem:$0x5000] =	vst v0  }
0xe4: {  	[tilespmem:$0x7400] =	vst v0  }
0xe5: {  	[tilespmem:$0x5080] =	vst v0  }
0xe6: {  	[tilespmem:$0x7480] =	vst v0  }
0xe7: {  	[tilespmem:$0x5100] =	vst v0  }
0xe8: {  	[tilespmem:$0x7500] =	vst v0  }
0xe9: {  	[tilespmem:$0x5180] =	vst v0  }
0xea: {  	[tilespmem:$0x7580] =	vst v0  }
0xeb: {  	[tilespmem:$0x5200] =	vst v0  }
0xec: {  	[tilespmem:$0x7600] =	vst v0  }
0xed: {  	[tilespmem:$0x5280] =	vst v0  }
0xee: {  	[tilespmem:$0x7680] =	vst v0  }
0xef: {  	[tilespmem:$0x5300] =	vst v0  }
0xf0: {  	[tilespmem:$0x7700] =	vst v0  }
0xf1: {  	[tilespmem:$0x5380] =	vst v0  }
0xf2: {  	[tilespmem:$0x7780] =	vst v0  }
0xf3: {  	[tilespmem:$0x5400] =	vst v0  }
0xf4: {  	[tilespmem:$0x7800] =	vst v0  }
0xf5: {  	[tilespmem:$0x5480] =	vst v0  }
0xf6: {  	[tilespmem:$0x7880] =	vst v0  }
0xf7: {  	[tilespmem:$0x5500] =	vst v0  }
0xf8: {  	[tilespmem:$0x7900] =	vst v0  }
0xf9: {  	[tilespmem:$0x5580] =	vst v0  }
0xfa: {  	[tilespmem:$0x7980] =	vst v0  }
0xfb: {  	[tilespmem:$0x5600] =	vst v0  }
0xfc: {  	[tilespmem:$0x7A00] =	vst v0  }
0xfd: {  	[tilespmem:$0x5680] =	vst v0  }
0xfe: {  	[tilespmem:$0x7A80] =	vst v0  }
0xff: {  	[tilespmem:$0x5700] =	vst v0  }
0x100: {  	[tilespmem:$0x7B00] =	vst v0  }
0x101: {  	[tilespmem:$0x5780] =	vst v0  }
0x102: {  	[tilespmem:$0x7B80] =	vst v0  }
0x103: {  	[tilespmem:$0x5800] =	vst v0  }
0x104: {  	[tilespmem:$0x7C00] =	vst v0  }
0x105: {  	[tilespmem:$0x5880] =	vst v0  }
0x106: {  	[tilespmem:$0x7C80] =	vst v0  }
0x107: {  	[tilespmem:$0x5900] =	vst v0  }
0x108: {  	[tilespmem:$0x7D00] =	vst v0  }
0x109: {  	[tilespmem:$0x5980] =	vst v0  }
0x10a: {  	[tilespmem:$0x7D80] =	vst v0  }
0x10b: {  	[tilespmem:$0x5A00] =	vst v0  }
0x10c: {  	[tilespmem:$0x7E00] =	vst v0  }
0x10d: {  	[tilespmem:$0x5A80] =	vst v0  }
0x10e: {  	[tilespmem:$0x7E80] =	vst v0  }
0x10f: {  	[tilespmem:$0x5B00] =	vst v0  }
0x110: {  	[tilespmem:$0x7F00] =	vst v0  }
0x111: {  	[tilespmem:$0x5B80] =	vst v0  }
0x112: {  	[tilespmem:$0x7F80] =	vst v0  }
0x113: {  	[tilespmem:$0x5C00] =	vst v0  }
0x114: {  	[tilespmem:$0x8000] =	vst v0  }
0x115: {  	[tilespmem:$0x5C80] =	vst v0  }
0x116: {  	[tilespmem:$0x8080] =	vst v0  }
0x117: {  	[tilespmem:$0x5D00] =	vst v0;
	v3 =	vld [tilespmem:$0x4000]  }
0x118: {  	[tilespmem:$0x8100] =	vst v0;
	v4 =	vld [tilespmem:$0x4080]  }
0x119: {  	[tilespmem:$0x5D80] =	vst v0  }
0x11a: {  	[tilespmem:$0x8180] =	vst v0  }
0x11b: {  	[tilespmem:$0x5E00] =	vst v0  }
0x11c: {  	[tilespmem:$0x8200] =	vst v0  }
0x11d: {  	[tilespmem:$0x5E80] =	vst v0;
	v4 =	vsub.f32 v4, v3  }
0x11e: {  	[tilespmem:$0x8280] =	vst v0  }
0x11f: {  	[tilespmem:$0x5F00] =	vst v0;
	v4 =	vmul.f32 $1.562500000e-02, v4  }
0x120: {  	[tilespmem:$0x8300] =	vst v0  }
0x121: {  	[tilespmem:$0x5F80] =	vst v0;
	(erf) = vrcp.f32 v4  }
0x122: {  	[tilespmem:$0x8380] =	vst v0  }
0x123: {  	[tilespmem:$0x6000] =	vst v0  }
0x124: {  	[tilespmem:$0x8400] =	vst v0  }
0x125: {  	[tilespmem:$0x6080] =	vst v0  }
0x126: {  	[tilespmem:$0x8480] =	vst v0  }
0x127: {  	[tilespmem:$0x6100] =	vst v0  }
0x128: {  	[tilespmem:$0x8500] =	vst v0;
	v5 =	vmul.f32 $6.400000000e+01, v4  }
0x129: {  	[tilespmem:s2], [sflag:$0x1] =	stream.strided.gather [hbm4b:s6+s12], $0x2000, s13, s12, $0x38;
	[tilespmem:$0x8900] =	vst v63  }
0x12a: {  	s20 =	simm.s32 $0x0;
	vm0 =	vgt.f32 v4, $0.0e+00;
	v5 =	vadd.f32 v5, v3;
	v4 =	vpop (erf)  }
0x12b: {  	[tilespmem:s14], [sflag:$0x2] =	stream.strided.gather [hbm4b:s7+s12], $0x2000, s13, s12, $0x38;
	v4 =	vnsel vm0, $0x0, v4;
	[tilespmem:$0x8900] =	vst v63  }
.LBB2_2:
0x12c: {  	_ =	swait.ge [sflag:s15], $0x2000  }
0x12d: {  	[sflag:s15] =	ssyncset.done $0x0  }
0x12e: {  	s21 =	simm.s32 $0x40;
	[sflag:s15] =	ssyncadd.s32 $0xFFFFE000  }
0x12f: {  	v9 =	vld [tilespmem:s21+$0x20]  }
0x130: {  	v10 =	vld [tilespmem:s21+$0x30]  }
0x131: {  	v11 =	vld [tilespmem:s21+$0xFFFFFFD0]  }
0x132: {  	v17 =	vld [tilespmem:s21+$0xFFFFFFE0]  }
0x133: {  	v7 =	vld [tilespmem:s21+$0x0]  }
0x134: {  	v6 =	vld [tilespmem:s21+$0x10]  }
0x135: {  	v14 =	vld [tilespmem:s21+$0xFFFFFFC0]  }
0x136: {  	v12 =	vsub.f32 v9, v3  }
0x137: {  	v13 =	vsub.f32 v10, v3  }
0x138: {  	v8 =	vld [tilespmem:s21+$0xFFFFFFF0];
	v15 =	vsub.f32 v11, v3;
	vm2 =	vle.f32 v11, v5;
	v12 =	vmul.f32 v12, v4  }
0x139: {  	v11 =	vsub.f32 v17, v3;
	v16 =	vsub.f32 v7, v3;
	v13 =	vmul.f32 v13, v4  }
0x13a: {  	v19 =	vsub.f32 v6, v3;
	v20 =	vsub.f32 v14, v3;
	v12 =	vtrunc.f32 v12  }
0x13b: {  	vm7 =	vle.f32 v9, v5;
	v13 =	vtrunc.f32 v13;
	v12 =	vcvt.f32.s32 v12  }
0x13c: {  	vm6 =	vle.f32 v10, v5;
	vm0 =	vle.f32 v14, v5;
	v13 =	vcvt.f32.s32 v13  }
0x13d: {  	v18 =	vmul.f32 v15, v4;
	v15 =	vsub.f32 v8, v3;
	v9 =	vshll.u32 v12, $0x7  }
0x13e: {  	v11 =	vmul.f32 v11, v4;
	v10 =	vshll.u32 v13, $0x7;
	v9 =	vor.u32 v1, v9  }
0x13f: {  	v20 =	vmul.f32 v20, v4;
	v14 =	vtrunc.f32 v18;
	v10 =	vor.u32 v1, v10  }
0x140: {  	v12 =	vmul.f32 v15, v4;
	v15 =	vmul.f32 v16, v4  }
0x141: {  	s22 =	simm.s32 $0x0;
	s23 =	simm.s32 $0x140;
	vm1 =	vle.f32 v17, v5;
	v13 =	vmul.f32 v19, v4;
	v16 =	vtrunc.f32 v20  }
.LBB2_3:
0x142: {  	v17 =	vld [tilespmem:s23+$0x20];
	v11 =	vtrunc.f32 v11;
	v12 =	vtrunc.f32 v12;
	vm5 =	vle.f32 v8, v5  }
0x143: {  	v8 =	vtrunc.f32 v15;
	v13 =	vtrunc.f32 v13;
	vm4 =	vle.f32 v7, v5;
	[tilespmem:v9+s16+$0x0] =	vst.idx.add.f32.msk vm7, v2  }
0x144: {  	v7 =	vcvt.f32.s32 v16;
	vm3 =	vle.f32 v6, v5;
	s21 =	simm.s32 $0xF0;
	v9 =	vcvt.f32.s32 v14;
	[tilespmem:v10+s17+$0x0] =	vst.idx.add.f32.msk vm6, v2  }
0x145: {  	s22 =	sadd.s32 $0x8, s22;
	v6 =	vcvt.f32.s32 v11;
	v11 =	vcvt.f32.s32 v12;
	vm6 =	vmmov vm2;
	v10 =	vld [tilespmem:s23+$0x30]  }
0x146: {  	p0 =	slt.u32 s22, $0xF8;
	v14 =	vcvt.f32.s32 v8;
	v13 =	vcvt.f32.s32 v13;
	v7 =	vshll.u32 v7, $0x7;
	v12 =	vld [tilespmem:s23+$0xFFFFFFD0]  }
0x147: {  	v9 =	vshll.u32 v9, $0x7;
	v6 =	vshll.u32 v6, $0x7;
	v11 =	vshll.u32 v11, $0x7;
	v18 =	vld [tilespmem:s23+$0xFFFFFFE0]  }
0x148: {  	v15 =	vor.u32 v1, v7;
	v14 =	vshll.u32 v14, $0x7;
	v13 =	vshll.u32 v13, $0x7;
	v8 =	vld [tilespmem:s23+$0xFFFFFFF0]  }
0x149: {  	v9 =	vor.u32 v1, v9;
	v19 =	vor.u32 v1, v6;
	v16 =	vsub.f32 v17, v3;
	v7 =	vld [tilespmem:s23+$0x0]  }
0x14a: {  	v21 =	vor.u32 v1, v11;
	v14 =	vor.u32 v1, v14;
	v6 =	vld [tilespmem:s23+$0x10];
	v20 =	vsub.f32 v10, v3  }
0x14b: {  	v23 =	vor.u32 v1, v13;
	v16 =	vmul.f32 v16, v4;
	v22 =	vld [tilespmem:s23+$0xFFFFFFC0];
	v11 =	vsub.f32 v12, v3  }
0x14c: {  	vm2 =	vle.f32 v12, v5;
	v12 =	vsub.f32 v18, v3;
	v13 =	vmul.f32 v20, v4  }
0x14d: {  	v20 =	vmul.f32 v11, v4;
	v24 =	vsub.f32 v8, v3;
	v11 =	vtrunc.f32 v16;
	[tilespmem:v15+s16+$0x0] =	vst.idx.add.f32.msk vm0, v2  }
0x14e: {  	v15 =	vsub.f32 v7, v3;
	v16 =	vcvt.f32.s32 v11;
	v13 =	vtrunc.f32 v13;
	[tilespmem:v9+s17+$0x0] =	vst.idx.add.f32.msk vm6, v2  }
0x14f: {  	v11 =	vmul.f32 v12, v4;
	v25 =	vsub.f32 v6, v3;
	v12 =	vcvt.f32.s32 v13;
	[tilespmem:v19+s16+$0x0] =	vst.idx.add.f32.msk vm1, v2  }
.Ltmp2:
0x150: {  	vm7 =	vle.f32 v17, v5;
	v13 =	vsub.f32 v22, v3;
	v9 =	vshll.u32 v16, $0x7;
	[tilespmem:v21+s17+$0x0] =	vst.idx.add.f32.msk vm5, v2;
	(pc) =	sbr.rel @p0 .LBB2_3-.Ltmp2, $4  }
0x151: {  	vm6 =	vle.f32 v10, v5;
	v9 =	vor.u32 v1, v9;
	v10 =	vshll.u32 v12, $0x7;
	[tilespmem:v14+s16+$0x0] =	vst.idx.add.f32.msk vm4, v2  }
0x152: {  	v12 =	vmul.f32 v24, v4;
	v14 =	vmul.f32 v13, v4;
	v10 =	vor.u32 v1, v10  }
0x153: {  	vm0 =	vle.f32 v22, v5;
	v15 =	vmul.f32 v15, v4;
	v13 =	vmul.f32 v25, v4  }
0x154: {  	s23 =	sadd.s32 $0x100, s23;
	vm1 =	vle.f32 v18, v5;
	v16 =	vtrunc.f32 v14;
	v14 =	vtrunc.f32 v20;
	[tilespmem:v23+s17+$0x0] =	vst.idx.add.f32.msk vm3, v2  }
0x155: {  	v11 =	vtrunc.f32 v11;
	v12 =	vtrunc.f32 v12  }
0x156: {  	v15 =	vtrunc.f32 v15;
	v16 =	vcvt.f32.s32 v16;
	vm3 =	vle.f32 v8, v5  }
0x157: {  	v8 =	vtrunc.f32 v13;
	v13 =	vcvt.f32.s32 v14;
	vm2 =	vmmov vm2  }
0x158: {  	vm4 =	vle.f32 v7, v5;
	v11 =	vcvt.f32.s32 v11;
	v14 =	vshll.u32 v16, $0x7  }
0x159: {  	v15 =	vcvt.f32.s32 v15;
	v13 =	vshll.u32 v13, $0x7;
	v14 =	vor.u32 v1, v14  }
0x15a: {  	v12 =	vcvt.f32.s32 v12;
	v11 =	vshll.u32 v11, $0x7;
	v13 =	vor.u32 v1, v13  }
0x15b: {  	v8 =	vcvt.f32.s32 v8;
	v7 =	vshll.u32 v15, $0x7;
	v11 =	vor.u32 v1, v11  }
0x15c: {  	[tilespmem:v9+s16+$0x0] =	vst.idx.add.f32.msk vm7, v2;
	v12 =	vshll.u32 v12, $0x7;
	v7 =	vor.u32 v1, v7  }
0x15d: {  	vm5 =	vle.f32 v6, v5;
	[tilespmem:v10+s17+$0x0] =	vst.idx.add.f32.msk vm6, v2;
	v6 =	vshll.u32 v8, $0x7;
	v9 =	vor.u32 v1, v12  }
0x15e: {  	v6 =	vor.u32 v1, v6;
	[tilespmem:v14+s16+$0x0] =	vst.idx.add.f32.msk vm0, v2  }
0x15f: {  	[tilespmem:v13+s17+$0x0] =	vst.idx.add.f32.msk vm2, v2  }
0x160: {  	[tilespmem:v11+s16+$0x0] =	vst.idx.add.f32.msk vm1, v2  }
0x161: {  	[tilespmem:v7+s16+$0x0] =	vst.idx.add.f32.msk vm4, v2  }
0x162: {  	[tilespmem:v9+s17+$0x0] =	vst.idx.add.f32.msk vm3, v2  }
0x163: {  	[tilespmem:v6+s17+$0x0] =	vst.idx.add.f32.msk vm5, v2  }
0x164: {  	v9 =	vld [tilespmem:s21+$0xFFFFFFF0]  }
0x165: {  	v10 =	vld [tilespmem:s21+$0x0]  }
0x166: {  	v11 =	vld [tilespmem:s21+$0xFFFFFFA0]  }
0x167: {  	v17 =	vld [tilespmem:s21+$0xFFFFFFB0]  }
0x168: {  	v7 =	vld [tilespmem:s21+$0xFFFFFFD0]  }
0x169: {  	v6 =	vld [tilespmem:s21+$0xFFFFFFE0]  }
0x16a: {  	v14 =	vld [tilespmem:s21+$0xFFFFFF90]  }
0x16b: {  	v12 =	vsub.f32 v9, v3  }
0x16c: {  	v13 =	vsub.f32 v10, v3  }
0x16d: {  	v8 =	vld [tilespmem:s21+$0xFFFFFFC0];
	v15 =	vsub.f32 v11, v3;
	vm2 =	vle.f32 v11, v5;
	v12 =	vmul.f32 v12, v4  }
0x16e: {  	v11 =	vsub.f32 v17, v3;
	v16 =	vsub.f32 v7, v3;
	v13 =	vmul.f32 v13, v4  }
0x16f: {  	v19 =	vsub.f32 v6, v3;
	v20 =	vsub.f32 v14, v3;
	v12 =	vtrunc.f32 v12  }
0x170: {  	vm7 =	vle.f32 v9, v5;
	v13 =	vtrunc.f32 v13;
	v12 =	vcvt.f32.s32 v12  }
0x171: {  	vm5 =	vle.f32 v10, v5;
	vm1 =	vle.f32 v14, v5;
	v13 =	vcvt.f32.s32 v13  }
0x172: {  	v18 =	vmul.f32 v15, v4;
	v15 =	vsub.f32 v8, v3;
	v9 =	vshll.u32 v12, $0x7  }
0x173: {  	v11 =	vmul.f32 v11, v4;
	v10 =	vshll.u32 v13, $0x7;
	v9 =	vor.u32 v1, v9  }
0x174: {  	v20 =	vmul.f32 v20, v4;
	v14 =	vtrunc.f32 v18;
	v10 =	vor.u32 v1, v10  }
0x175: {  	v12 =	vmul.f32 v15, v4;
	v15 =	vmul.f32 v16, v4  }
0x176: {  	s22 =	simm.s32 $0x1F0;
	s21 =	simm.s32 $0x0;
	vm0 =	vle.f32 v17, v5;
	v13 =	vmul.f32 v19, v4;
	v16 =	vtrunc.f32 v20  }
.LBB2_5:
0x177: {  	v17 =	vld [tilespmem:s22+$0xFFFFFFF0];
	v11 =	vtrunc.f32 v11;
	v12 =	vtrunc.f32 v12;
	vm6 =	vle.f32 v8, v5  }
0x178: {  	v8 =	vtrunc.f32 v15;
	v13 =	vtrunc.f32 v13;
	vm4 =	vle.f32 v7, v5;
	[tilespmem:v9+s16+$0x0] =	vst.idx.add.f32.msk vm7, v2  }
0x179: {  	v7 =	vcvt.f32.s32 v16;
	vm3 =	vle.f32 v6, v5;
	v9 =	vcvt.f32.s32 v14;
	[tilespmem:v10+s17+$0x0] =	vst.idx.add.f32.msk vm5, v2  }
0x17a: {  	s21 =	sadd.s32 $0x8, s21;
	v6 =	vcvt.f32.s32 v11;
	v11 =	vcvt.f32.s32 v12;
	vm5 =	vmmov vm2;
	v10 =	vld [tilespmem:s22+$0x0]  }
0x17b: {  	p0 =	slt.u32 s21, $0xF8;
	v14 =	vcvt.f32.s32 v8;
	v13 =	vcvt.f32.s32 v13;
	v7 =	vshll.u32 v7, $0x7;
	v12 =	vld [tilespmem:s22+$0xFFFFFFA0]  }
0x17c: {  	v9 =	vshll.u32 v9, $0x7;
	v6 =	vshll.u32 v6, $0x7;
	v11 =	vshll.u32 v11, $0x7;
	v18 =	vld [tilespmem:s22+$0xFFFFFFB0]  }
0x17d: {  	v15 =	vor.u32 v1, v7;
	v14 =	vshll.u32 v14, $0x7;
	v13 =	vshll.u32 v13, $0x7;
	v8 =	vld [tilespmem:s22+$0xFFFFFFC0]  }
0x17e: {  	v9 =	vor.u32 v1, v9;
	v19 =	vor.u32 v1, v6;
	v16 =	vsub.f32 v17, v3;
	v7 =	vld [tilespmem:s22+$0xFFFFFFD0]  }
0x17f: {  	v21 =	vor.u32 v1, v11;
	v14 =	vor.u32 v1, v14;
	v6 =	vld [tilespmem:s22+$0xFFFFFFE0];
	v20 =	vsub.f32 v10, v3  }
0x180: {  	v23 =	vor.u32 v1, v13;
	v16 =	vmul.f32 v16, v4;
	v22 =	vld [tilespmem:s22+$0xFFFFFF90];
	v11 =	vsub.f32 v12, v3  }
0x181: {  	vm2 =	vle.f32 v12, v5;
	v12 =	vsub.f32 v18, v3;
	v13 =	vmul.f32 v20, v4  }
0x182: {  	v20 =	vmul.f32 v11, v4;
	v24 =	vsub.f32 v8, v3;
	v11 =	vtrunc.f32 v16;
	[tilespmem:v15+s16+$0x0] =	vst.idx.add.f32.msk vm1, v2  }
0x183: {  	v15 =	vsub.f32 v7, v3;
	v16 =	vcvt.f32.s32 v11;
	v13 =	vtrunc.f32 v13;
	[tilespmem:v9+s17+$0x0] =	vst.idx.add.f32.msk vm5, v2  }
0x184: {  	v11 =	vmul.f32 v12, v4;
	v25 =	vsub.f32 v6, v3;
	v12 =	vcvt.f32.s32 v13;
	[tilespmem:v19+s16+$0x0] =	vst.idx.add.f32.msk vm0, v2  }
.Ltmp3:
0x185: {  	vm7 =	vle.f32 v17, v5;
	v13 =	vsub.f32 v22, v3;
	v9 =	vshll.u32 v16, $0x7;
	[tilespmem:v21+s17+$0x0] =	vst.idx.add.f32.msk vm6, v2;
	(pc) =	sbr.rel @p0 .LBB2_5-.Ltmp3, $4  }
0x186: {  	vm5 =	vle.f32 v10, v5;
	v9 =	vor.u32 v1, v9;
	v10 =	vshll.u32 v12, $0x7;
	[tilespmem:v14+s16+$0x0] =	vst.idx.add.f32.msk vm4, v2  }
0x187: {  	v12 =	vmul.f32 v24, v4;
	v14 =	vmul.f32 v13, v4;
	v10 =	vor.u32 v1, v10  }
0x188: {  	vm1 =	vle.f32 v22, v5;
	v15 =	vmul.f32 v15, v4;
	v13 =	vmul.f32 v25, v4  }
0x189: {  	s22 =	sadd.s32 $0x100, s22;
	vm0 =	vle.f32 v18, v5;
	v16 =	vtrunc.f32 v14;
	v14 =	vtrunc.f32 v20;
	[tilespmem:v23+s17+$0x0] =	vst.idx.add.f32.msk vm3, v2  }
0x18a: {  	v11 =	vtrunc.f32 v11;
	v12 =	vtrunc.f32 v12  }
0x18b: {  	v15 =	vtrunc.f32 v15;
	v16 =	vcvt.f32.s32 v16;
	vm3 =	vle.f32 v8, v5  }
0x18c: {  	v8 =	vtrunc.f32 v13;
	v13 =	vcvt.f32.s32 v14;
	vm2 =	vmmov vm2  }
0x18d: {  	vm4 =	vle.f32 v7, v5;
	v11 =	vcvt.f32.s32 v11;
	v14 =	vshll.u32 v16, $0x7  }
0x18e: {  	v15 =	vcvt.f32.s32 v15;
	v13 =	vshll.u32 v13, $0x7;
	v14 =	vor.u32 v1, v14  }
0x18f: {  	v12 =	vcvt.f32.s32 v12;
	v11 =	vshll.u32 v11, $0x7;
	v13 =	vor.u32 v1, v13  }
0x190: {  	v8 =	vcvt.f32.s32 v8;
	v7 =	vshll.u32 v15, $0x7;
	v11 =	vor.u32 v1, v11  }
0x191: {  	[tilespmem:v9+s16+$0x0] =	vst.idx.add.f32.msk vm7, v2;
	v12 =	vshll.u32 v12, $0x7;
	v7 =	vor.u32 v1, v7  }
0x192: {  	vm6 =	vle.f32 v6, v5;
	[tilespmem:v10+s17+$0x0] =	vst.idx.add.f32.msk vm5, v2;
	v6 =	vshll.u32 v8, $0x7;
	v9 =	vor.u32 v1, v12  }
0x193: {  	s21 =	sshll.u32 s20, $0x1;
	p0 =	seq.s32 s20, $0x1F;
	v6 =	vor.u32 v1, v6;
	[tilespmem:v14+s16+$0x0] =	vst.idx.add.f32.msk vm1, v2  }
0x194: {  	s22 =	sadd.s32 @!p0 $0x2, s21;
	[tilespmem:v13+s17+$0x0] =	vst.idx.add.f32.msk vm2, v2  }
0x195: {  	s23 =	sshll.u32 @!p0 s22, $0xA;
	s22 =	sshll.u32 @!p0 s22, $0x5;
	[tilespmem:v11+s16+$0x0] =	vst.idx.add.f32.msk vm0, v2  }
0x196: {  	s23 =	sadd.s32 @!p0 s4, s23;
	s22 =	sand.u32 @!p0 $0x40, s22;
	[tilespmem:v7+s16+$0x0] =	vst.idx.add.f32.msk vm4, v2  }
0x197: {  	s24 =	simm.s32 @!p0 $0x400;
	s23 =	sand.u32 @!p0 $0x3FF000, s23;
	s22 =	sadd.s32 @!p0 s3, s22;
	[tilespmem:v9+s17+$0x0] =	vst.idx.add.f32.msk vm3, v2  }
0x198: {  	s25 =	simm.s32 @!p0 $0x0;
	s22 =	sadd.s32 @!p0 s23, s22;
	s23 =	simm.s32 @!p0 $0x100;
	[tilespmem:v6+s17+$0x0] =	vst.idx.add.f32.msk vm6, v2  }
0x199: {  	[tilespmem:s25], [sflag:$0x1] =	stream.strided.gather @!p0 [hbm4b:s22+s23], $0x2000, s24, s23, $0x38;
	[tilespmem:$0x8900] =	vst v63  }
0x19a: {  	_ =	swait.ge [sflag:s18], $0x2000  }
0x19b: {  	[sflag:s18] =	ssyncset.done $0x0  }
0x19c: {  	s31 =	simm.s32 $0x2040;
	[sflag:s18] =	ssyncadd.s32 $0xFFFFE000  }
0x19d: {  	v9 =	vld [tilespmem:s31+$0x20]  }
0x19e: {  	v10 =	vld [tilespmem:s31+$0x30]  }
0x19f: {  	v11 =	vld [tilespmem:s31+$0xFFFFFFD0]  }
0x1a0: {  	v17 =	vld [tilespmem:s31+$0xFFFFFFE0]  }
0x1a1: {  	v7 =	vld [tilespmem:s31+$0x0]  }
0x1a2: {  	v6 =	vld [tilespmem:s31+$0x10]  }
0x1a3: {  	v14 =	vld [tilespmem:s31+$0xFFFFFFC0]  }
0x1a4: {  	v12 =	vsub.f32 v9, v3  }
0x1a5: {  	v13 =	vsub.f32 v10, v3  }
0x1a6: {  	v8 =	vld [tilespmem:s31+$0xFFFFFFF0];
	v15 =	vsub.f32 v11, v3;
	vm2 =	vle.f32 v11, v5;
	v12 =	vmul.f32 v12, v4  }
0x1a7: {  	v11 =	vsub.f32 v17, v3;
	v16 =	vsub.f32 v7, v3;
	v13 =	vmul.f32 v13, v4  }
0x1a8: {  	v19 =	vsub.f32 v6, v3;
	v20 =	vsub.f32 v14, v3;
	v12 =	vtrunc.f32 v12  }
0x1a9: {  	vm7 =	vle.f32 v9, v5;
	v13 =	vtrunc.f32 v13;
	v12 =	vcvt.f32.s32 v12  }
0x1aa: {  	vm6 =	vle.f32 v10, v5;
	vm0 =	vle.f32 v14, v5;
	v13 =	vcvt.f32.s32 v13  }
0x1ab: {  	v18 =	vmul.f32 v15, v4;
	v15 =	vsub.f32 v8, v3;
	v9 =	vshll.u32 v12, $0x7  }
0x1ac: {  	v11 =	vmul.f32 v11, v4;
	v10 =	vshll.u32 v13, $0x7;
	v9 =	vor.u32 v1, v9  }
0x1ad: {  	v20 =	vmul.f32 v20, v4;
	v14 =	vtrunc.f32 v18;
	v10 =	vor.u32 v1, v10  }
0x1ae: {  	v12 =	vmul.f32 v15, v4;
	v15 =	vmul.f32 v16, v4  }
0x1af: {  	s23 =	simm.s32 $0x0;
	s24 =	simm.s32 $0x2140;
	vm1 =	vle.f32 v17, v5;
	v13 =	vmul.f32 v19, v4;
	v16 =	vtrunc.f32 v20  }
.LBB2_7:
0x1b0: {  	v17 =	vld [tilespmem:s24+$0x20];
	v11 =	vtrunc.f32 v11;
	v12 =	vtrunc.f32 v12;
	vm5 =	vle.f32 v8, v5  }
0x1b1: {  	v8 =	vtrunc.f32 v15;
	v13 =	vtrunc.f32 v13;
	vm4 =	vle.f32 v7, v5;
	[tilespmem:v9+s16+$0x0] =	vst.idx.add.f32.msk vm7, v2  }
0x1b2: {  	v7 =	vcvt.f32.s32 v16;
	vm3 =	vle.f32 v6, v5;
	s22 =	simm.s32 $0x20F0;
	v9 =	vcvt.f32.s32 v14;
	[tilespmem:v10+s17+$0x0] =	vst.idx.add.f32.msk vm6, v2  }
0x1b3: {  	s23 =	sadd.s32 $0x8, s23;
	v6 =	vcvt.f32.s32 v11;
	v11 =	vcvt.f32.s32 v12;
	vm6 =	vmmov vm2;
	v10 =	vld [tilespmem:s24+$0x30]  }
0x1b4: {  	p1 =	slt.u32 s23, $0xF8;
	v14 =	vcvt.f32.s32 v8;
	v13 =	vcvt.f32.s32 v13;
	v7 =	vshll.u32 v7, $0x7;
	v12 =	vld [tilespmem:s24+$0xFFFFFFD0]  }
0x1b5: {  	v9 =	vshll.u32 v9, $0x7;
	v6 =	vshll.u32 v6, $0x7;
	v11 =	vshll.u32 v11, $0x7;
	v18 =	vld [tilespmem:s24+$0xFFFFFFE0]  }
0x1b6: {  	v15 =	vor.u32 v1, v7;
	v14 =	vshll.u32 v14, $0x7;
	v13 =	vshll.u32 v13, $0x7;
	v8 =	vld [tilespmem:s24+$0xFFFFFFF0]  }
0x1b7: {  	v9 =	vor.u32 v1, v9;
	v19 =	vor.u32 v1, v6;
	v16 =	vsub.f32 v17, v3;
	v7 =	vld [tilespmem:s24+$0x0]  }
0x1b8: {  	v21 =	vor.u32 v1, v11;
	v14 =	vor.u32 v1, v14;
	v6 =	vld [tilespmem:s24+$0x10];
	v20 =	vsub.f32 v10, v3  }
0x1b9: {  	v23 =	vor.u32 v1, v13;
	v16 =	vmul.f32 v16, v4;
	v22 =	vld [tilespmem:s24+$0xFFFFFFC0];
	v11 =	vsub.f32 v12, v3  }
0x1ba: {  	vm2 =	vle.f32 v12, v5;
	v12 =	vsub.f32 v18, v3;
	v13 =	vmul.f32 v20, v4  }
0x1bb: {  	v20 =	vmul.f32 v11, v4;
	v24 =	vsub.f32 v8, v3;
	v11 =	vtrunc.f32 v16;
	[tilespmem:v15+s16+$0x0] =	vst.idx.add.f32.msk vm0, v2  }
0x1bc: {  	v15 =	vsub.f32 v7, v3;
	v16 =	vcvt.f32.s32 v11;
	v13 =	vtrunc.f32 v13;
	[tilespmem:v9+s17+$0x0] =	vst.idx.add.f32.msk vm6, v2  }
0x1bd: {  	v11 =	vmul.f32 v12, v4;
	v25 =	vsub.f32 v6, v3;
	v12 =	vcvt.f32.s32 v13;
	[tilespmem:v19+s16+$0x0] =	vst.idx.add.f32.msk vm1, v2  }
.Ltmp4:
0x1be: {  	vm7 =	vle.f32 v17, v5;
	v13 =	vsub.f32 v22, v3;
	v9 =	vshll.u32 v16, $0x7;
	[tilespmem:v21+s17+$0x0] =	vst.idx.add.f32.msk vm5, v2;
	(pc) =	sbr.rel @p1 .LBB2_7-.Ltmp4, $4  }
0x1bf: {  	vm6 =	vle.f32 v10, v5;
	v9 =	vor.u32 v1, v9;
	v10 =	vshll.u32 v12, $0x7;
	[tilespmem:v14+s16+$0x0] =	vst.idx.add.f32.msk vm4, v2  }
0x1c0: {  	v12 =	vmul.f32 v24, v4;
	v14 =	vmul.f32 v13, v4;
	v10 =	vor.u32 v1, v10  }
0x1c1: {  	vm0 =	vle.f32 v22, v5;
	v15 =	vmul.f32 v15, v4;
	v13 =	vmul.f32 v25, v4  }
0x1c2: {  	s24 =	sadd.s32 $0x100, s24;
	vm1 =	vle.f32 v18, v5;
	v16 =	vtrunc.f32 v14;
	v14 =	vtrunc.f32 v20;
	[tilespmem:v23+s17+$0x0] =	vst.idx.add.f32.msk vm3, v2  }
0x1c3: {  	v11 =	vtrunc.f32 v11;
	v12 =	vtrunc.f32 v12  }
0x1c4: {  	v15 =	vtrunc.f32 v15;
	v16 =	vcvt.f32.s32 v16;
	vm3 =	vle.f32 v8, v5  }
0x1c5: {  	v8 =	vtrunc.f32 v13;
	v13 =	vcvt.f32.s32 v14;
	vm2 =	vmmov vm2  }
0x1c6: {  	vm4 =	vle.f32 v7, v5;
	v11 =	vcvt.f32.s32 v11;
	v14 =	vshll.u32 v16, $0x7  }
0x1c7: {  	v15 =	vcvt.f32.s32 v15;
	v13 =	vshll.u32 v13, $0x7;
	v14 =	vor.u32 v1, v14  }
0x1c8: {  	v12 =	vcvt.f32.s32 v12;
	v11 =	vshll.u32 v11, $0x7;
	v13 =	vor.u32 v1, v13  }
0x1c9: {  	v8 =	vcvt.f32.s32 v8;
	v7 =	vshll.u32 v15, $0x7;
	v11 =	vor.u32 v1, v11  }
0x1ca: {  	[tilespmem:v9+s16+$0x0] =	vst.idx.add.f32.msk vm7, v2;
	v12 =	vshll.u32 v12, $0x7;
	v7 =	vor.u32 v1, v7  }
0x1cb: {  	vm5 =	vle.f32 v6, v5;
	[tilespmem:v10+s17+$0x0] =	vst.idx.add.f32.msk vm6, v2;
	v6 =	vshll.u32 v8, $0x7;
	v9 =	vor.u32 v1, v12  }
0x1cc: {  	v6 =	vor.u32 v1, v6;
	[tilespmem:v14+s16+$0x0] =	vst.idx.add.f32.msk vm0, v2  }
0x1cd: {  	[tilespmem:v13+s17+$0x0] =	vst.idx.add.f32.msk vm2, v2  }
0x1ce: {  	[tilespmem:v11+s16+$0x0] =	vst.idx.add.f32.msk vm1, v2  }
0x1cf: {  	[tilespmem:v7+s16+$0x0] =	vst.idx.add.f32.msk vm4, v2  }
0x1d0: {  	[tilespmem:v9+s17+$0x0] =	vst.idx.add.f32.msk vm3, v2  }
0x1d1: {  	[tilespmem:v6+s17+$0x0] =	vst.idx.add.f32.msk vm5, v2  }
0x1d2: {  	v9 =	vld [tilespmem:s22+$0xFFFFFFF0]  }
0x1d3: {  	v10 =	vld [tilespmem:s22+$0x0]  }
0x1d4: {  	v11 =	vld [tilespmem:s22+$0xFFFFFFA0]  }
0x1d5: {  	v17 =	vld [tilespmem:s22+$0xFFFFFFB0]  }
0x1d6: {  	v7 =	vld [tilespmem:s22+$0xFFFFFFD0]  }
0x1d7: {  	v6 =	vld [tilespmem:s22+$0xFFFFFFE0]  }
0x1d8: {  	v14 =	vld [tilespmem:s22+$0xFFFFFF90]  }
0x1d9: {  	v12 =	vsub.f32 v9, v3  }
0x1da: {  	v13 =	vsub.f32 v10, v3  }
0x1db: {  	v8 =	vld [tilespmem:s22+$0xFFFFFFC0];
	v15 =	vsub.f32 v11, v3;
	vm2 =	vle.f32 v11, v5;
	v12 =	vmul.f32 v12, v4  }
0x1dc: {  	v11 =	vsub.f32 v17, v3;
	v16 =	vsub.f32 v7, v3;
	v13 =	vmul.f32 v13, v4  }
0x1dd: {  	v19 =	vsub.f32 v6, v3;
	v20 =	vsub.f32 v14, v3;
	v12 =	vtrunc.f32 v12  }
0x1de: {  	vm7 =	vle.f32 v9, v5;
	v13 =	vtrunc.f32 v13;
	v12 =	vcvt.f32.s32 v12  }
0x1df: {  	vm5 =	vle.f32 v10, v5;
	vm0 =	vle.f32 v14, v5;
	v13 =	vcvt.f32.s32 v13  }
0x1e0: {  	v18 =	vmul.f32 v15, v4;
	v15 =	vsub.f32 v8, v3;
	v9 =	vshll.u32 v12, $0x7  }
0x1e1: {  	v11 =	vmul.f32 v11, v4;
	v10 =	vshll.u32 v13, $0x7;
	v9 =	vor.u32 v1, v9  }
0x1e2: {  	v20 =	vmul.f32 v20, v4;
	v14 =	vtrunc.f32 v18;
	v10 =	vor.u32 v1, v10  }
0x1e3: {  	v12 =	vmul.f32 v15, v4;
	v15 =	vmul.f32 v16, v4  }
0x1e4: {  	s23 =	simm.s32 $0x21F0;
	s22 =	simm.s32 $0x0;
	vm1 =	vle.f32 v17, v5;
	v13 =	vmul.f32 v19, v4;
	v16 =	vtrunc.f32 v20  }
.LBB2_9:
0x1e5: {  	v17 =	vld [tilespmem:s23+$0xFFFFFFF0];
	v11 =	vtrunc.f32 v11;
	v12 =	vtrunc.f32 v12;
	vm6 =	vle.f32 v8, v5  }
0x1e6: {  	v8 =	vtrunc.f32 v15;
	v13 =	vtrunc.f32 v13;
	vm4 =	vle.f32 v7, v5;
	[tilespmem:v9+s16+$0x0] =	vst.idx.add.f32.msk vm7, v2  }
0x1e7: {  	v7 =	vcvt.f32.s32 v16;
	vm3 =	vle.f32 v6, v5;
	v9 =	vcvt.f32.s32 v14;
	[tilespmem:v10+s17+$0x0] =	vst.idx.add.f32.msk vm5, v2  }
0x1e8: {  	s22 =	sadd.s32 $0x8, s22;
	v6 =	vcvt.f32.s32 v11;
	v11 =	vcvt.f32.s32 v12;
	vm5 =	vmmov vm2;
	v10 =	vld [tilespmem:s23+$0x0]  }
0x1e9: {  	p1 =	slt.u32 s22, $0xF8;
	v14 =	vcvt.f32.s32 v8;
	v13 =	vcvt.f32.s32 v13;
	v7 =	vshll.u32 v7, $0x7;
	v12 =	vld [tilespmem:s23+$0xFFFFFFA0]  }
0x1ea: {  	v9 =	vshll.u32 v9, $0x7;
	v6 =	vshll.u32 v6, $0x7;
	v11 =	vshll.u32 v11, $0x7;
	v18 =	vld [tilespmem:s23+$0xFFFFFFB0]  }
0x1eb: {  	v15 =	vor.u32 v1, v7;
	v14 =	vshll.u32 v14, $0x7;
	v13 =	vshll.u32 v13, $0x7;
	v8 =	vld [tilespmem:s23+$0xFFFFFFC0]  }
0x1ec: {  	v9 =	vor.u32 v1, v9;
	v19 =	vor.u32 v1, v6;
	v16 =	vsub.f32 v17, v3;
	v7 =	vld [tilespmem:s23+$0xFFFFFFD0]  }
0x1ed: {  	v21 =	vor.u32 v1, v11;
	v14 =	vor.u32 v1, v14;
	v6 =	vld [tilespmem:s23+$0xFFFFFFE0];
	v20 =	vsub.f32 v10, v3  }
0x1ee: {  	v23 =	vor.u32 v1, v13;
	v16 =	vmul.f32 v16, v4;
	v22 =	vld [tilespmem:s23+$0xFFFFFF90];
	v11 =	vsub.f32 v12, v3  }
0x1ef: {  	vm2 =	vle.f32 v12, v5;
	v12 =	vsub.f32 v18, v3;
	v13 =	vmul.f32 v20, v4  }
0x1f0: {  	v20 =	vmul.f32 v11, v4;
	v24 =	vsub.f32 v8, v3;
	v11 =	vtrunc.f32 v16;
	[tilespmem:v15+s16+$0x0] =	vst.idx.add.f32.msk vm0, v2  }
0x1f1: {  	v15 =	vsub.f32 v7, v3;
	v16 =	vcvt.f32.s32 v11;
	v13 =	vtrunc.f32 v13;
	[tilespmem:v9+s17+$0x0] =	vst.idx.add.f32.msk vm5, v2  }
0x1f2: {  	v11 =	vmul.f32 v12, v4;
	v25 =	vsub.f32 v6, v3;
	v12 =	vcvt.f32.s32 v13;
	[tilespmem:v19+s16+$0x0] =	vst.idx.add.f32.msk vm1, v2  }
.Ltmp5:
0x1f3: {  	vm7 =	vle.f32 v17, v5;
	v13 =	vsub.f32 v22, v3;
	v9 =	vshll.u32 v16, $0x7;
	[tilespmem:v21+s17+$0x0] =	vst.idx.add.f32.msk vm6, v2;
	(pc) =	sbr.rel @p1 .LBB2_9-.Ltmp5, $4  }
0x1f4: {  	vm5 =	vle.f32 v10, v5;
	v9 =	vor.u32 v1, v9;
	v10 =	vshll.u32 v12, $0x7;
	[tilespmem:v14+s16+$0x0] =	vst.idx.add.f32.msk vm4, v2  }
0x1f5: {  	v12 =	vmul.f32 v24, v4;
	v14 =	vmul.f32 v13, v4;
	v10 =	vor.u32 v1, v10  }
0x1f6: {  	vm0 =	vle.f32 v22, v5;
	v15 =	vmul.f32 v15, v4;
	v13 =	vmul.f32 v25, v4  }
0x1f7: {  	s23 =	sadd.s32 $0x100, s23;
	vm1 =	vle.f32 v18, v5;
	v16 =	vtrunc.f32 v14;
	v14 =	vtrunc.f32 v20;
	[tilespmem:v23+s17+$0x0] =	vst.idx.add.f32.msk vm3, v2  }
0x1f8: {  	v11 =	vtrunc.f32 v11;
	v12 =	vtrunc.f32 v12  }
0x1f9: {  	v15 =	vtrunc.f32 v15;
	v16 =	vcvt.f32.s32 v16;
	vm3 =	vle.f32 v8, v5  }
0x1fa: {  	v60 =	vtrunc.f32 v13;
	v61 =	vcvt.f32.s32 v14;
	vm2 =	vmmov vm2  }
0x1fb: {  	vm4 =	vle.f32 v7, v5;
	v11 =	vcvt.f32.s32 v11;
	v62 =	vshll.u32 v16, $0x7  }
0x1fc: {  	v15 =	vcvt.f32.s32 v15;
	v13 =	vshll.u32 v61, $0x7;
	v14 =	vor.u32 v1, v62  }
0x1fd: {  	v12 =	vcvt.f32.s32 v12;
	v11 =	vshll.u32 v11, $0x7;
	v13 =	vor.u32 v1, v13  }
0x1fe: {  	v8 =	vcvt.f32.s32 v60;
	v7 =	vshll.u32 v15, $0x7;
	v11 =	vor.u32 v1, v11  }
0x1ff: {  	[tilespmem:v9+s16+$0x0] =	vst.idx.add.f32.msk vm7, v2;
	v12 =	vshll.u32 v12, $0x7;
	v7 =	vor.u32 v1, v7  }
0x200: {  	vm6 =	vle.f32 v6, v5;
	[tilespmem:v10+s17+$0x0] =	vst.idx.add.f32.msk vm5, v2;
	v6 =	vshll.u32 v8, $0x7;
	v63 =	vor.u32 v1, v12  }
0x201: {  	v6 =	vor.u32 v1, v6;
	[tilespmem:v14+s16+$0x0] =	vst.idx.add.f32.msk vm0, v2  }
.Ltmp6:
0x202: {  	[tilespmem:v13+s17+$0x0] =	vst.idx.add.f32.msk vm2, v2;
	(pc) =	sbr.rel @p0 .LBB2_12-.Ltmp6, $4  }
0x203: {  	[tilespmem:v11+s16+$0x0] =	vst.idx.add.f32.msk vm1, v2  }
0x204: {  	[tilespmem:v7+s16+$0x0] =	vst.idx.add.f32.msk vm4, v2  }
0x205: {  	[tilespmem:v63+s17+$0x0] =	vst.idx.add.f32.msk vm3, v2  }
0x206: {  	[tilespmem:v6+s17+$0x0] =	vst.idx.add.f32.msk vm6, v2  }
0x207: {  	s21 =	sadd.s32 $0x3, s21  }
.Ltmp7:
0x208: {  	s22 =	sshll.u32 s21, $0xA;
	s21 =	sshll.u32 s21, $0x5;
	(pc) =	sbr.rel .LBB2_2-.Ltmp7, $4  }
0x209: {  	s22 =	sadd.s32 s4, s22;
	s21 =	sand.u32 $0x60, s21  }
0x20a: {  	s22 =	sand.u32 $0x3FF000, s22;
	s21 =	sadd.s32 s3, s21  }
0x20b: {  	s20 =	sadd.s32 $0x1, s20;
	s21 =	sadd.s32 s22, s21  }
0x20c: {  	[tilespmem:s14], [sflag:$0x2] =	stream.strided.gather [hbm4b:s21+s12], $0x2000, s13, s12, $0x38;
	[tilespmem:$0x8900] =	vst v63  }
.LBB2_13:
0x20d: {  	_ =	sfence.sel $0x180000  }
0x20e: {  	[bflag:$0x0] =	sbarrier.arrive $0xFFFF  }
0x20f: {  	p0 =	sne.s32 s1, $0x0;
	_ =	strace $0x90000047  }
0x210: {  	s0 =	sadd.s32 @!p0 $0x100000, s0;
	[bflag:$0x2] =	sbarrier.arrive $0xFFFF  }
0x211: {  	[sflag:s0] =	ssyncadd.tile.s32 @!p0 $0x1;
	_ =	shalt  }
.Lfunc_end2:
_tile_overlayer_lowered:
.L_overlay_start_2:
0x212: {  	(tag) =	ssettag $0x2  }
0x213: {  	s0 =	rddreg [dreg:$0x0];
	s2 =	stileid.u32  }
0x214: {  	s1 =	rddreg [dreg:$0x1];
	p0 =	sne.s32 s2, $0x0  }
0x215: {  	s3 =	rddreg [dreg:$0x2];
	[bflag:$0x3] =	sbarrier.arrive $0xFFFF;
	s2 =	simm.s32 @!p0 $0x1C03  }
0x216: {  	[timem:s3], [sflag:s2] =	dma.local @!p0 [hbm:s0], s1  }
0x217: {  	s0 =	simm.s32 @!p0 $0x3  }
0x218: {  	_ =	swait.ge @!p0 [sflag:s0], s1  }
0x219: {  	s1 =	ssub.s32 @!p0 $0x0, s1;
	[sflag:s0] =	ssyncset.done @!p0 $0x0  }
0x21a: {  	[sflag:s0] =	ssyncadd.s32 @!p0 s1  }
0x21b: {  	[bflag:$0x3] =	sbarrier.arrive $0xFFFF  }
0x21c: {  	_ =	shalt  }

</sc_bundles>
